<compile_context>
chip_gen: v7x
topology: tpu7x:2x2x1
jax: 0.10.2.dev20260603
libtpu: 0.0.44.dev20260713+nightly
codegen_flags: <defaults>
</compile_context>

<pallas_src>
import functools
import math

import ml_dtypes
import numpy as np
import jax
import jax.numpy as jnp
from jax import lax
from jax.experimental import pallas as pl
from jax.experimental.pallas import tpu as pltpu
from jax.experimental.pallas import tpu_sc as plsc

_MAX_LEN = 2048
_D = 2048
_B = 2
_L = 2048

_NC = 2
_NS = 16
_NW = _NC * _NS
_LPW = _L // _NW
_CH = 1
_NCHUNK = _LPW // _CH
_NSET = 8
_LEAD = _NSET // 2
_LANES = 16


def _pos_table_np() -> np.ndarray:
    pos = np.arange(_MAX_LEN, dtype=np.float32)[:, None]
    div = np.exp(
        np.arange(0, _D, 2, dtype=np.float32) * np.float32(-math.log(10000.0) / _D)
    )
    ang = pos * div
    emb = np.zeros((_MAX_LEN, _D), dtype=np.float32)
    emb[:, 0::2] = np.sin(ang)
    emb[:, 1::2] = np.cos(ang)
    bits = emb.astype(ml_dtypes.bfloat16).view(np.uint16)
    b3 = bits.reshape(_MAX_LEN, _D // 32, 2, 16)
    packed = (b3[:, :, 1, :].astype(np.uint32) << 16) | b3[:, :, 0, :]
    return packed.reshape(_MAX_LEN, _D // 2).view(np.int32)


_POS = _pos_table_np()

_mesh = plsc.VectorSubcoreMesh(core_axis_name="c", subcore_axis_name="s")


@functools.partial(
    pl.kernel,
    mesh=_mesh,
    out_type=jax.ShapeDtypeStruct((_B * _L, _D), jnp.float32),
    scratch_types=(
        [pltpu.VMEM((_B, _LPW), jnp.int32)]
        + [
            pltpu.VMEM((_CH, _D) if i < 2 else (_CH, _D // 2),
                       jnp.float32 if i < 2 else jnp.int32)
            for _ in range(_NSET)
            for i in range(3)
        ]
        + [pltpu.SemaphoreType.DMA for _ in range(2 * _NSET)]
    ),
)
def _emb_lookup(xf_hbm, table_hbm, pos_hbm, out_hbm, idx_v, *bufs):
    wid = lax.axis_index("s") * _NC + lax.axis_index("c")
    base = wid * _LPW

    pltpu.sync_copy(xf_hbm.at[pl.ds(base, _LPW)], idx_v.at[0])
    pltpu.sync_copy(xf_hbm.at[pl.ds(_L + base, _LPW)], idx_v.at[1])

    vmem = bufs[: 3 * _NSET]
    sems = bufs[3 * _NSET:]
    sets = tuple(
        (vmem[3 * s], vmem[3 * s + 1], vmem[3 * s + 2], sems[2 * s], sems[2 * s + 1])
        for s in range(_NSET)
    )

    def in_descs(c, s):
        rows0, rows1, posb, sem_in, _ = sets[s]
        g0 = pltpu.make_async_copy(
            table_hbm.at[idx_v.at[0, pl.ds(c * _CH, _CH)]], rows0, sem_in)
        g1 = pltpu.make_async_copy(
            table_hbm.at[idx_v.at[1, pl.ds(c * _CH, _CH)]], rows1, sem_in)
        p = pltpu.make_async_copy(
            pos_hbm.at[pl.ds(base + c * _CH, _CH), :], posb, sem_in)
        return (g0, g1, p)

    def out_descs(c, s):
        rows0, rows1, _, _, sem_out = sets[s]
        o0 = pltpu.make_async_copy(
            rows0, out_hbm.at[pl.ds(base + c * _CH, _CH)], sem_out)
        o1 = pltpu.make_async_copy(
            rows1, out_hbm.at[pl.ds(_L + base + c * _CH, _CH)], sem_out)
        return (o0, o1)

    def add_pos(s):
        rows0, rows1, posb, _, _ = sets[s]

        def add_body(j, carry):
            col = j * 2 * _LANES
            for r in range(_CH):
                pv = posb[r, pl.ds(j * _LANES, _LANES)]
                pa = lax.bitcast_convert_type(pv << 16, jnp.float32)
                pb = lax.bitcast_convert_type(pv & jnp.int32(-65536), jnp.float32)
                plsc.addupdate(rows0.at[r, pl.ds(col, _LANES)], pa)
                plsc.addupdate(rows1.at[r, pl.ds(col, _LANES)], pa)
                plsc.addupdate(rows0.at[r, pl.ds(col + _LANES, _LANES)], pb)
                plsc.addupdate(rows1.at[r, pl.ds(col + _LANES, _LANES)], pb)
            return carry

        lax.fori_loop(0, _D // (2 * _LANES), add_body, 0)

    for c0 in range(_LEAD):
        for d in in_descs(c0, c0):
            d.start()

    def quad_body(q, carry):
        for s in range(_NSET):
            c = q * _NSET + s
            s2 = (s + _LEAD) % _NSET

            @pl.when(c >= _LEAD)
            def _():
                for d in out_descs(c - _LEAD, s2):
                    d.wait()

            @pl.when(c + _LEAD < _NCHUNK)
            def _():
                for d in in_descs(c + _LEAD, s2):
                    d.start()

            for d in in_descs(c, s):
                d.wait()
            add_pos(s)
            for d in out_descs(c, s):
                d.start()
        return carry

    lax.fori_loop(0, _NCHUNK // _NSET, quad_body, 0)

    for c0 in range(_NCHUNK - _LEAD, _NCHUNK):
        for d in out_descs(c0, c0 % _NSET):
            d.wait()


def kernel(x, token_table):
    xf = x.reshape(-1).astype(jnp.int32)
    out = _emb_lookup(xf, token_table, jnp.asarray(_POS))
    return out.reshape(_B, _L, _D)

# --- scband reference (transcript-rebuilt; emitter-appended) ---
"""Pipeline reference for scband-embedding-layer-43224550867550 (READ-ONLY COPY).

The authoritative reference and input builder live on the scoring server;
editing this copy changes nothing except your own understanding.
"""

import jax, jax.numpy as jnp
import numpy as np
import math

MAX_LEN = 2048
EMB_DIM = 2048
NUM_EMB = 100000
BATCH = 2
SEQ_LEN = 2048


def _pos_embedding(max_len, d):
    pos = jnp.arange(0, max_len, dtype=jnp.float32)[:, None]
    div_term = jnp.exp(jnp.arange(0, d, 2, dtype=jnp.float32) * (-math.log(10000.0) / d))
    ang = pos * div_term  # [max_len, d//2]
    emb = jnp.zeros((max_len, d), dtype=jnp.float32)
    emb = emb.at[:, 0::2].set(jnp.sin(ang))
    emb = emb.at[:, 1::2].set(jnp.cos(ang))
    return emb


def setup_inputs(seed: int = 0) -> dict:
    key = jax.random.key(seed)
    k1, k2 = jax.random.split(key)
    x = jax.random.randint(k1, (BATCH, SEQ_LEN), 0, NUM_EMB, dtype=jnp.int64 if jax.config.jax_enable_x64 else jnp.int32)
    # nn.Embedding default init: N(0, 1)
    token_table = jax.random.normal(k2, (NUM_EMB, EMB_DIM), dtype=jnp.float32)
    return {"x": x, "token_table": token_table}


def reference(x, token_table):
    L = x.shape[1]
    # TokenEmbedding: gather rows from the table -> [B, L, D]
    tok = jnp.take(token_table, x, axis=0)
    # PositionEmbedding forward: self.embedding[:, :x.size(1)] -> slice COLUMNS -> [max_len, L]
    pos = _pos_embedding(MAX_LEN, EMB_DIM)[:, :L]
    # Broadcast add [B, L, D] + [max_len, L]; valid since max_len == L == D here.
    out = tok + pos
    # Dropout in eval mode == identity
    return out

if __name__ == "__main__":
    import jax
    _d = setup_inputs()
    print(jax.jit(kernel)(*tuple(_d.values())))

</pallas_src>

<mosaic_0001>
#map = affine_map<(d0, d1) -> (0)>
#map1 = affine_map<(d0, d1) -> (0, 0)>
module attributes {stable_mosaic.version = 14 : i64} {
  func.func @_emb_lookup(%arg0: i32, %arg1: i32, %arg2: memref<4096xi32, #tpu.memory_space<hbm>>, %arg3: memref<100000x2048xf32, #tpu.memory_space<hbm>>, %arg4: memref<2048x1024xi32, #tpu.memory_space<hbm>>, %arg5: memref<4096x2048xf32, #tpu.memory_space<hbm>>, %arg6: memref<2x64xi32, #tpu.memory_space<vmem>>, %arg7: memref<1x2048xf32, #tpu.memory_space<vmem>>, %arg8: memref<1x2048xf32, #tpu.memory_space<vmem>>, %arg9: memref<1x1024xi32, #tpu.memory_space<vmem>>, %arg10: memref<1x2048xf32, #tpu.memory_space<vmem>>, %arg11: memref<1x2048xf32, #tpu.memory_space<vmem>>, %arg12: memref<1x1024xi32, #tpu.memory_space<vmem>>, %arg13: memref<1x2048xf32, #tpu.memory_space<vmem>>, %arg14: memref<1x2048xf32, #tpu.memory_space<vmem>>, %arg15: memref<1x1024xi32, #tpu.memory_space<vmem>>, %arg16: memref<1x2048xf32, #tpu.memory_space<vmem>>, %arg17: memref<1x2048xf32, #tpu.memory_space<vmem>>, %arg18: memref<1x1024xi32, #tpu.memory_space<vmem>>, %arg19: memref<1x2048xf32, #tpu.memory_space<vmem>>, %arg20: memref<1x2048xf32, #tpu.memory_space<vmem>>, %arg21: memref<1x1024xi32, #tpu.memory_space<vmem>>, %arg22: memref<1x2048xf32, #tpu.memory_space<vmem>>, %arg23: memref<1x2048xf32, #tpu.memory_space<vmem>>, %arg24: memref<1x1024xi32, #tpu.memory_space<vmem>>, %arg25: memref<1x2048xf32, #tpu.memory_space<vmem>>, %arg26: memref<1x2048xf32, #tpu.memory_space<vmem>>, %arg27: memref<1x1024xi32, #tpu.memory_space<vmem>>, %arg28: memref<1x2048xf32, #tpu.memory_space<vmem>>, %arg29: memref<1x2048xf32, #tpu.memory_space<vmem>>, %arg30: memref<1x1024xi32, #tpu.memory_space<vmem>>, %arg31: memref<!tpu.dma_semaphore, #tpu.memory_space<semaphore_mem>>, %arg32: memref<!tpu.dma_semaphore, #tpu.memory_space<semaphore_mem>>, %arg33: memref<!tpu.dma_semaphore, #tpu.memory_space<semaphore_mem>>, %arg34: memref<!tpu.dma_semaphore, #tpu.memory_space<semaphore_mem>>, %arg35: memref<!tpu.dma_semaphore, #tpu.memory_space<semaphore_mem>>, %arg36: memref<!tpu.dma_semaphore, #tpu.memory_space<semaphore_mem>>, %arg37: memref<!tpu.dma_semaphore, #tpu.memory_space<semaphore_mem>>, %arg38: memref<!tpu.dma_semaphore, #tpu.memory_space<semaphore_mem>>, %arg39: memref<!tpu.dma_semaphore, #tpu.memory_space<semaphore_mem>>, %arg40: memref<!tpu.dma_semaphore, #tpu.memory_space<semaphore_mem>>, %arg41: memref<!tpu.dma_semaphore, #tpu.memory_space<semaphore_mem>>, %arg42: memref<!tpu.dma_semaphore, #tpu.memory_space<semaphore_mem>>, %arg43: memref<!tpu.dma_semaphore, #tpu.memory_space<semaphore_mem>>, %arg44: memref<!tpu.dma_semaphore, #tpu.memory_space<semaphore_mem>>, %arg45: memref<!tpu.dma_semaphore, #tpu.memory_space<semaphore_mem>>, %arg46: memref<!tpu.dma_semaphore, #tpu.memory_space<semaphore_mem>>) attributes {dimension_semantics = [#tpu.dimension_semantics<core_parallel>, #tpu.dimension_semantics<subcore_parallel>], iteration_bounds = array<i64: 2, 16>, scalar_prefetch = 0 : i64, scratch_operands = 41 : i64, tpu.core_type = #tpu.core_type<sc_vector_subcore>, window_params = [{transform_indices = #map}, {transform_indices = #map1}, {transform_indices = #map1}, {transform_indices = #map1}]} {
    %mul3A = arith.constant 2 : i32
    %mul3A_0 = arith.muli %arg1, %mul3A : i32
    %add3A = arith.addi %mul3A_0, %arg0 : i32
    %mul3A_1 = arith.constant 64 : i32
    %mul3A_2 = arith.muli %add3A, %mul3A_1 : i32
    %run_scoped3A = arith.constant 0 : i32
    "tpu.region"() ({
      %run_scoped3A_145 = tpu.sem_alloc : memref<!tpu.dma_semaphore, #tpu.memory_space<semaphore_mem>>
      %dma_start3A_146 = arith.constant 0 : i32
      %dma_start3A_147 = tpu.memref_slice %arg6[%run_scoped3A, %dma_start3A_146] : memref<2x64xi32, #tpu.memory_space<vmem>> -> memref<1x64xi32, #tpu.memory_space<vmem>>
      %dma_start3A_148 = tpu.memref_squeeze %dma_start3A_147 : memref<1x64xi32, #tpu.memory_space<vmem>> -> memref<64xi32, #tpu.memory_space<vmem>>
      %dma_start3A_149 = tpu.memref_slice %arg2[%mul3A_2] : memref<4096xi32, #tpu.memory_space<hbm>> -> memref<64xi32, #tpu.memory_space<hbm>>
      %dma_start3A_150 = arith.constant 0 : i32
      %dma_start3A_151 = tpu.memref_slice %arg6[%run_scoped3A, %dma_start3A_150] : memref<2x64xi32, #tpu.memory_space<vmem>> -> memref<1x64xi32, #tpu.memory_space<vmem>>
      %dma_start3A_152 = tpu.memref_squeeze %dma_start3A_151 : memref<1x64xi32, #tpu.memory_space<vmem>> -> memref<64xi32, #tpu.memory_space<vmem>>
      %dma_start3A_153 = tpu.memref_slice %arg2[%mul3A_2] : memref<4096xi32, #tpu.memory_space<hbm>> -> memref<64xi32, #tpu.memory_space<hbm>>
      tpu.enqueue_dma source(%dma_start3A_153 : memref<64xi32, #tpu.memory_space<hbm>>) target(%dma_start3A_152 : memref<64xi32, #tpu.memory_space<vmem>>) target_semaphore(%run_scoped3A_145 : memref<!tpu.dma_semaphore, #tpu.memory_space<semaphore_mem>>)
      %dma_wait3A_154 = arith.constant 0 : i32
      %dma_wait3A_155 = tpu.memref_slice %arg6[%run_scoped3A, %dma_wait3A_154] : memref<2x64xi32, #tpu.memory_space<vmem>> -> memref<1x64xi32, #tpu.memory_space<vmem>>
      %dma_wait3A_156 = tpu.memref_squeeze %dma_wait3A_155 : memref<1x64xi32, #tpu.memory_space<vmem>> -> memref<64xi32, #tpu.memory_space<vmem>>
      %dma_wait3A_157 = tpu.memref_slice %arg2[%mul3A_2] : memref<4096xi32, #tpu.memory_space<hbm>> -> memref<64xi32, #tpu.memory_space<hbm>>
      %dma_wait3A_158 = arith.constant 0 : i32
      %dma_wait3A_159 = tpu.memref_slice %arg6[%run_scoped3A, %dma_wait3A_158] : memref<2x64xi32, #tpu.memory_space<vmem>> -> memref<1x64xi32, #tpu.memory_space<vmem>>
      %dma_wait3A_160 = tpu.memref_squeeze %dma_wait3A_159 : memref<1x64xi32, #tpu.memory_space<vmem>> -> memref<64xi32, #tpu.memory_space<vmem>>
      %dma_wait3A_161 = tpu.memref_slice %arg2[%mul3A_2] : memref<4096xi32, #tpu.memory_space<hbm>> -> memref<64xi32, #tpu.memory_space<hbm>>
      tpu.wait_dma2 semaphore(%run_scoped3A_145 : memref<!tpu.dma_semaphore, #tpu.memory_space<semaphore_mem>>) src(%dma_wait3A_161 : memref<64xi32, #tpu.memory_space<hbm>>) dst(%dma_wait3A_160 : memref<64xi32, #tpu.memory_space<vmem>>)
      tpu.yield
    }) : () -> ()
    %add3A_3 = arith.constant 2048 : i32
    %add3A_4 = arith.addi %add3A_3, %mul3A_2 : i32
    %run_scoped3A_5 = arith.constant 1 : i32
    "tpu.region"() ({
      %run_scoped3A_145 = tpu.sem_alloc : memref<!tpu.dma_semaphore, #tpu.memory_space<semaphore_mem>>
      %dma_start3A_146 = arith.constant 0 : i32
      %dma_start3A_147 = tpu.memref_slice %arg6[%run_scoped3A_5, %dma_start3A_146] : memref<2x64xi32, #tpu.memory_space<vmem>> -> memref<1x64xi32, #tpu.memory_space<vmem>>
      %dma_start3A_148 = tpu.memref_squeeze %dma_start3A_147 : memref<1x64xi32, #tpu.memory_space<vmem>> -> memref<64xi32, #tpu.memory_space<vmem>>
      %dma_start3A_149 = tpu.memref_slice %arg2[%add3A_4] : memref<4096xi32, #tpu.memory_space<hbm>> -> memref<64xi32, #tpu.memory_space<hbm>>
      %dma_start3A_150 = arith.constant 0 : i32
      %dma_start3A_151 = tpu.memref_slice %arg6[%run_scoped3A_5, %dma_start3A_150] : memref<2x64xi32, #tpu.memory_space<vmem>> -> memref<1x64xi32, #tpu.memory_space<vmem>>
      %dma_start3A_152 = tpu.memref_squeeze %dma_start3A_151 : memref<1x64xi32, #tpu.memory_space<vmem>> -> memref<64xi32, #tpu.memory_space<vmem>>
      %dma_start3A_153 = tpu.memref_slice %arg2[%add3A_4] : memref<4096xi32, #tpu.memory_space<hbm>> -> memref<64xi32, #tpu.memory_space<hbm>>
      tpu.enqueue_dma source(%dma_start3A_153 : memref<64xi32, #tpu.memory_space<hbm>>) target(%dma_start3A_152 : memref<64xi32, #tpu.memory_space<vmem>>) target_semaphore(%run_scoped3A_145 : memref<!tpu.dma_semaphore, #tpu.memory_space<semaphore_mem>>)
      %dma_wait3A_154 = arith.constant 0 : i32
      %dma_wait3A_155 = tpu.memref_slice %arg6[%run_scoped3A_5, %dma_wait3A_154] : memref<2x64xi32, #tpu.memory_space<vmem>> -> memref<1x64xi32, #tpu.memory_space<vmem>>
      %dma_wait3A_156 = tpu.memref_squeeze %dma_wait3A_155 : memref<1x64xi32, #tpu.memory_space<vmem>> -> memref<64xi32, #tpu.memory_space<vmem>>
      %dma_wait3A_157 = tpu.memref_slice %arg2[%add3A_4] : memref<4096xi32, #tpu.memory_space<hbm>> -> memref<64xi32, #tpu.memory_space<hbm>>
      %dma_wait3A_158 = arith.constant 0 : i32
      %dma_wait3A_159 = tpu.memref_slice %arg6[%run_scoped3A_5, %dma_wait3A_158] : memref<2x64xi32, #tpu.memory_space<vmem>> -> memref<1x64xi32, #tpu.memory_space<vmem>>
      %dma_wait3A_160 = tpu.memref_squeeze %dma_wait3A_159 : memref<1x64xi32, #tpu.memory_space<vmem>> -> memref<64xi32, #tpu.memory_space<vmem>>
      %dma_wait3A_161 = tpu.memref_slice %arg2[%add3A_4] : memref<4096xi32, #tpu.memory_space<hbm>> -> memref<64xi32, #tpu.memory_space<hbm>>
      tpu.wait_dma2 semaphore(%run_scoped3A_145 : memref<!tpu.dma_semaphore, #tpu.memory_space<semaphore_mem>>) src(%dma_wait3A_161 : memref<64xi32, #tpu.memory_space<hbm>>) dst(%dma_wait3A_160 : memref<64xi32, #tpu.memory_space<vmem>>)
      tpu.yield
    }) : () -> ()
    %add3A_6 = arith.constant 0 : i32
    %add3A_7 = arith.addi %mul3A_2, %add3A_6 : i32
    %dma_start3A = arith.constant 0 : i32
    %dma_start3A_8 = arith.constant 0 : i32
    %dma_start3A_9 = tpu.memref_slice %arg6[%dma_start3A, %dma_start3A_8] : memref<2x64xi32, #tpu.memory_space<vmem>> -> memref<1x1xi32, #tpu.memory_space<vmem>>
    %dma_start3A_10 = tpu.memref_squeeze %dma_start3A_9 : memref<1x1xi32, #tpu.memory_space<vmem>> -> memref<1xi32, #tpu.memory_space<vmem>>
    %dma_start3A_11 = arith.constant 0 : i32
    %dma_start3A_12 = arith.constant 0 : i32
    %dma_start3A_13 = tpu.memref_slice %arg3[%dma_start3A_11, %dma_start3A_12] : memref<100000x2048xf32, #tpu.memory_space<hbm>> -> memref<100000x2048xf32, #tpu.memory_space<hbm>>
    tpu.enqueue_indirect_dma source(%dma_start3A_13 : memref<100000x2048xf32, #tpu.memory_space<hbm>>) target(%arg7 : memref<1x2048xf32, #tpu.memory_space<vmem>>) offsets(%dma_start3A_10 : memref<1xi32, #tpu.memory_space<vmem>>) semaphore(%arg31 : memref<!tpu.dma_semaphore, #tpu.memory_space<semaphore_mem>>)
    %dma_start3A_14 = arith.constant 1 : i32
    %dma_start3A_15 = arith.constant 0 : i32
    %dma_start3A_16 = tpu.memref_slice %arg6[%dma_start3A_14, %dma_start3A_15] : memref<2x64xi32, #tpu.memory_space<vmem>> -> memref<1x1xi32, #tpu.memory_space<vmem>>
    %dma_start3A_17 = tpu.memref_squeeze %dma_start3A_16 : memref<1x1xi32, #tpu.memory_space<vmem>> -> memref<1xi32, #tpu.memory_space<vmem>>
    %dma_start3A_18 = arith.constant 0 : i32
    %dma_start3A_19 = arith.constant 0 : i32
    %dma_start3A_20 = tpu.memref_slice %arg3[%dma_start3A_18, %dma_start3A_19] : memref<100000x2048xf32, #tpu.memory_space<hbm>> -> memref<100000x2048xf32, #tpu.memory_space<hbm>>
    tpu.enqueue_indirect_dma source(%dma_start3A_20 : memref<100000x2048xf32, #tpu.memory_space<hbm>>) target(%arg8 : memref<1x2048xf32, #tpu.memory_space<vmem>>) offsets(%dma_start3A_17 : memref<1xi32, #tpu.memory_space<vmem>>) semaphore(%arg31 : memref<!tpu.dma_semaphore, #tpu.memory_space<semaphore_mem>>)
    %dma_start3A_21 = arith.constant 0 : i32
    %dma_start3A_22 = tpu.memref_slice %arg4[%add3A_7, %dma_start3A_21] : memref<2048x1024xi32, #tpu.memory_space<hbm>> -> memref<1x1024xi32, #tpu.memory_space<hbm>>
    %dma_start3A_23 = arith.constant 0 : i32
    %dma_start3A_24 = tpu.memref_slice %arg4[%add3A_7, %dma_start3A_23] : memref<2048x1024xi32, #tpu.memory_space<hbm>> -> memref<1x1024xi32, #tpu.memory_space<hbm>>
    tpu.enqueue_dma source(%dma_start3A_24 : memref<1x1024xi32, #tpu.memory_space<hbm>>) target(%arg9 : memref<1x1024xi32, #tpu.memory_space<vmem>>) target_semaphore(%arg31 : memref<!tpu.dma_semaphore, #tpu.memory_space<semaphore_mem>>)
    %add3A_25 = arith.constant 1 : i32
    %add3A_26 = arith.addi %mul3A_2, %add3A_25 : i32
    %dma_start3A_27 = arith.constant 0 : i32
    %dma_start3A_28 = arith.constant 1 : i32
    %dma_start3A_29 = tpu.memref_slice %arg6[%dma_start3A_27, %dma_start3A_28] : memref<2x64xi32, #tpu.memory_space<vmem>> -> memref<1x1xi32, #tpu.memory_space<vmem>>
    %dma_start3A_30 = tpu.memref_squeeze %dma_start3A_29 : memref<1x1xi32, #tpu.memory_space<vmem>> -> memref<1xi32, #tpu.memory_space<vmem>>
    %dma_start3A_31 = arith.constant 0 : i32
    %dma_start3A_32 = arith.constant 0 : i32
    %dma_start3A_33 = tpu.memref_slice %arg3[%dma_start3A_31, %dma_start3A_32] : memref<100000x2048xf32, #tpu.memory_space<hbm>> -> memref<100000x2048xf32, #tpu.memory_space<hbm>>
    tpu.enqueue_indirect_dma source(%dma_start3A_33 : memref<100000x2048xf32, #tpu.memory_space<hbm>>) target(%arg10 : memref<1x2048xf32, #tpu.memory_space<vmem>>) offsets(%dma_start3A_30 : memref<1xi32, #tpu.memory_space<vmem>>) semaphore(%arg33 : memref<!tpu.dma_semaphore, #tpu.memory_space<semaphore_mem>>)
    %dma_start3A_34 = arith.constant 1 : i32
    %dma_start3A_35 = arith.constant 1 : i32
    %dma_start3A_36 = tpu.memref_slice %arg6[%dma_start3A_34, %dma_start3A_35] : memref<2x64xi32, #tpu.memory_space<vmem>> -> memref<1x1xi32, #tpu.memory_space<vmem>>
    %dma_start3A_37 = tpu.memref_squeeze %dma_start3A_36 : memref<1x1xi32, #tpu.memory_space<vmem>> -> memref<1xi32, #tpu.memory_space<vmem>>
    %dma_start3A_38 = arith.constant 0 : i32
    %dma_start3A_39 = arith.constant 0 : i32
    %dma_start3A_40 = tpu.memref_slice %arg3[%dma_start3A_38, %dma_start3A_39] : memref<100000x2048xf32, #tpu.memory_space<hbm>> -> memref<100000x2048xf32, #tpu.memory_space<hbm>>
    tpu.enqueue_indirect_dma source(%dma_start3A_40 : memref<100000x2048xf32, #tpu.memory_space<hbm>>) target(%arg11 : memref<1x2048xf32, #tpu.memory_space<vmem>>) offsets(%dma_start3A_37 : memref<1xi32, #tpu.memory_space<vmem>>) semaphore(%arg33 : memref<!tpu.dma_semaphore, #tpu.memory_space<semaphore_mem>>)
    %dma_start3A_41 = arith.constant 0 : i32
    %dma_start3A_42 = tpu.memref_slice %arg4[%add3A_26, %dma_start3A_41] : memref<2048x1024xi32, #tpu.memory_space<hbm>> -> memref<1x1024xi32, #tpu.memory_space<hbm>>
    %dma_start3A_43 = arith.constant 0 : i32
    %dma_start3A_44 = tpu.memref_slice %arg4[%add3A_26, %dma_start3A_43] : memref<2048x1024xi32, #tpu.memory_space<hbm>> -> memref<1x1024xi32, #tpu.memory_space<hbm>>
    tpu.enqueue_dma source(%dma_start3A_44 : memref<1x1024xi32, #tpu.memory_space<hbm>>) target(%arg12 : memref<1x1024xi32, #tpu.memory_space<vmem>>) target_semaphore(%arg33 : memref<!tpu.dma_semaphore, #tpu.memory_space<semaphore_mem>>)
    %add3A_45 = arith.constant 2 : i32
    %add3A_46 = arith.addi %mul3A_2, %add3A_45 : i32
    %dma_start3A_47 = arith.constant 0 : i32
    %dma_start3A_48 = arith.constant 2 : i32
    %dma_start3A_49 = tpu.memref_slice %arg6[%dma_start3A_47, %dma_start3A_48] : memref<2x64xi32, #tpu.memory_space<vmem>> -> memref<1x1xi32, #tpu.memory_space<vmem>>
    %dma_start3A_50 = tpu.memref_squeeze %dma_start3A_49 : memref<1x1xi32, #tpu.memory_space<vmem>> -> memref<1xi32, #tpu.memory_space<vmem>>
    %dma_start3A_51 = arith.constant 0 : i32
    %dma_start3A_52 = arith.constant 0 : i32
    %dma_start3A_53 = tpu.memref_slice %arg3[%dma_start3A_51, %dma_start3A_52] : memref<100000x2048xf32, #tpu.memory_space<hbm>> -> memref<100000x2048xf32, #tpu.memory_space<hbm>>
    tpu.enqueue_indirect_dma source(%dma_start3A_53 : memref<100000x2048xf32, #tpu.memory_space<hbm>>) target(%arg13 : memref<1x2048xf32, #tpu.memory_space<vmem>>) offsets(%dma_start3A_50 : memref<1xi32, #tpu.memory_space<vmem>>) semaphore(%arg35 : memref<!tpu.dma_semaphore, #tpu.memory_space<semaphore_mem>>)
    %dma_start3A_54 = arith.constant 1 : i32
    %dma_start3A_55 = arith.constant 2 : i32
    %dma_start3A_56 = tpu.memref_slice %arg6[%dma_start3A_54, %dma_start3A_55] : memref<2x64xi32, #tpu.memory_space<vmem>> -> memref<1x1xi32, #tpu.memory_space<vmem>>
    %dma_start3A_57 = tpu.memref_squeeze %dma_start3A_56 : memref<1x1xi32, #tpu.memory_space<vmem>> -> memref<1xi32, #tpu.memory_space<vmem>>
    %dma_start3A_58 = arith.constant 0 : i32
    %dma_start3A_59 = arith.constant 0 : i32
    %dma_start3A_60 = tpu.memref_slice %arg3[%dma_start3A_58, %dma_start3A_59] : memref<100000x2048xf32, #tpu.memory_space<hbm>> -> memref<100000x2048xf32, #tpu.memory_space<hbm>>
    tpu.enqueue_indirect_dma source(%dma_start3A_60 : memref<100000x2048xf32, #tpu.memory_space<hbm>>) target(%arg14 : memref<1x2048xf32, #tpu.memory_space<vmem>>) offsets(%dma_start3A_57 : memref<1xi32, #tpu.memory_space<vmem>>) semaphore(%arg35 : memref<!tpu.dma_semaphore, #tpu.memory_space<semaphore_mem>>)
    %dma_start3A_61 = arith.constant 0 : i32
    %dma_start3A_62 = tpu.memref_slice %arg4[%add3A_46, %dma_start3A_61] : memref<2048x1024xi32, #tpu.memory_space<hbm>> -> memref<1x1024xi32, #tpu.memory_space<hbm>>
    %dma_start3A_63 = arith.constant 0 : i32
    %dma_start3A_64 = tpu.memref_slice %arg4[%add3A_46, %dma_start3A_63] : memref<2048x1024xi32, #tpu.memory_space<hbm>> -> memref<1x1024xi32, #tpu.memory_space<hbm>>
    tpu.enqueue_dma source(%dma_start3A_64 : memref<1x1024xi32, #tpu.memory_space<hbm>>) target(%arg15 : memref<1x1024xi32, #tpu.memory_space<vmem>>) target_semaphore(%arg35 : memref<!tpu.dma_semaphore, #tpu.memory_space<semaphore_mem>>)
    %add3A_65 = arith.constant 3 : i32
    %add3A_66 = arith.addi %mul3A_2, %add3A_65 : i32
    %dma_start3A_67 = arith.constant 0 : i32
    %dma_start3A_68 = arith.constant 3 : i32
    %dma_start3A_69 = tpu.memref_slice %arg6[%dma_start3A_67, %dma_start3A_68] : memref<2x64xi32, #tpu.memory_space<vmem>> -> memref<1x1xi32, #tpu.memory_space<vmem>>
    %dma_start3A_70 = tpu.memref_squeeze %dma_start3A_69 : memref<1x1xi32, #tpu.memory_space<vmem>> -> memref<1xi32, #tpu.memory_space<vmem>>
    %dma_start3A_71 = arith.constant 0 : i32
    %dma_start3A_72 = arith.constant 0 : i32
    %dma_start3A_73 = tpu.memref_slice %arg3[%dma_start3A_71, %dma_start3A_72] : memref<100000x2048xf32, #tpu.memory_space<hbm>> -> memref<100000x2048xf32, #tpu.memory_space<hbm>>
    tpu.enqueue_indirect_dma source(%dma_start3A_73 : memref<100000x2048xf32, #tpu.memory_space<hbm>>) target(%arg16 : memref<1x2048xf32, #tpu.memory_space<vmem>>) offsets(%dma_start3A_70 : memref<1xi32, #tpu.memory_space<vmem>>) semaphore(%arg37 : memref<!tpu.dma_semaphore, #tpu.memory_space<semaphore_mem>>)
    %dma_start3A_74 = arith.constant 1 : i32
    %dma_start3A_75 = arith.constant 3 : i32
    %dma_start3A_76 = tpu.memref_slice %arg6[%dma_start3A_74, %dma_start3A_75] : memref<2x64xi32, #tpu.memory_space<vmem>> -> memref<1x1xi32, #tpu.memory_space<vmem>>
    %dma_start3A_77 = tpu.memref_squeeze %dma_start3A_76 : memref<1x1xi32, #tpu.memory_space<vmem>> -> memref<1xi32, #tpu.memory_space<vmem>>
    %dma_start3A_78 = arith.constant 0 : i32
    %dma_start3A_79 = arith.constant 0 : i32
    %dma_start3A_80 = tpu.memref_slice %arg3[%dma_start3A_78, %dma_start3A_79] : memref<100000x2048xf32, #tpu.memory_space<hbm>> -> memref<100000x2048xf32, #tpu.memory_space<hbm>>
    tpu.enqueue_indirect_dma source(%dma_start3A_80 : memref<100000x2048xf32, #tpu.memory_space<hbm>>) target(%arg17 : memref<1x2048xf32, #tpu.memory_space<vmem>>) offsets(%dma_start3A_77 : memref<1xi32, #tpu.memory_space<vmem>>) semaphore(%arg37 : memref<!tpu.dma_semaphore, #tpu.memory_space<semaphore_mem>>)
    %dma_start3A_81 = arith.constant 0 : i32
    %dma_start3A_82 = tpu.memref_slice %arg4[%add3A_66, %dma_start3A_81] : memref<2048x1024xi32, #tpu.memory_space<hbm>> -> memref<1x1024xi32, #tpu.memory_space<hbm>>
    %dma_start3A_83 = arith.constant 0 : i32
    %dma_start3A_84 = tpu.memref_slice %arg4[%add3A_66, %dma_start3A_83] : memref<2048x1024xi32, #tpu.memory_space<hbm>> -> memref<1x1024xi32, #tpu.memory_space<hbm>>
    tpu.enqueue_dma source(%dma_start3A_84 : memref<1x1024xi32, #tpu.memory_space<hbm>>) target(%arg18 : memref<1x1024xi32, #tpu.memory_space<vmem>>) target_semaphore(%arg37 : memref<!tpu.dma_semaphore, #tpu.memory_space<semaphore_mem>>)
    %scan3A = arith.constant 0 : i32
    %scan3A_85 = arith.constant 0 : i32
    %scan3A_86 = arith.constant 8 : i32
    %scan3A_87 = arith.addi %scan3A_85, %scan3A_86 : i32
    %scan3A_88 = arith.constant 1 : i32
    scf.for %scan3A_145 = %scan3A_85 to %scan3A_87 step %scan3A_88  : i32 {
      %mul3A_146 = arith.constant 8 : i32
      %mul3A_147 = arith.muli %scan3A_145, %mul3A_146 : i32
      %add3A_148 = arith.constant 0 : i32
      %add3A_149 = arith.addi %mul3A_147, %add3A_148 : i32
      %ge3A = arith.constant 4 : i32
      %ge3A_150 = arith.cmpi sge, %add3A_149, %ge3A : i32
      %convert_element_type3A = arith.extui %ge3A_150 : i1 to i32
      %cond3A = arith.constant 0 : i32
      %cond3A_151 = arith.cmpi ne, %convert_element_type3A, %cond3A : i32
      scf.if %cond3A_151 {
        %sub3A = arith.constant 4 : i32
        %sub3A_630 = arith.subi %add3A_149, %sub3A : i32
        %mul3A_631 = arith.constant 1 : i32
        %mul3A_632 = arith.muli %sub3A_630, %mul3A_631 : i32
        %add3A_633 = arith.addi %mul3A_2, %mul3A_632 : i32
        %add3A_634 = arith.constant 2048 : i32
        %add3A_635 = arith.addi %add3A_634, %mul3A_2 : i32
        %mul3A_636 = arith.constant 1 : i32
        %mul3A_637 = arith.muli %sub3A_630, %mul3A_636 : i32
        %add3A_638 = arith.addi %add3A_635, %mul3A_637 : i32
        %dma_wait3A_639 = arith.constant 0 : i32
        %dma_wait3A_640 = tpu.memref_slice %arg5[%add3A_633, %dma_wait3A_639] : memref<4096x2048xf32, #tpu.memory_space<hbm>> -> memref<1x2048xf32, #tpu.memory_space<hbm>>
        %dma_wait3A_641 = arith.constant 0 : i32
        %dma_wait3A_642 = tpu.memref_slice %arg5[%add3A_633, %dma_wait3A_641] : memref<4096x2048xf32, #tpu.memory_space<hbm>> -> memref<1x2048xf32, #tpu.memory_space<hbm>>
        tpu.wait_dma2 semaphore(%arg40 : memref<!tpu.dma_semaphore, #tpu.memory_space<semaphore_mem>>) src(%arg19 : memref<1x2048xf32, #tpu.memory_space<vmem>>) dst(%dma_wait3A_642 : memref<1x2048xf32, #tpu.memory_space<hbm>>)
        %dma_wait3A_643 = arith.constant 0 : i32
        %dma_wait3A_644 = tpu.memref_slice %arg5[%add3A_638, %dma_wait3A_643] : memref<4096x2048xf32, #tpu.memory_space<hbm>> -> memref<1x2048xf32, #tpu.memory_space<hbm>>
        %dma_wait3A_645 = arith.constant 0 : i32
        %dma_wait3A_646 = tpu.memref_slice %arg5[%add3A_638, %dma_wait3A_645] : memref<4096x2048xf32, #tpu.memory_space<hbm>> -> memref<1x2048xf32, #tpu.memory_space<hbm>>
        tpu.wait_dma2 semaphore(%arg40 : memref<!tpu.dma_semaphore, #tpu.memory_space<semaphore_mem>>) src(%arg20 : memref<1x2048xf32, #tpu.memory_space<vmem>>) dst(%dma_wait3A_646 : memref<1x2048xf32, #tpu.memory_space<hbm>>)
      } else {
      }
      %add3A_152 = arith.constant 4 : i32
      %add3A_153 = arith.addi %add3A_149, %add3A_152 : i32
      %lt3A = arith.constant 64 : i32
      %lt3A_154 = arith.cmpi slt, %add3A_153, %lt3A : i32
      %convert_element_type3A_155 = arith.extui %lt3A_154 : i1 to i32
      %cond3A_156 = arith.constant 0 : i32
      %cond3A_157 = arith.cmpi ne, %convert_element_type3A_155, %cond3A_156 : i32
      scf.if %cond3A_157 {
        %add3A_630 = arith.constant 4 : i32
        %add3A_631 = arith.addi %add3A_149, %add3A_630 : i32
        %mul3A_632 = arith.constant 1 : i32
        %mul3A_633 = arith.muli %add3A_631, %mul3A_632 : i32
        %mul3A_634 = arith.constant 1 : i32
        %mul3A_635 = arith.muli %add3A_631, %mul3A_634 : i32
        %mul3A_636 = arith.constant 1 : i32
        %mul3A_637 = arith.muli %add3A_631, %mul3A_636 : i32
        %add3A_638 = arith.addi %mul3A_2, %mul3A_637 : i32
        %dma_start3A_639 = arith.constant 0 : i32
        %dma_start3A_640 = tpu.memref_slice %arg6[%dma_start3A_639, %mul3A_633] : memref<2x64xi32, #tpu.memory_space<vmem>> -> memref<1x1xi32, #tpu.memory_space<vmem>>
        %dma_start3A_641 = tpu.memref_squeeze %dma_start3A_640 : memref<1x1xi32, #tpu.memory_space<vmem>> -> memref<1xi32, #tpu.memory_space<vmem>>
        %dma_start3A_642 = arith.constant 0 : i32
        %dma_start3A_643 = arith.constant 0 : i32
        %dma_start3A_644 = tpu.memref_slice %arg3[%dma_start3A_642, %dma_start3A_643] : memref<100000x2048xf32, #tpu.memory_space<hbm>> -> memref<100000x2048xf32, #tpu.memory_space<hbm>>
        tpu.enqueue_indirect_dma source(%dma_start3A_644 : memref<100000x2048xf32, #tpu.memory_space<hbm>>) target(%arg19 : memref<1x2048xf32, #tpu.memory_space<vmem>>) offsets(%dma_start3A_641 : memref<1xi32, #tpu.memory_space<vmem>>) semaphore(%arg39 : memref<!tpu.dma_semaphore, #tpu.memory_space<semaphore_mem>>)
        %dma_start3A_645 = arith.constant 1 : i32
        %dma_start3A_646 = tpu.memref_slice %arg6[%dma_start3A_645, %mul3A_635] : memref<2x64xi32, #tpu.memory_space<vmem>> -> memref<1x1xi32, #tpu.memory_space<vmem>>
        %dma_start3A_647 = tpu.memref_squeeze %dma_start3A_646 : memref<1x1xi32, #tpu.memory_space<vmem>> -> memref<1xi32, #tpu.memory_space<vmem>>
        %dma_start3A_648 = arith.constant 0 : i32
        %dma_start3A_649 = arith.constant 0 : i32
        %dma_start3A_650 = tpu.memref_slice %arg3[%dma_start3A_648, %dma_start3A_649] : memref<100000x2048xf32, #tpu.memory_space<hbm>> -> memref<100000x2048xf32, #tpu.memory_space<hbm>>
        tpu.enqueue_indirect_dma source(%dma_start3A_650 : memref<100000x2048xf32, #tpu.memory_space<hbm>>) target(%arg20 : memref<1x2048xf32, #tpu.memory_space<vmem>>) offsets(%dma_start3A_647 : memref<1xi32, #tpu.memory_space<vmem>>) semaphore(%arg39 : memref<!tpu.dma_semaphore, #tpu.memory_space<semaphore_mem>>)
        %dma_start3A_651 = arith.constant 0 : i32
        %dma_start3A_652 = tpu.memref_slice %arg4[%add3A_638, %dma_start3A_651] : memref<2048x1024xi32, #tpu.memory_space<hbm>> -> memref<1x1024xi32, #tpu.memory_space<hbm>>
        %dma_start3A_653 = arith.constant 0 : i32
        %dma_start3A_654 = tpu.memref_slice %arg4[%add3A_638, %dma_start3A_653] : memref<2048x1024xi32, #tpu.memory_space<hbm>> -> memref<1x1024xi32, #tpu.memory_space<hbm>>
        tpu.enqueue_dma source(%dma_start3A_654 : memref<1x1024xi32, #tpu.memory_space<hbm>>) target(%arg21 : memref<1x1024xi32, #tpu.memory_space<vmem>>) target_semaphore(%arg39 : memref<!tpu.dma_semaphore, #tpu.memory_space<semaphore_mem>>)
      } else {
      }
      %mul3A_158 = arith.constant 1 : i32
      %mul3A_159 = arith.muli %add3A_149, %mul3A_158 : i32
      %mul3A_160 = arith.constant 1 : i32
      %mul3A_161 = arith.muli %add3A_149, %mul3A_160 : i32
      %mul3A_162 = arith.constant 1 : i32
      %mul3A_163 = arith.muli %add3A_149, %mul3A_162 : i32
      %add3A_164 = arith.addi %mul3A_2, %mul3A_163 : i32
      %dma_wait3A_165 = arith.constant 0 : i32
      %dma_wait3A_166 = tpu.memref_slice %arg6[%dma_wait3A_165, %mul3A_159] : memref<2x64xi32, #tpu.memory_space<vmem>> -> memref<1x1xi32, #tpu.memory_space<vmem>>
      %dma_wait3A_167 = tpu.memref_squeeze %dma_wait3A_166 : memref<1x1xi32, #tpu.memory_space<vmem>> -> memref<1xi32, #tpu.memory_space<vmem>>
      %dma_wait3A_168 = arith.constant 0 : i32
      %dma_wait3A_169 = arith.constant 0 : i32
      %dma_wait3A_170 = tpu.memref_slice %arg3[%dma_wait3A_168, %dma_wait3A_169] : memref<100000x2048xf32, #tpu.memory_space<hbm>> -> memref<100000x2048xf32, #tpu.memory_space<hbm>>
      tpu.wait_indirect_dma semaphore(%arg31 : memref<!tpu.dma_semaphore, #tpu.memory_space<semaphore_mem>>) src(%dma_wait3A_170 : memref<100000x2048xf32, #tpu.memory_space<hbm>>) dst(%arg7 : memref<1x2048xf32, #tpu.memory_space<vmem>>)
      %dma_wait3A_171 = arith.constant 1 : i32
      %dma_wait3A_172 = tpu.memref_slice %arg6[%dma_wait3A_171, %mul3A_161] : memref<2x64xi32, #tpu.memory_space<vmem>> -> memref<1x1xi32, #tpu.memory_space<vmem>>
      %dma_wait3A_173 = tpu.memref_squeeze %dma_wait3A_172 : memref<1x1xi32, #tpu.memory_space<vmem>> -> memref<1xi32, #tpu.memory_space<vmem>>
      %dma_wait3A_174 = arith.constant 0 : i32
      %dma_wait3A_175 = arith.constant 0 : i32
      %dma_wait3A_176 = tpu.memref_slice %arg3[%dma_wait3A_174, %dma_wait3A_175] : memref<100000x2048xf32, #tpu.memory_space<hbm>> -> memref<100000x2048xf32, #tpu.memory_space<hbm>>
      tpu.wait_indirect_dma semaphore(%arg31 : memref<!tpu.dma_semaphore, #tpu.memory_space<semaphore_mem>>) src(%dma_wait3A_176 : memref<100000x2048xf32, #tpu.memory_space<hbm>>) dst(%arg8 : memref<1x2048xf32, #tpu.memory_space<vmem>>)
      %dma_wait3A_177 = arith.constant 0 : i32
      %dma_wait3A_178 = tpu.memref_slice %arg4[%add3A_164, %dma_wait3A_177] : memref<2048x1024xi32, #tpu.memory_space<hbm>> -> memref<1x1024xi32, #tpu.memory_space<hbm>>
      %dma_wait3A_179 = arith.constant 0 : i32
      %dma_wait3A_180 = tpu.memref_slice %arg4[%add3A_164, %dma_wait3A_179] : memref<2048x1024xi32, #tpu.memory_space<hbm>> -> memref<1x1024xi32, #tpu.memory_space<hbm>>
      tpu.wait_dma2 semaphore(%arg31 : memref<!tpu.dma_semaphore, #tpu.memory_space<semaphore_mem>>) src(%dma_wait3A_180 : memref<1x1024xi32, #tpu.memory_space<hbm>>) dst(%arg9 : memref<1x1024xi32, #tpu.memory_space<vmem>>)
      %scan3A_181 = arith.constant 0 : i32
      %scan3A_182 = arith.constant 0 : i32
      %scan3A_183 = arith.constant 64 : i32
      %scan3A_184 = arith.addi %scan3A_182, %scan3A_183 : i32
      %scan3A_185 = arith.constant 1 : i32
      scf.for %scan3A_630 = %scan3A_182 to %scan3A_184 step %scan3A_185  : i32 {
        %mul3A_631 = arith.constant 2 : i32
        %mul3A_632 = arith.muli %scan3A_630, %mul3A_631 : i32
        %mul3A_633 = arith.constant 16 : i32
        %mul3A_634 = arith.muli %mul3A_632, %mul3A_633 : i32
        %mul3A_635 = arith.constant 16 : i32
        %mul3A_636 = arith.muli %scan3A_630, %mul3A_635 : i32
        %get3A = arith.constant 0 : i32
        %get3A_637 = arith.index_cast %get3A : i32 to index
        %get3A_638 = arith.index_cast %mul3A_636 : i32 to index
        %get3A_639 = tpu.vector_load %arg9[%get3A_637, %get3A_638] {strides = array<i32>} : memref<1x1024xi32, #tpu.memory_space<vmem>>, vector<1x16xi32>,
        %get3A_640 = vector.shape_cast %get3A_639 : vector<1x16xi32> to vector<16xi32>
        %shift_left3A = arith.constant 16 : i32
        %shift_left3A_641 = vector.broadcast %shift_left3A : i32 to vector<16xi32>
        %shift_left3A_642 = arith.shli %get3A_640, %shift_left3A_641 : vector<16xi32>
        %bitcast_convert_type3A = tpu.bitcast %shift_left3A_642 : vector<16xi32> -> vector<16xf32>
        %and3A = arith.constant -65536 : i32
        %and3A_643 = vector.broadcast %and3A : i32 to vector<16xi32>
        %and3A_644 = arith.andi %get3A_640, %and3A_643 : vector<16xi32>
        %bitcast_convert_type3A_645 = tpu.bitcast %and3A_644 : vector<16xi32> -> vector<16xf32>
        %swap3A = arith.constant 0 : i32
        %swap3A_646 = arith.index_cast %swap3A : i32 to index
        %swap3A_647 = arith.index_cast %mul3A_634 : i32 to index
        %swap3A_648 = tpu.vector_load %arg7[%swap3A_646, %swap3A_647] {strides = array<i32>} : memref<1x2048xf32, #tpu.memory_space<vmem>>, vector<1x16xf32>,
        %swap3A_649 = vector.shape_cast %swap3A_648 : vector<1x16xf32> to vector<16xf32>
        %swap3A_650 = vector.shape_cast %bitcast_convert_type3A : vector<16xf32> to vector<1x16xf32>
        tpu.vector_store %arg7[%swap3A_646, %swap3A_647], %swap3A_650 {add = true, strides = array<i32>} : memref<1x2048xf32, #tpu.memory_space<vmem>>, vector<1x16xf32>,
        %swap3A_651 = arith.constant 0 : i32
        %swap3A_652 = arith.index_cast %swap3A_651 : i32 to index
        %swap3A_653 = arith.index_cast %mul3A_634 : i32 to index
        %swap3A_654 = tpu.vector_load %arg8[%swap3A_652, %swap3A_653] {strides = array<i32>} : memref<1x2048xf32, #tpu.memory_space<vmem>>, vector<1x16xf32>,
        %swap3A_655 = vector.shape_cast %swap3A_654 : vector<1x16xf32> to vector<16xf32>
        %swap3A_656 = vector.shape_cast %bitcast_convert_type3A : vector<16xf32> to vector<1x16xf32>
        tpu.vector_store %arg8[%swap3A_652, %swap3A_653], %swap3A_656 {add = true, strides = array<i32>} : memref<1x2048xf32, #tpu.memory_space<vmem>>, vector<1x16xf32>,
        %add3A_657 = arith.constant 16 : i32
        %add3A_658 = arith.addi %mul3A_634, %add3A_657 : i32
        %swap3A_659 = arith.constant 0 : i32
        %swap3A_660 = arith.index_cast %swap3A_659 : i32 to index
        %swap3A_661 = arith.index_cast %add3A_658 : i32 to index
        %swap3A_662 = tpu.vector_load %arg7[%swap3A_660, %swap3A_661] {strides = array<i32>} : memref<1x2048xf32, #tpu.memory_space<vmem>>, vector<1x16xf32>,
        %swap3A_663 = vector.shape_cast %swap3A_662 : vector<1x16xf32> to vector<16xf32>
        %swap3A_664 = vector.shape_cast %bitcast_convert_type3A_645 : vector<16xf32> to vector<1x16xf32>
        tpu.vector_store %arg7[%swap3A_660, %swap3A_661], %swap3A_664 {add = true, strides = array<i32>} : memref<1x2048xf32, #tpu.memory_space<vmem>>, vector<1x16xf32>,
        %add3A_665 = arith.constant 16 : i32
        %add3A_666 = arith.addi %mul3A_634, %add3A_665 : i32
        %swap3A_667 = arith.constant 0 : i32
        %swap3A_668 = arith.index_cast %swap3A_667 : i32 to index
        %swap3A_669 = arith.index_cast %add3A_666 : i32 to index
        %swap3A_670 = tpu.vector_load %arg8[%swap3A_668, %swap3A_669] {strides = array<i32>} : memref<1x2048xf32, #tpu.memory_space<vmem>>, vector<1x16xf32>,
        %swap3A_671 = vector.shape_cast %swap3A_670 : vector<1x16xf32> to vector<16xf32>
        %swap3A_672 = vector.shape_cast %bitcast_convert_type3A_645 : vector<16xf32> to vector<1x16xf32>
        tpu.vector_store %arg8[%swap3A_668, %swap3A_669], %swap3A_672 {add = true, strides = array<i32>} : memref<1x2048xf32, #tpu.memory_space<vmem>>, vector<1x16xf32>,
      }
      %scan3A_186 = arith.constant 64 : i32
      %mul3A_187 = arith.constant 1 : i32
      %mul3A_188 = arith.muli %add3A_149, %mul3A_187 : i32
      %add3A_189 = arith.addi %mul3A_2, %mul3A_188 : i32
      %add3A_190 = arith.constant 2048 : i32
      %add3A_191 = arith.addi %add3A_190, %mul3A_2 : i32
      %mul3A_192 = arith.constant 1 : i32
      %mul3A_193 = arith.muli %add3A_149, %mul3A_192 : i32
      %add3A_194 = arith.addi %add3A_191, %mul3A_193 : i32
      %dma_start3A_195 = arith.constant 0 : i32
      %dma_start3A_196 = tpu.memref_slice %arg5[%add3A_189, %dma_start3A_195] : memref<4096x2048xf32, #tpu.memory_space<hbm>> -> memref<1x2048xf32, #tpu.memory_space<hbm>>
      %dma_start3A_197 = arith.constant 0 : i32
      %dma_start3A_198 = tpu.memref_slice %arg5[%add3A_189, %dma_start3A_197] : memref<4096x2048xf32, #tpu.memory_space<hbm>> -> memref<1x2048xf32, #tpu.memory_space<hbm>>
      tpu.enqueue_dma source(%arg7 : memref<1x2048xf32, #tpu.memory_space<vmem>>) target(%dma_start3A_198 : memref<1x2048xf32, #tpu.memory_space<hbm>>) target_semaphore(%arg32 : memref<!tpu.dma_semaphore, #tpu.memory_space<semaphore_mem>>)
      %dma_start3A_199 = arith.constant 0 : i32
      %dma_start3A_200 = tpu.memref_slice %arg5[%add3A_194, %dma_start3A_199] : memref<4096x2048xf32, #tpu.memory_space<hbm>> -> memref<1x2048xf32, #tpu.memory_space<hbm>>
      %dma_start3A_201 = arith.constant 0 : i32
      %dma_start3A_202 = tpu.memref_slice %arg5[%add3A_194, %dma_start3A_201] : memref<4096x2048xf32, #tpu.memory_space<hbm>> -> memref<1x2048xf32, #tpu.memory_space<hbm>>
      tpu.enqueue_dma source(%arg8 : memref<1x2048xf32, #tpu.memory_space<vmem>>) target(%dma_start3A_202 : memref<1x2048xf32, #tpu.memory_space<hbm>>) target_semaphore(%arg32 : memref<!tpu.dma_semaphore, #tpu.memory_space<semaphore_mem>>)
      %mul3A_203 = arith.constant 8 : i32
      %mul3A_204 = arith.muli %scan3A_145, %mul3A_203 : i32
      %add3A_205 = arith.constant 1 : i32
      %add3A_206 = arith.addi %mul3A_204, %add3A_205 : i32
      %ge3A_207 = arith.constant 4 : i32
      %ge3A_208 = arith.cmpi sge, %add3A_206, %ge3A_207 : i32
      %convert_element_type3A_209 = arith.extui %ge3A_208 : i1 to i32
      %cond3A_210 = arith.constant 0 : i32
      %cond3A_211 = arith.cmpi ne, %convert_element_type3A_209, %cond3A_210 : i32
      scf.if %cond3A_211 {
        %sub3A = arith.constant 4 : i32
        %sub3A_630 = arith.subi %add3A_206, %sub3A : i32
        %mul3A_631 = arith.constant 1 : i32
        %mul3A_632 = arith.muli %sub3A_630, %mul3A_631 : i32
        %add3A_633 = arith.addi %mul3A_2, %mul3A_632 : i32
        %add3A_634 = arith.constant 2048 : i32
        %add3A_635 = arith.addi %add3A_634, %mul3A_2 : i32
        %mul3A_636 = arith.constant 1 : i32
        %mul3A_637 = arith.muli %sub3A_630, %mul3A_636 : i32
        %add3A_638 = arith.addi %add3A_635, %mul3A_637 : i32
        %dma_wait3A_639 = arith.constant 0 : i32
        %dma_wait3A_640 = tpu.memref_slice %arg5[%add3A_633, %dma_wait3A_639] : memref<4096x2048xf32, #tpu.memory_space<hbm>> -> memref<1x2048xf32, #tpu.memory_space<hbm>>
        %dma_wait3A_641 = arith.constant 0 : i32
        %dma_wait3A_642 = tpu.memref_slice %arg5[%add3A_633, %dma_wait3A_641] : memref<4096x2048xf32, #tpu.memory_space<hbm>> -> memref<1x2048xf32, #tpu.memory_space<hbm>>
        tpu.wait_dma2 semaphore(%arg42 : memref<!tpu.dma_semaphore, #tpu.memory_space<semaphore_mem>>) src(%arg22 : memref<1x2048xf32, #tpu.memory_space<vmem>>) dst(%dma_wait3A_642 : memref<1x2048xf32, #tpu.memory_space<hbm>>)
        %dma_wait3A_643 = arith.constant 0 : i32
        %dma_wait3A_644 = tpu.memref_slice %arg5[%add3A_638, %dma_wait3A_643] : memref<4096x2048xf32, #tpu.memory_space<hbm>> -> memref<1x2048xf32, #tpu.memory_space<hbm>>
        %dma_wait3A_645 = arith.constant 0 : i32
        %dma_wait3A_646 = tpu.memref_slice %arg5[%add3A_638, %dma_wait3A_645] : memref<4096x2048xf32, #tpu.memory_space<hbm>> -> memref<1x2048xf32, #tpu.memory_space<hbm>>
        tpu.wait_dma2 semaphore(%arg42 : memref<!tpu.dma_semaphore, #tpu.memory_space<semaphore_mem>>) src(%arg23 : memref<1x2048xf32, #tpu.memory_space<vmem>>) dst(%dma_wait3A_646 : memref<1x2048xf32, #tpu.memory_space<hbm>>)
      } else {
      }
      %add3A_212 = arith.constant 4 : i32
      %add3A_213 = arith.addi %add3A_206, %add3A_212 : i32
      %lt3A_214 = arith.constant 64 : i32
      %lt3A_215 = arith.cmpi slt, %add3A_213, %lt3A_214 : i32
      %convert_element_type3A_216 = arith.extui %lt3A_215 : i1 to i32
      %cond3A_217 = arith.constant 0 : i32
      %cond3A_218 = arith.cmpi ne, %convert_element_type3A_216, %cond3A_217 : i32
      scf.if %cond3A_218 {
        %add3A_630 = arith.constant 4 : i32
        %add3A_631 = arith.addi %add3A_206, %add3A_630 : i32
        %mul3A_632 = arith.constant 1 : i32
        %mul3A_633 = arith.muli %add3A_631, %mul3A_632 : i32
        %mul3A_634 = arith.constant 1 : i32
        %mul3A_635 = arith.muli %add3A_631, %mul3A_634 : i32
        %mul3A_636 = arith.constant 1 : i32
        %mul3A_637 = arith.muli %add3A_631, %mul3A_636 : i32
        %add3A_638 = arith.addi %mul3A_2, %mul3A_637 : i32
        %dma_start3A_639 = arith.constant 0 : i32
        %dma_start3A_640 = tpu.memref_slice %arg6[%dma_start3A_639, %mul3A_633] : memref<2x64xi32, #tpu.memory_space<vmem>> -> memref<1x1xi32, #tpu.memory_space<vmem>>
        %dma_start3A_641 = tpu.memref_squeeze %dma_start3A_640 : memref<1x1xi32, #tpu.memory_space<vmem>> -> memref<1xi32, #tpu.memory_space<vmem>>
        %dma_start3A_642 = arith.constant 0 : i32
        %dma_start3A_643 = arith.constant 0 : i32
        %dma_start3A_644 = tpu.memref_slice %arg3[%dma_start3A_642, %dma_start3A_643] : memref<100000x2048xf32, #tpu.memory_space<hbm>> -> memref<100000x2048xf32, #tpu.memory_space<hbm>>
        tpu.enqueue_indirect_dma source(%dma_start3A_644 : memref<100000x2048xf32, #tpu.memory_space<hbm>>) target(%arg22 : memref<1x2048xf32, #tpu.memory_space<vmem>>) offsets(%dma_start3A_641 : memref<1xi32, #tpu.memory_space<vmem>>) semaphore(%arg41 : memref<!tpu.dma_semaphore, #tpu.memory_space<semaphore_mem>>)
        %dma_start3A_645 = arith.constant 1 : i32
        %dma_start3A_646 = tpu.memref_slice %arg6[%dma_start3A_645, %mul3A_635] : memref<2x64xi32, #tpu.memory_space<vmem>> -> memref<1x1xi32, #tpu.memory_space<vmem>>
        %dma_start3A_647 = tpu.memref_squeeze %dma_start3A_646 : memref<1x1xi32, #tpu.memory_space<vmem>> -> memref<1xi32, #tpu.memory_space<vmem>>
        %dma_start3A_648 = arith.constant 0 : i32
        %dma_start3A_649 = arith.constant 0 : i32
        %dma_start3A_650 = tpu.memref_slice %arg3[%dma_start3A_648, %dma_start3A_649] : memref<100000x2048xf32, #tpu.memory_space<hbm>> -> memref<100000x2048xf32, #tpu.memory_space<hbm>>
        tpu.enqueue_indirect_dma source(%dma_start3A_650 : memref<100000x2048xf32, #tpu.memory_space<hbm>>) target(%arg23 : memref<1x2048xf32, #tpu.memory_space<vmem>>) offsets(%dma_start3A_647 : memref<1xi32, #tpu.memory_space<vmem>>) semaphore(%arg41 : memref<!tpu.dma_semaphore, #tpu.memory_space<semaphore_mem>>)
        %dma_start3A_651 = arith.constant 0 : i32
        %dma_start3A_652 = tpu.memref_slice %arg4[%add3A_638, %dma_start3A_651] : memref<2048x1024xi32, #tpu.memory_space<hbm>> -> memref<1x1024xi32, #tpu.memory_space<hbm>>
        %dma_start3A_653 = arith.constant 0 : i32
        %dma_start3A_654 = tpu.memref_slice %arg4[%add3A_638, %dma_start3A_653] : memref<2048x1024xi32, #tpu.memory_space<hbm>> -> memref<1x1024xi32, #tpu.memory_space<hbm>>
        tpu.enqueue_dma source(%dma_start3A_654 : memref<1x1024xi32, #tpu.memory_space<hbm>>) target(%arg24 : memref<1x1024xi32, #tpu.memory_space<vmem>>) target_semaphore(%arg41 : memref<!tpu.dma_semaphore, #tpu.memory_space<semaphore_mem>>)
      } else {
      }
      %mul3A_219 = arith.constant 1 : i32
      %mul3A_220 = arith.muli %add3A_206, %mul3A_219 : i32
      %mul3A_221 = arith.constant 1 : i32
      %mul3A_222 = arith.muli %add3A_206, %mul3A_221 : i32
      %mul3A_223 = arith.constant 1 : i32
      %mul3A_224 = arith.muli %add3A_206, %mul3A_223 : i32
      %add3A_225 = arith.addi %mul3A_2, %mul3A_224 : i32
      %dma_wait3A_226 = arith.constant 0 : i32
      %dma_wait3A_227 = tpu.memref_slice %arg6[%dma_wait3A_226, %mul3A_220] : memref<2x64xi32, #tpu.memory_space<vmem>> -> memref<1x1xi32, #tpu.memory_space<vmem>>
      %dma_wait3A_228 = tpu.memref_squeeze %dma_wait3A_227 : memref<1x1xi32, #tpu.memory_space<vmem>> -> memref<1xi32, #tpu.memory_space<vmem>>
      %dma_wait3A_229 = arith.constant 0 : i32
      %dma_wait3A_230 = arith.constant 0 : i32
      %dma_wait3A_231 = tpu.memref_slice %arg3[%dma_wait3A_229, %dma_wait3A_230] : memref<100000x2048xf32, #tpu.memory_space<hbm>> -> memref<100000x2048xf32, #tpu.memory_space<hbm>>
      tpu.wait_indirect_dma semaphore(%arg33 : memref<!tpu.dma_semaphore, #tpu.memory_space<semaphore_mem>>) src(%dma_wait3A_231 : memref<100000x2048xf32, #tpu.memory_space<hbm>>) dst(%arg10 : memref<1x2048xf32, #tpu.memory_space<vmem>>)
      %dma_wait3A_232 = arith.constant 1 : i32
      %dma_wait3A_233 = tpu.memref_slice %arg6[%dma_wait3A_232, %mul3A_222] : memref<2x64xi32, #tpu.memory_space<vmem>> -> memref<1x1xi32, #tpu.memory_space<vmem>>
      %dma_wait3A_234 = tpu.memref_squeeze %dma_wait3A_233 : memref<1x1xi32, #tpu.memory_space<vmem>> -> memref<1xi32, #tpu.memory_space<vmem>>
      %dma_wait3A_235 = arith.constant 0 : i32
      %dma_wait3A_236 = arith.constant 0 : i32
      %dma_wait3A_237 = tpu.memref_slice %arg3[%dma_wait3A_235, %dma_wait3A_236] : memref<100000x2048xf32, #tpu.memory_space<hbm>> -> memref<100000x2048xf32, #tpu.memory_space<hbm>>
      tpu.wait_indirect_dma semaphore(%arg33 : memref<!tpu.dma_semaphore, #tpu.memory_space<semaphore_mem>>) src(%dma_wait3A_237 : memref<100000x2048xf32, #tpu.memory_space<hbm>>) dst(%arg11 : memref<1x2048xf32, #tpu.memory_space<vmem>>)
      %dma_wait3A_238 = arith.constant 0 : i32
      %dma_wait3A_239 = tpu.memref_slice %arg4[%add3A_225, %dma_wait3A_238] : memref<2048x1024xi32, #tpu.memory_space<hbm>> -> memref<1x1024xi32, #tpu.memory_space<hbm>>
      %dma_wait3A_240 = arith.constant 0 : i32
      %dma_wait3A_241 = tpu.memref_slice %arg4[%add3A_225, %dma_wait3A_240] : memref<2048x1024xi32, #tpu.memory_space<hbm>> -> memref<1x1024xi32, #tpu.memory_space<hbm>>
      tpu.wait_dma2 semaphore(%arg33 : memref<!tpu.dma_semaphore, #tpu.memory_space<semaphore_mem>>) src(%dma_wait3A_241 : memref<1x1024xi32, #tpu.memory_space<hbm>>) dst(%arg12 : memref<1x1024xi32, #tpu.memory_space<vmem>>)
      %scan3A_242 = arith.constant 0 : i32
      %scan3A_243 = arith.constant 0 : i32
      %scan3A_244 = arith.constant 64 : i32
      %scan3A_245 = arith.addi %scan3A_243, %scan3A_244 : i32
      %scan3A_246 = arith.constant 1 : i32
      scf.for %scan3A_630 = %scan3A_243 to %scan3A_245 step %scan3A_246  : i32 {
        %mul3A_631 = arith.constant 2 : i32
        %mul3A_632 = arith.muli %scan3A_630, %mul3A_631 : i32
        %mul3A_633 = arith.constant 16 : i32
        %mul3A_634 = arith.muli %mul3A_632, %mul3A_633 : i32
        %mul3A_635 = arith.constant 16 : i32
        %mul3A_636 = arith.muli %scan3A_630, %mul3A_635 : i32
        %get3A = arith.constant 0 : i32
        %get3A_637 = arith.index_cast %get3A : i32 to index
        %get3A_638 = arith.index_cast %mul3A_636 : i32 to index
        %get3A_639 = tpu.vector_load %arg12[%get3A_637, %get3A_638] {strides = array<i32>} : memref<1x1024xi32, #tpu.memory_space<vmem>>, vector<1x16xi32>,
        %get3A_640 = vector.shape_cast %get3A_639 : vector<1x16xi32> to vector<16xi32>
        %shift_left3A = arith.constant 16 : i32
        %shift_left3A_641 = vector.broadcast %shift_left3A : i32 to vector<16xi32>
        %shift_left3A_642 = arith.shli %get3A_640, %shift_left3A_641 : vector<16xi32>
        %bitcast_convert_type3A = tpu.bitcast %shift_left3A_642 : vector<16xi32> -> vector<16xf32>
        %and3A = arith.constant -65536 : i32
        %and3A_643 = vector.broadcast %and3A : i32 to vector<16xi32>
        %and3A_644 = arith.andi %get3A_640, %and3A_643 : vector<16xi32>
        %bitcast_convert_type3A_645 = tpu.bitcast %and3A_644 : vector<16xi32> -> vector<16xf32>
        %swap3A = arith.constant 0 : i32
        %swap3A_646 = arith.index_cast %swap3A : i32 to index
        %swap3A_647 = arith.index_cast %mul3A_634 : i32 to index
        %swap3A_648 = tpu.vector_load %arg10[%swap3A_646, %swap3A_647] {strides = array<i32>} : memref<1x2048xf32, #tpu.memory_space<vmem>>, vector<1x16xf32>,
        %swap3A_649 = vector.shape_cast %swap3A_648 : vector<1x16xf32> to vector<16xf32>
        %swap3A_650 = vector.shape_cast %bitcast_convert_type3A : vector<16xf32> to vector<1x16xf32>
        tpu.vector_store %arg10[%swap3A_646, %swap3A_647], %swap3A_650 {add = true, strides = array<i32>} : memref<1x2048xf32, #tpu.memory_space<vmem>>, vector<1x16xf32>,
        %swap3A_651 = arith.constant 0 : i32
        %swap3A_652 = arith.index_cast %swap3A_651 : i32 to index
        %swap3A_653 = arith.index_cast %mul3A_634 : i32 to index
        %swap3A_654 = tpu.vector_load %arg11[%swap3A_652, %swap3A_653] {strides = array<i32>} : memref<1x2048xf32, #tpu.memory_space<vmem>>, vector<1x16xf32>,
        %swap3A_655 = vector.shape_cast %swap3A_654 : vector<1x16xf32> to vector<16xf32>
        %swap3A_656 = vector.shape_cast %bitcast_convert_type3A : vector<16xf32> to vector<1x16xf32>
        tpu.vector_store %arg11[%swap3A_652, %swap3A_653], %swap3A_656 {add = true, strides = array<i32>} : memref<1x2048xf32, #tpu.memory_space<vmem>>, vector<1x16xf32>,
        %add3A_657 = arith.constant 16 : i32
        %add3A_658 = arith.addi %mul3A_634, %add3A_657 : i32
        %swap3A_659 = arith.constant 0 : i32
        %swap3A_660 = arith.index_cast %swap3A_659 : i32 to index
        %swap3A_661 = arith.index_cast %add3A_658 : i32 to index
        %swap3A_662 = tpu.vector_load %arg10[%swap3A_660, %swap3A_661] {strides = array<i32>} : memref<1x2048xf32, #tpu.memory_space<vmem>>, vector<1x16xf32>,
        %swap3A_663 = vector.shape_cast %swap3A_662 : vector<1x16xf32> to vector<16xf32>
        %swap3A_664 = vector.shape_cast %bitcast_convert_type3A_645 : vector<16xf32> to vector<1x16xf32>
        tpu.vector_store %arg10[%swap3A_660, %swap3A_661], %swap3A_664 {add = true, strides = array<i32>} : memref<1x2048xf32, #tpu.memory_space<vmem>>, vector<1x16xf32>,
        %add3A_665 = arith.constant 16 : i32
        %add3A_666 = arith.addi %mul3A_634, %add3A_665 : i32
        %swap3A_667 = arith.constant 0 : i32
        %swap3A_668 = arith.index_cast %swap3A_667 : i32 to index
        %swap3A_669 = arith.index_cast %add3A_666 : i32 to index
        %swap3A_670 = tpu.vector_load %arg11[%swap3A_668, %swap3A_669] {strides = array<i32>} : memref<1x2048xf32, #tpu.memory_space<vmem>>, vector<1x16xf32>,
        %swap3A_671 = vector.shape_cast %swap3A_670 : vector<1x16xf32> to vector<16xf32>
        %swap3A_672 = vector.shape_cast %bitcast_convert_type3A_645 : vector<16xf32> to vector<1x16xf32>
        tpu.vector_store %arg11[%swap3A_668, %swap3A_669], %swap3A_672 {add = true, strides = array<i32>} : memref<1x2048xf32, #tpu.memory_space<vmem>>, vector<1x16xf32>,
      }
      %scan3A_247 = arith.constant 64 : i32
      %mul3A_248 = arith.constant 1 : i32
      %mul3A_249 = arith.muli %add3A_206, %mul3A_248 : i32
      %add3A_250 = arith.addi %mul3A_2, %mul3A_249 : i32
      %add3A_251 = arith.constant 2048 : i32
      %add3A_252 = arith.addi %add3A_251, %mul3A_2 : i32
      %mul3A_253 = arith.constant 1 : i32
      %mul3A_254 = arith.muli %add3A_206, %mul3A_253 : i32
      %add3A_255 = arith.addi %add3A_252, %mul3A_254 : i32
      %dma_start3A_256 = arith.constant 0 : i32
      %dma_start3A_257 = tpu.memref_slice %arg5[%add3A_250, %dma_start3A_256] : memref<4096x2048xf32, #tpu.memory_space<hbm>> -> memref<1x2048xf32, #tpu.memory_space<hbm>>
      %dma_start3A_258 = arith.constant 0 : i32
      %dma_start3A_259 = tpu.memref_slice %arg5[%add3A_250, %dma_start3A_258] : memref<4096x2048xf32, #tpu.memory_space<hbm>> -> memref<1x2048xf32, #tpu.memory_space<hbm>>
      tpu.enqueue_dma source(%arg10 : memref<1x2048xf32, #tpu.memory_space<vmem>>) target(%dma_start3A_259 : memref<1x2048xf32, #tpu.memory_space<hbm>>) target_semaphore(%arg34 : memref<!tpu.dma_semaphore, #tpu.memory_space<semaphore_mem>>)
      %dma_start3A_260 = arith.constant 0 : i32
      %dma_start3A_261 = tpu.memref_slice %arg5[%add3A_255, %dma_start3A_260] : memref<4096x2048xf32, #tpu.memory_space<hbm>> -> memref<1x2048xf32, #tpu.memory_space<hbm>>
      %dma_start3A_262 = arith.constant 0 : i32
      %dma_start3A_263 = tpu.memref_slice %arg5[%add3A_255, %dma_start3A_262] : memref<4096x2048xf32, #tpu.memory_space<hbm>> -> memref<1x2048xf32, #tpu.memory_space<hbm>>
      tpu.enqueue_dma source(%arg11 : memref<1x2048xf32, #tpu.memory_space<vmem>>) target(%dma_start3A_263 : memref<1x2048xf32, #tpu.memory_space<hbm>>) target_semaphore(%arg34 : memref<!tpu.dma_semaphore, #tpu.memory_space<semaphore_mem>>)
      %mul3A_264 = arith.constant 8 : i32
      %mul3A_265 = arith.muli %scan3A_145, %mul3A_264 : i32
      %add3A_266 = arith.constant 2 : i32
      %add3A_267 = arith.addi %mul3A_265, %add3A_266 : i32
      %ge3A_268 = arith.constant 4 : i32
      %ge3A_269 = arith.cmpi sge, %add3A_267, %ge3A_268 : i32
      %convert_element_type3A_270 = arith.extui %ge3A_269 : i1 to i32
      %cond3A_271 = arith.constant 0 : i32
      %cond3A_272 = arith.cmpi ne, %convert_element_type3A_270, %cond3A_271 : i32
      scf.if %cond3A_272 {
        %sub3A = arith.constant 4 : i32
        %sub3A_630 = arith.subi %add3A_267, %sub3A : i32
        %mul3A_631 = arith.constant 1 : i32
        %mul3A_632 = arith.muli %sub3A_630, %mul3A_631 : i32
        %add3A_633 = arith.addi %mul3A_2, %mul3A_632 : i32
        %add3A_634 = arith.constant 2048 : i32
        %add3A_635 = arith.addi %add3A_634, %mul3A_2 : i32
        %mul3A_636 = arith.constant 1 : i32
        %mul3A_637 = arith.muli %sub3A_630, %mul3A_636 : i32
        %add3A_638 = arith.addi %add3A_635, %mul3A_637 : i32
        %dma_wait3A_639 = arith.constant 0 : i32
        %dma_wait3A_640 = tpu.memref_slice %arg5[%add3A_633, %dma_wait3A_639] : memref<4096x2048xf32, #tpu.memory_space<hbm>> -> memref<1x2048xf32, #tpu.memory_space<hbm>>
        %dma_wait3A_641 = arith.constant 0 : i32
        %dma_wait3A_642 = tpu.memref_slice %arg5[%add3A_633, %dma_wait3A_641] : memref<4096x2048xf32, #tpu.memory_space<hbm>> -> memref<1x2048xf32, #tpu.memory_space<hbm>>
        tpu.wait_dma2 semaphore(%arg44 : memref<!tpu.dma_semaphore, #tpu.memory_space<semaphore_mem>>) src(%arg25 : memref<1x2048xf32, #tpu.memory_space<vmem>>) dst(%dma_wait3A_642 : memref<1x2048xf32, #tpu.memory_space<hbm>>)
        %dma_wait3A_643 = arith.constant 0 : i32
        %dma_wait3A_644 = tpu.memref_slice %arg5[%add3A_638, %dma_wait3A_643] : memref<4096x2048xf32, #tpu.memory_space<hbm>> -> memref<1x2048xf32, #tpu.memory_space<hbm>>
        %dma_wait3A_645 = arith.constant 0 : i32
        %dma_wait3A_646 = tpu.memref_slice %arg5[%add3A_638, %dma_wait3A_645] : memref<4096x2048xf32, #tpu.memory_space<hbm>> -> memref<1x2048xf32, #tpu.memory_space<hbm>>
        tpu.wait_dma2 semaphore(%arg44 : memref<!tpu.dma_semaphore, #tpu.memory_space<semaphore_mem>>) src(%arg26 : memref<1x2048xf32, #tpu.memory_space<vmem>>) dst(%dma_wait3A_646 : memref<1x2048xf32, #tpu.memory_space<hbm>>)
      } else {
      }
      %add3A_273 = arith.constant 4 : i32
      %add3A_274 = arith.addi %add3A_267, %add3A_273 : i32
      %lt3A_275 = arith.constant 64 : i32
      %lt3A_276 = arith.cmpi slt, %add3A_274, %lt3A_275 : i32
      %convert_element_type3A_277 = arith.extui %lt3A_276 : i1 to i32
      %cond3A_278 = arith.constant 0 : i32
      %cond3A_279 = arith.cmpi ne, %convert_element_type3A_277, %cond3A_278 : i32
      scf.if %cond3A_279 {
        %add3A_630 = arith.constant 4 : i32
        %add3A_631 = arith.addi %add3A_267, %add3A_630 : i32
        %mul3A_632 = arith.constant 1 : i32
        %mul3A_633 = arith.muli %add3A_631, %mul3A_632 : i32
        %mul3A_634 = arith.constant 1 : i32
        %mul3A_635 = arith.muli %add3A_631, %mul3A_634 : i32
        %mul3A_636 = arith.constant 1 : i32
        %mul3A_637 = arith.muli %add3A_631, %mul3A_636 : i32
        %add3A_638 = arith.addi %mul3A_2, %mul3A_637 : i32
        %dma_start3A_639 = arith.constant 0 : i32
        %dma_start3A_640 = tpu.memref_slice %arg6[%dma_start3A_639, %mul3A_633] : memref<2x64xi32, #tpu.memory_space<vmem>> -> memref<1x1xi32, #tpu.memory_space<vmem>>
        %dma_start3A_641 = tpu.memref_squeeze %dma_start3A_640 : memref<1x1xi32, #tpu.memory_space<vmem>> -> memref<1xi32, #tpu.memory_space<vmem>>
        %dma_start3A_642 = arith.constant 0 : i32
        %dma_start3A_643 = arith.constant 0 : i32
        %dma_start3A_644 = tpu.memref_slice %arg3[%dma_start3A_642, %dma_start3A_643] : memref<100000x2048xf32, #tpu.memory_space<hbm>> -> memref<100000x2048xf32, #tpu.memory_space<hbm>>
        tpu.enqueue_indirect_dma source(%dma_start3A_644 : memref<100000x2048xf32, #tpu.memory_space<hbm>>) target(%arg25 : memref<1x2048xf32, #tpu.memory_space<vmem>>) offsets(%dma_start3A_641 : memref<1xi32, #tpu.memory_space<vmem>>) semaphore(%arg43 : memref<!tpu.dma_semaphore, #tpu.memory_space<semaphore_mem>>)
        %dma_start3A_645 = arith.constant 1 : i32
        %dma_start3A_646 = tpu.memref_slice %arg6[%dma_start3A_645, %mul3A_635] : memref<2x64xi32, #tpu.memory_space<vmem>> -> memref<1x1xi32, #tpu.memory_space<vmem>>
        %dma_start3A_647 = tpu.memref_squeeze %dma_start3A_646 : memref<1x1xi32, #tpu.memory_space<vmem>> -> memref<1xi32, #tpu.memory_space<vmem>>
        %dma_start3A_648 = arith.constant 0 : i32
        %dma_start3A_649 = arith.constant 0 : i32
        %dma_start3A_650 = tpu.memref_slice %arg3[%dma_start3A_648, %dma_start3A_649] : memref<100000x2048xf32, #tpu.memory_space<hbm>> -> memref<100000x2048xf32, #tpu.memory_space<hbm>>
        tpu.enqueue_indirect_dma source(%dma_start3A_650 : memref<100000x2048xf32, #tpu.memory_space<hbm>>) target(%arg26 : memref<1x2048xf32, #tpu.memory_space<vmem>>) offsets(%dma_start3A_647 : memref<1xi32, #tpu.memory_space<vmem>>) semaphore(%arg43 : memref<!tpu.dma_semaphore, #tpu.memory_space<semaphore_mem>>)
        %dma_start3A_651 = arith.constant 0 : i32
        %dma_start3A_652 = tpu.memref_slice %arg4[%add3A_638, %dma_start3A_651] : memref<2048x1024xi32, #tpu.memory_space<hbm>> -> memref<1x1024xi32, #tpu.memory_space<hbm>>
        %dma_start3A_653 = arith.constant 0 : i32
        %dma_start3A_654 = tpu.memref_slice %arg4[%add3A_638, %dma_start3A_653] : memref<2048x1024xi32, #tpu.memory_space<hbm>> -> memref<1x1024xi32, #tpu.memory_space<hbm>>
        tpu.enqueue_dma source(%dma_start3A_654 : memref<1x1024xi32, #tpu.memory_space<hbm>>) target(%arg27 : memref<1x1024xi32, #tpu.memory_space<vmem>>) target_semaphore(%arg43 : memref<!tpu.dma_semaphore, #tpu.memory_space<semaphore_mem>>)
      } else {
      }
      %mul3A_280 = arith.constant 1 : i32
      %mul3A_281 = arith.muli %add3A_267, %mul3A_280 : i32
      %mul3A_282 = arith.constant 1 : i32
      %mul3A_283 = arith.muli %add3A_267, %mul3A_282 : i32
      %mul3A_284 = arith.constant 1 : i32
      %mul3A_285 = arith.muli %add3A_267, %mul3A_284 : i32
      %add3A_286 = arith.addi %mul3A_2, %mul3A_285 : i32
      %dma_wait3A_287 = arith.constant 0 : i32
      %dma_wait3A_288 = tpu.memref_slice %arg6[%dma_wait3A_287, %mul3A_281] : memref<2x64xi32, #tpu.memory_space<vmem>> -> memref<1x1xi32, #tpu.memory_space<vmem>>
      %dma_wait3A_289 = tpu.memref_squeeze %dma_wait3A_288 : memref<1x1xi32, #tpu.memory_space<vmem>> -> memref<1xi32, #tpu.memory_space<vmem>>
      %dma_wait3A_290 = arith.constant 0 : i32
      %dma_wait3A_291 = arith.constant 0 : i32
      %dma_wait3A_292 = tpu.memref_slice %arg3[%dma_wait3A_290, %dma_wait3A_291] : memref<100000x2048xf32, #tpu.memory_space<hbm>> -> memref<100000x2048xf32, #tpu.memory_space<hbm>>
      tpu.wait_indirect_dma semaphore(%arg35 : memref<!tpu.dma_semaphore, #tpu.memory_space<semaphore_mem>>) src(%dma_wait3A_292 : memref<100000x2048xf32, #tpu.memory_space<hbm>>) dst(%arg13 : memref<1x2048xf32, #tpu.memory_space<vmem>>)
      %dma_wait3A_293 = arith.constant 1 : i32
      %dma_wait3A_294 = tpu.memref_slice %arg6[%dma_wait3A_293, %mul3A_283] : memref<2x64xi32, #tpu.memory_space<vmem>> -> memref<1x1xi32, #tpu.memory_space<vmem>>
      %dma_wait3A_295 = tpu.memref_squeeze %dma_wait3A_294 : memref<1x1xi32, #tpu.memory_space<vmem>> -> memref<1xi32, #tpu.memory_space<vmem>>
      %dma_wait3A_296 = arith.constant 0 : i32
      %dma_wait3A_297 = arith.constant 0 : i32
      %dma_wait3A_298 = tpu.memref_slice %arg3[%dma_wait3A_296, %dma_wait3A_297] : memref<100000x2048xf32, #tpu.memory_space<hbm>> -> memref<100000x2048xf32, #tpu.memory_space<hbm>>
      tpu.wait_indirect_dma semaphore(%arg35 : memref<!tpu.dma_semaphore, #tpu.memory_space<semaphore_mem>>) src(%dma_wait3A_298 : memref<100000x2048xf32, #tpu.memory_space<hbm>>) dst(%arg14 : memref<1x2048xf32, #tpu.memory_space<vmem>>)
      %dma_wait3A_299 = arith.constant 0 : i32
      %dma_wait3A_300 = tpu.memref_slice %arg4[%add3A_286, %dma_wait3A_299] : memref<2048x1024xi32, #tpu.memory_space<hbm>> -> memref<1x1024xi32, #tpu.memory_space<hbm>>
      %dma_wait3A_301 = arith.constant 0 : i32
      %dma_wait3A_302 = tpu.memref_slice %arg4[%add3A_286, %dma_wait3A_301] : memref<2048x1024xi32, #tpu.memory_space<hbm>> -> memref<1x1024xi32, #tpu.memory_space<hbm>>
      tpu.wait_dma2 semaphore(%arg35 : memref<!tpu.dma_semaphore, #tpu.memory_space<semaphore_mem>>) src(%dma_wait3A_302 : memref<1x1024xi32, #tpu.memory_space<hbm>>) dst(%arg15 : memref<1x1024xi32, #tpu.memory_space<vmem>>)
      %scan3A_303 = arith.constant 0 : i32
      %scan3A_304 = arith.constant 0 : i32
      %scan3A_305 = arith.constant 64 : i32
      %scan3A_306 = arith.addi %scan3A_304, %scan3A_305 : i32
      %scan3A_307 = arith.constant 1 : i32
      scf.for %scan3A_630 = %scan3A_304 to %scan3A_306 step %scan3A_307  : i32 {
        %mul3A_631 = arith.constant 2 : i32
        %mul3A_632 = arith.muli %scan3A_630, %mul3A_631 : i32
        %mul3A_633 = arith.constant 16 : i32
        %mul3A_634 = arith.muli %mul3A_632, %mul3A_633 : i32
        %mul3A_635 = arith.constant 16 : i32
        %mul3A_636 = arith.muli %scan3A_630, %mul3A_635 : i32
        %get3A = arith.constant 0 : i32
        %get3A_637 = arith.index_cast %get3A : i32 to index
        %get3A_638 = arith.index_cast %mul3A_636 : i32 to index
        %get3A_639 = tpu.vector_load %arg15[%get3A_637, %get3A_638] {strides = array<i32>} : memref<1x1024xi32, #tpu.memory_space<vmem>>, vector<1x16xi32>,
        %get3A_640 = vector.shape_cast %get3A_639 : vector<1x16xi32> to vector<16xi32>
        %shift_left3A = arith.constant 16 : i32
        %shift_left3A_641 = vector.broadcast %shift_left3A : i32 to vector<16xi32>
        %shift_left3A_642 = arith.shli %get3A_640, %shift_left3A_641 : vector<16xi32>
        %bitcast_convert_type3A = tpu.bitcast %shift_left3A_642 : vector<16xi32> -> vector<16xf32>
        %and3A = arith.constant -65536 : i32
        %and3A_643 = vector.broadcast %and3A : i32 to vector<16xi32>
        %and3A_644 = arith.andi %get3A_640, %and3A_643 : vector<16xi32>
        %bitcast_convert_type3A_645 = tpu.bitcast %and3A_644 : vector<16xi32> -> vector<16xf32>
        %swap3A = arith.constant 0 : i32
        %swap3A_646 = arith.index_cast %swap3A : i32 to index
        %swap3A_647 = arith.index_cast %mul3A_634 : i32 to index
        %swap3A_648 = tpu.vector_load %arg13[%swap3A_646, %swap3A_647] {strides = array<i32>} : memref<1x2048xf32, #tpu.memory_space<vmem>>, vector<1x16xf32>,
        %swap3A_649 = vector.shape_cast %swap3A_648 : vector<1x16xf32> to vector<16xf32>
        %swap3A_650 = vector.shape_cast %bitcast_convert_type3A : vector<16xf32> to vector<1x16xf32>
        tpu.vector_store %arg13[%swap3A_646, %swap3A_647], %swap3A_650 {add = true, strides = array<i32>} : memref<1x2048xf32, #tpu.memory_space<vmem>>, vector<1x16xf32>,
        %swap3A_651 = arith.constant 0 : i32
        %swap3A_652 = arith.index_cast %swap3A_651 : i32 to index
        %swap3A_653 = arith.index_cast %mul3A_634 : i32 to index
        %swap3A_654 = tpu.vector_load %arg14[%swap3A_652, %swap3A_653] {strides = array<i32>} : memref<1x2048xf32, #tpu.memory_space<vmem>>, vector<1x16xf32>,
        %swap3A_655 = vector.shape_cast %swap3A_654 : vector<1x16xf32> to vector<16xf32>
        %swap3A_656 = vector.shape_cast %bitcast_convert_type3A : vector<16xf32> to vector<1x16xf32>
        tpu.vector_store %arg14[%swap3A_652, %swap3A_653], %swap3A_656 {add = true, strides = array<i32>} : memref<1x2048xf32, #tpu.memory_space<vmem>>, vector<1x16xf32>,
        %add3A_657 = arith.constant 16 : i32
        %add3A_658 = arith.addi %mul3A_634, %add3A_657 : i32
        %swap3A_659 = arith.constant 0 : i32
        %swap3A_660 = arith.index_cast %swap3A_659 : i32 to index
        %swap3A_661 = arith.index_cast %add3A_658 : i32 to index
        %swap3A_662 = tpu.vector_load %arg13[%swap3A_660, %swap3A_661] {strides = array<i32>} : memref<1x2048xf32, #tpu.memory_space<vmem>>, vector<1x16xf32>,
        %swap3A_663 = vector.shape_cast %swap3A_662 : vector<1x16xf32> to vector<16xf32>
        %swap3A_664 = vector.shape_cast %bitcast_convert_type3A_645 : vector<16xf32> to vector<1x16xf32>
        tpu.vector_store %arg13[%swap3A_660, %swap3A_661], %swap3A_664 {add = true, strides = array<i32>} : memref<1x2048xf32, #tpu.memory_space<vmem>>, vector<1x16xf32>,
        %add3A_665 = arith.constant 16 : i32
        %add3A_666 = arith.addi %mul3A_634, %add3A_665 : i32
        %swap3A_667 = arith.constant 0 : i32
        %swap3A_668 = arith.index_cast %swap3A_667 : i32 to index
        %swap3A_669 = arith.index_cast %add3A_666 : i32 to index
        %swap3A_670 = tpu.vector_load %arg14[%swap3A_668, %swap3A_669] {strides = array<i32>} : memref<1x2048xf32, #tpu.memory_space<vmem>>, vector<1x16xf32>,
        %swap3A_671 = vector.shape_cast %swap3A_670 : vector<1x16xf32> to vector<16xf32>
        %swap3A_672 = vector.shape_cast %bitcast_convert_type3A_645 : vector<16xf32> to vector<1x16xf32>
        tpu.vector_store %arg14[%swap3A_668, %swap3A_669], %swap3A_672 {add = true, strides = array<i32>} : memref<1x2048xf32, #tpu.memory_space<vmem>>, vector<1x16xf32>,
      }
      %scan3A_308 = arith.constant 64 : i32
      %mul3A_309 = arith.constant 1 : i32
      %mul3A_310 = arith.muli %add3A_267, %mul3A_309 : i32
      %add3A_311 = arith.addi %mul3A_2, %mul3A_310 : i32
      %add3A_312 = arith.constant 2048 : i32
      %add3A_313 = arith.addi %add3A_312, %mul3A_2 : i32
      %mul3A_314 = arith.constant 1 : i32
      %mul3A_315 = arith.muli %add3A_267, %mul3A_314 : i32
      %add3A_316 = arith.addi %add3A_313, %mul3A_315 : i32
      %dma_start3A_317 = arith.constant 0 : i32
      %dma_start3A_318 = tpu.memref_slice %arg5[%add3A_311, %dma_start3A_317] : memref<4096x2048xf32, #tpu.memory_space<hbm>> -> memref<1x2048xf32, #tpu.memory_space<hbm>>
      %dma_start3A_319 = arith.constant 0 : i32
      %dma_start3A_320 = tpu.memref_slice %arg5[%add3A_311, %dma_start3A_319] : memref<4096x2048xf32, #tpu.memory_space<hbm>> -> memref<1x2048xf32, #tpu.memory_space<hbm>>
      tpu.enqueue_dma source(%arg13 : memref<1x2048xf32, #tpu.memory_space<vmem>>) target(%dma_start3A_320 : memref<1x2048xf32, #tpu.memory_space<hbm>>) target_semaphore(%arg36 : memref<!tpu.dma_semaphore, #tpu.memory_space<semaphore_mem>>)
      %dma_start3A_321 = arith.constant 0 : i32
      %dma_start3A_322 = tpu.memref_slice %arg5[%add3A_316, %dma_start3A_321] : memref<4096x2048xf32, #tpu.memory_space<hbm>> -> memref<1x2048xf32, #tpu.memory_space<hbm>>
      %dma_start3A_323 = arith.constant 0 : i32
      %dma_start3A_324 = tpu.memref_slice %arg5[%add3A_316, %dma_start3A_323] : memref<4096x2048xf32, #tpu.memory_space<hbm>> -> memref<1x2048xf32, #tpu.memory_space<hbm>>
      tpu.enqueue_dma source(%arg14 : memref<1x2048xf32, #tpu.memory_space<vmem>>) target(%dma_start3A_324 : memref<1x2048xf32, #tpu.memory_space<hbm>>) target_semaphore(%arg36 : memref<!tpu.dma_semaphore, #tpu.memory_space<semaphore_mem>>)
      %mul3A_325 = arith.constant 8 : i32
      %mul3A_326 = arith.muli %scan3A_145, %mul3A_325 : i32
      %add3A_327 = arith.constant 3 : i32
      %add3A_328 = arith.addi %mul3A_326, %add3A_327 : i32
      %ge3A_329 = arith.constant 4 : i32
      %ge3A_330 = arith.cmpi sge, %add3A_328, %ge3A_329 : i32
      %convert_element_type3A_331 = arith.extui %ge3A_330 : i1 to i32
      %cond3A_332 = arith.constant 0 : i32
      %cond3A_333 = arith.cmpi ne, %convert_element_type3A_331, %cond3A_332 : i32
      scf.if %cond3A_333 {
        %sub3A = arith.constant 4 : i32
        %sub3A_630 = arith.subi %add3A_328, %sub3A : i32
        %mul3A_631 = arith.constant 1 : i32
        %mul3A_632 = arith.muli %sub3A_630, %mul3A_631 : i32
        %add3A_633 = arith.addi %mul3A_2, %mul3A_632 : i32
        %add3A_634 = arith.constant 2048 : i32
        %add3A_635 = arith.addi %add3A_634, %mul3A_2 : i32
        %mul3A_636 = arith.constant 1 : i32
        %mul3A_637 = arith.muli %sub3A_630, %mul3A_636 : i32
        %add3A_638 = arith.addi %add3A_635, %mul3A_637 : i32
        %dma_wait3A_639 = arith.constant 0 : i32
        %dma_wait3A_640 = tpu.memref_slice %arg5[%add3A_633, %dma_wait3A_639] : memref<4096x2048xf32, #tpu.memory_space<hbm>> -> memref<1x2048xf32, #tpu.memory_space<hbm>>
        %dma_wait3A_641 = arith.constant 0 : i32
        %dma_wait3A_642 = tpu.memref_slice %arg5[%add3A_633, %dma_wait3A_641] : memref<4096x2048xf32, #tpu.memory_space<hbm>> -> memref<1x2048xf32, #tpu.memory_space<hbm>>
        tpu.wait_dma2 semaphore(%arg46 : memref<!tpu.dma_semaphore, #tpu.memory_space<semaphore_mem>>) src(%arg28 : memref<1x2048xf32, #tpu.memory_space<vmem>>) dst(%dma_wait3A_642 : memref<1x2048xf32, #tpu.memory_space<hbm>>)
        %dma_wait3A_643 = arith.constant 0 : i32
        %dma_wait3A_644 = tpu.memref_slice %arg5[%add3A_638, %dma_wait3A_643] : memref<4096x2048xf32, #tpu.memory_space<hbm>> -> memref<1x2048xf32, #tpu.memory_space<hbm>>
        %dma_wait3A_645 = arith.constant 0 : i32
        %dma_wait3A_646 = tpu.memref_slice %arg5[%add3A_638, %dma_wait3A_645] : memref<4096x2048xf32, #tpu.memory_space<hbm>> -> memref<1x2048xf32, #tpu.memory_space<hbm>>
        tpu.wait_dma2 semaphore(%arg46 : memref<!tpu.dma_semaphore, #tpu.memory_space<semaphore_mem>>) src(%arg29 : memref<1x2048xf32, #tpu.memory_space<vmem>>) dst(%dma_wait3A_646 : memref<1x2048xf32, #tpu.memory_space<hbm>>)
      } else {
      }
      %add3A_334 = arith.constant 4 : i32
      %add3A_335 = arith.addi %add3A_328, %add3A_334 : i32
      %lt3A_336 = arith.constant 64 : i32
      %lt3A_337 = arith.cmpi slt, %add3A_335, %lt3A_336 : i32
      %convert_element_type3A_338 = arith.extui %lt3A_337 : i1 to i32
      %cond3A_339 = arith.constant 0 : i32
      %cond3A_340 = arith.cmpi ne, %convert_element_type3A_338, %cond3A_339 : i32
      scf.if %cond3A_340 {
        %add3A_630 = arith.constant 4 : i32
        %add3A_631 = arith.addi %add3A_328, %add3A_630 : i32
        %mul3A_632 = arith.constant 1 : i32
        %mul3A_633 = arith.muli %add3A_631, %mul3A_632 : i32
        %mul3A_634 = arith.constant 1 : i32
        %mul3A_635 = arith.muli %add3A_631, %mul3A_634 : i32
        %mul3A_636 = arith.constant 1 : i32
        %mul3A_637 = arith.muli %add3A_631, %mul3A_636 : i32
        %add3A_638 = arith.addi %mul3A_2, %mul3A_637 : i32
        %dma_start3A_639 = arith.constant 0 : i32
        %dma_start3A_640 = tpu.memref_slice %arg6[%dma_start3A_639, %mul3A_633] : memref<2x64xi32, #tpu.memory_space<vmem>> -> memref<1x1xi32, #tpu.memory_space<vmem>>
        %dma_start3A_641 = tpu.memref_squeeze %dma_start3A_640 : memref<1x1xi32, #tpu.memory_space<vmem>> -> memref<1xi32, #tpu.memory_space<vmem>>
        %dma_start3A_642 = arith.constant 0 : i32
        %dma_start3A_643 = arith.constant 0 : i32
        %dma_start3A_644 = tpu.memref_slice %arg3[%dma_start3A_642, %dma_start3A_643] : memref<100000x2048xf32, #tpu.memory_space<hbm>> -> memref<100000x2048xf32, #tpu.memory_space<hbm>>
        tpu.enqueue_indirect_dma source(%dma_start3A_644 : memref<100000x2048xf32, #tpu.memory_space<hbm>>) target(%arg28 : memref<1x2048xf32, #tpu.memory_space<vmem>>) offsets(%dma_start3A_641 : memref<1xi32, #tpu.memory_space<vmem>>) semaphore(%arg45 : memref<!tpu.dma_semaphore, #tpu.memory_space<semaphore_mem>>)
        %dma_start3A_645 = arith.constant 1 : i32
        %dma_start3A_646 = tpu.memref_slice %arg6[%dma_start3A_645, %mul3A_635] : memref<2x64xi32, #tpu.memory_space<vmem>> -> memref<1x1xi32, #tpu.memory_space<vmem>>
        %dma_start3A_647 = tpu.memref_squeeze %dma_start3A_646 : memref<1x1xi32, #tpu.memory_space<vmem>> -> memref<1xi32, #tpu.memory_space<vmem>>
        %dma_start3A_648 = arith.constant 0 : i32
        %dma_start3A_649 = arith.constant 0 : i32
        %dma_start3A_650 = tpu.memref_slice %arg3[%dma_start3A_648, %dma_start3A_649] : memref<100000x2048xf32, #tpu.memory_space<hbm>> -> memref<100000x2048xf32, #tpu.memory_space<hbm>>
        tpu.enqueue_indirect_dma source(%dma_start3A_650 : memref<100000x2048xf32, #tpu.memory_space<hbm>>) target(%arg29 : memref<1x2048xf32, #tpu.memory_space<vmem>>) offsets(%dma_start3A_647 : memref<1xi32, #tpu.memory_space<vmem>>) semaphore(%arg45 : memref<!tpu.dma_semaphore, #tpu.memory_space<semaphore_mem>>)
        %dma_start3A_651 = arith.constant 0 : i32
        %dma_start3A_652 = tpu.memref_slice %arg4[%add3A_638, %dma_start3A_651] : memref<2048x1024xi32, #tpu.memory_space<hbm>> -> memref<1x1024xi32, #tpu.memory_space<hbm>>
        %dma_start3A_653 = arith.constant 0 : i32
        %dma_start3A_654 = tpu.memref_slice %arg4[%add3A_638, %dma_start3A_653] : memref<2048x1024xi32, #tpu.memory_space<hbm>> -> memref<1x1024xi32, #tpu.memory_space<hbm>>
        tpu.enqueue_dma source(%dma_start3A_654 : memref<1x1024xi32, #tpu.memory_space<hbm>>) target(%arg30 : memref<1x1024xi32, #tpu.memory_space<vmem>>) target_semaphore(%arg45 : memref<!tpu.dma_semaphore, #tpu.memory_space<semaphore_mem>>)
      } else {
      }
      %mul3A_341 = arith.constant 1 : i32
      %mul3A_342 = arith.muli %add3A_328, %mul3A_341 : i32
      %mul3A_343 = arith.constant 1 : i32
      %mul3A_344 = arith.muli %add3A_328, %mul3A_343 : i32
      %mul3A_345 = arith.constant 1 : i32
      %mul3A_346 = arith.muli %add3A_328, %mul3A_345 : i32
      %add3A_347 = arith.addi %mul3A_2, %mul3A_346 : i32
      %dma_wait3A_348 = arith.constant 0 : i32
      %dma_wait3A_349 = tpu.memref_slice %arg6[%dma_wait3A_348, %mul3A_342] : memref<2x64xi32, #tpu.memory_space<vmem>> -> memref<1x1xi32, #tpu.memory_space<vmem>>
      %dma_wait3A_350 = tpu.memref_squeeze %dma_wait3A_349 : memref<1x1xi32, #tpu.memory_space<vmem>> -> memref<1xi32, #tpu.memory_space<vmem>>
      %dma_wait3A_351 = arith.constant 0 : i32
      %dma_wait3A_352 = arith.constant 0 : i32
      %dma_wait3A_353 = tpu.memref_slice %arg3[%dma_wait3A_351, %dma_wait3A_352] : memref<100000x2048xf32, #tpu.memory_space<hbm>> -> memref<100000x2048xf32, #tpu.memory_space<hbm>>
      tpu.wait_indirect_dma semaphore(%arg37 : memref<!tpu.dma_semaphore, #tpu.memory_space<semaphore_mem>>) src(%dma_wait3A_353 : memref<100000x2048xf32, #tpu.memory_space<hbm>>) dst(%arg16 : memref<1x2048xf32, #tpu.memory_space<vmem>>)
      %dma_wait3A_354 = arith.constant 1 : i32
      %dma_wait3A_355 = tpu.memref_slice %arg6[%dma_wait3A_354, %mul3A_344] : memref<2x64xi32, #tpu.memory_space<vmem>> -> memref<1x1xi32, #tpu.memory_space<vmem>>
      %dma_wait3A_356 = tpu.memref_squeeze %dma_wait3A_355 : memref<1x1xi32, #tpu.memory_space<vmem>> -> memref<1xi32, #tpu.memory_space<vmem>>
      %dma_wait3A_357 = arith.constant 0 : i32
      %dma_wait3A_358 = arith.constant 0 : i32
      %dma_wait3A_359 = tpu.memref_slice %arg3[%dma_wait3A_357, %dma_wait3A_358] : memref<100000x2048xf32, #tpu.memory_space<hbm>> -> memref<100000x2048xf32, #tpu.memory_space<hbm>>
      tpu.wait_indirect_dma semaphore(%arg37 : memref<!tpu.dma_semaphore, #tpu.memory_space<semaphore_mem>>) src(%dma_wait3A_359 : memref<100000x2048xf32, #tpu.memory_space<hbm>>) dst(%arg17 : memref<1x2048xf32, #tpu.memory_space<vmem>>)
      %dma_wait3A_360 = arith.constant 0 : i32
      %dma_wait3A_361 = tpu.memref_slice %arg4[%add3A_347, %dma_wait3A_360] : memref<2048x1024xi32, #tpu.memory_space<hbm>> -> memref<1x1024xi32, #tpu.memory_space<hbm>>
      %dma_wait3A_362 = arith.constant 0 : i32
      %dma_wait3A_363 = tpu.memref_slice %arg4[%add3A_347, %dma_wait3A_362] : memref<2048x1024xi32, #tpu.memory_space<hbm>> -> memref<1x1024xi32, #tpu.memory_space<hbm>>
      tpu.wait_dma2 semaphore(%arg37 : memref<!tpu.dma_semaphore, #tpu.memory_space<semaphore_mem>>) src(%dma_wait3A_363 : memref<1x1024xi32, #tpu.memory_space<hbm>>) dst(%arg18 : memref<1x1024xi32, #tpu.memory_space<vmem>>)
      %scan3A_364 = arith.constant 0 : i32
      %scan3A_365 = arith.constant 0 : i32
      %scan3A_366 = arith.constant 64 : i32
      %scan3A_367 = arith.addi %scan3A_365, %scan3A_366 : i32
      %scan3A_368 = arith.constant 1 : i32
      scf.for %scan3A_630 = %scan3A_365 to %scan3A_367 step %scan3A_368  : i32 {
        %mul3A_631 = arith.constant 2 : i32
        %mul3A_632 = arith.muli %scan3A_630, %mul3A_631 : i32
        %mul3A_633 = arith.constant 16 : i32
        %mul3A_634 = arith.muli %mul3A_632, %mul3A_633 : i32
        %mul3A_635 = arith.constant 16 : i32
        %mul3A_636 = arith.muli %scan3A_630, %mul3A_635 : i32
        %get3A = arith.constant 0 : i32
        %get3A_637 = arith.index_cast %get3A : i32 to index
        %get3A_638 = arith.index_cast %mul3A_636 : i32 to index
        %get3A_639 = tpu.vector_load %arg18[%get3A_637, %get3A_638] {strides = array<i32>} : memref<1x1024xi32, #tpu.memory_space<vmem>>, vector<1x16xi32>,
        %get3A_640 = vector.shape_cast %get3A_639 : vector<1x16xi32> to vector<16xi32>
        %shift_left3A = arith.constant 16 : i32
        %shift_left3A_641 = vector.broadcast %shift_left3A : i32 to vector<16xi32>
        %shift_left3A_642 = arith.shli %get3A_640, %shift_left3A_641 : vector<16xi32>
        %bitcast_convert_type3A = tpu.bitcast %shift_left3A_642 : vector<16xi32> -> vector<16xf32>
        %and3A = arith.constant -65536 : i32
        %and3A_643 = vector.broadcast %and3A : i32 to vector<16xi32>
        %and3A_644 = arith.andi %get3A_640, %and3A_643 : vector<16xi32>
        %bitcast_convert_type3A_645 = tpu.bitcast %and3A_644 : vector<16xi32> -> vector<16xf32>
        %swap3A = arith.constant 0 : i32
        %swap3A_646 = arith.index_cast %swap3A : i32 to index
        %swap3A_647 = arith.index_cast %mul3A_634 : i32 to index
        %swap3A_648 = tpu.vector_load %arg16[%swap3A_646, %swap3A_647] {strides = array<i32>} : memref<1x2048xf32, #tpu.memory_space<vmem>>, vector<1x16xf32>,
        %swap3A_649 = vector.shape_cast %swap3A_648 : vector<1x16xf32> to vector<16xf32>
        %swap3A_650 = vector.shape_cast %bitcast_convert_type3A : vector<16xf32> to vector<1x16xf32>
        tpu.vector_store %arg16[%swap3A_646, %swap3A_647], %swap3A_650 {add = true, strides = array<i32>} : memref<1x2048xf32, #tpu.memory_space<vmem>>, vector<1x16xf32>,
        %swap3A_651 = arith.constant 0 : i32
        %swap3A_652 = arith.index_cast %swap3A_651 : i32 to index
        %swap3A_653 = arith.index_cast %mul3A_634 : i32 to index
        %swap3A_654 = tpu.vector_load %arg17[%swap3A_652, %swap3A_653] {strides = array<i32>} : memref<1x2048xf32, #tpu.memory_space<vmem>>, vector<1x16xf32>,
        %swap3A_655 = vector.shape_cast %swap3A_654 : vector<1x16xf32> to vector<16xf32>
        %swap3A_656 = vector.shape_cast %bitcast_convert_type3A : vector<16xf32> to vector<1x16xf32>
        tpu.vector_store %arg17[%swap3A_652, %swap3A_653], %swap3A_656 {add = true, strides = array<i32>} : memref<1x2048xf32, #tpu.memory_space<vmem>>, vector<1x16xf32>,
        %add3A_657 = arith.constant 16 : i32
        %add3A_658 = arith.addi %mul3A_634, %add3A_657 : i32
        %swap3A_659 = arith.constant 0 : i32
        %swap3A_660 = arith.index_cast %swap3A_659 : i32 to index
        %swap3A_661 = arith.index_cast %add3A_658 : i32 to index
        %swap3A_662 = tpu.vector_load %arg16[%swap3A_660, %swap3A_661] {strides = array<i32>} : memref<1x2048xf32, #tpu.memory_space<vmem>>, vector<1x16xf32>,
        %swap3A_663 = vector.shape_cast %swap3A_662 : vector<1x16xf32> to vector<16xf32>
        %swap3A_664 = vector.shape_cast %bitcast_convert_type3A_645 : vector<16xf32> to vector<1x16xf32>
        tpu.vector_store %arg16[%swap3A_660, %swap3A_661], %swap3A_664 {add = true, strides = array<i32>} : memref<1x2048xf32, #tpu.memory_space<vmem>>, vector<1x16xf32>,
        %add3A_665 = arith.constant 16 : i32
        %add3A_666 = arith.addi %mul3A_634, %add3A_665 : i32
        %swap3A_667 = arith.constant 0 : i32
        %swap3A_668 = arith.index_cast %swap3A_667 : i32 to index
        %swap3A_669 = arith.index_cast %add3A_666 : i32 to index
        %swap3A_670 = tpu.vector_load %arg17[%swap3A_668, %swap3A_669] {strides = array<i32>} : memref<1x2048xf32, #tpu.memory_space<vmem>>, vector<1x16xf32>,
        %swap3A_671 = vector.shape_cast %swap3A_670 : vector<1x16xf32> to vector<16xf32>
        %swap3A_672 = vector.shape_cast %bitcast_convert_type3A_645 : vector<16xf32> to vector<1x16xf32>
        tpu.vector_store %arg17[%swap3A_668, %swap3A_669], %swap3A_672 {add = true, strides = array<i32>} : memref<1x2048xf32, #tpu.memory_space<vmem>>, vector<1x16xf32>,
      }
      %scan3A_369 = arith.constant 64 : i32
      %mul3A_370 = arith.constant 1 : i32
      %mul3A_371 = arith.muli %add3A_328, %mul3A_370 : i32
      %add3A_372 = arith.addi %mul3A_2, %mul3A_371 : i32
      %add3A_373 = arith.constant 2048 : i32
      %add3A_374 = arith.addi %add3A_373, %mul3A_2 : i32
      %mul3A_375 = arith.constant 1 : i32
      %mul3A_376 = arith.muli %add3A_328, %mul3A_375 : i32
      %add3A_377 = arith.addi %add3A_374, %mul3A_376 : i32
      %dma_start3A_378 = arith.constant 0 : i32
      %dma_start3A_379 = tpu.memref_slice %arg5[%add3A_372, %dma_start3A_378] : memref<4096x2048xf32, #tpu.memory_space<hbm>> -> memref<1x2048xf32, #tpu.memory_space<hbm>>
      %dma_start3A_380 = arith.constant 0 : i32
      %dma_start3A_381 = tpu.memref_slice %arg5[%add3A_372, %dma_start3A_380] : memref<4096x2048xf32, #tpu.memory_space<hbm>> -> memref<1x2048xf32, #tpu.memory_space<hbm>>
      tpu.enqueue_dma source(%arg16 : memref<1x2048xf32, #tpu.memory_space<vmem>>) target(%dma_start3A_381 : memref<1x2048xf32, #tpu.memory_space<hbm>>) target_semaphore(%arg38 : memref<!tpu.dma_semaphore, #tpu.memory_space<semaphore_mem>>)
      %dma_start3A_382 = arith.constant 0 : i32
      %dma_start3A_383 = tpu.memref_slice %arg5[%add3A_377, %dma_start3A_382] : memref<4096x2048xf32, #tpu.memory_space<hbm>> -> memref<1x2048xf32, #tpu.memory_space<hbm>>
      %dma_start3A_384 = arith.constant 0 : i32
      %dma_start3A_385 = tpu.memref_slice %arg5[%add3A_377, %dma_start3A_384] : memref<4096x2048xf32, #tpu.memory_space<hbm>> -> memref<1x2048xf32, #tpu.memory_space<hbm>>
      tpu.enqueue_dma source(%arg17 : memref<1x2048xf32, #tpu.memory_space<vmem>>) target(%dma_start3A_385 : memref<1x2048xf32, #tpu.memory_space<hbm>>) target_semaphore(%arg38 : memref<!tpu.dma_semaphore, #tpu.memory_space<semaphore_mem>>)
      %mul3A_386 = arith.constant 8 : i32
      %mul3A_387 = arith.muli %scan3A_145, %mul3A_386 : i32
      %add3A_388 = arith.constant 4 : i32
      %add3A_389 = arith.addi %mul3A_387, %add3A_388 : i32
      %ge3A_390 = arith.constant 4 : i32
      %ge3A_391 = arith.cmpi sge, %add3A_389, %ge3A_390 : i32
      %convert_element_type3A_392 = arith.extui %ge3A_391 : i1 to i32
      %cond3A_393 = arith.constant 0 : i32
      %cond3A_394 = arith.cmpi ne, %convert_element_type3A_392, %cond3A_393 : i32
      scf.if %cond3A_394 {
        %sub3A = arith.constant 4 : i32
        %sub3A_630 = arith.subi %add3A_389, %sub3A : i32
        %mul3A_631 = arith.constant 1 : i32
        %mul3A_632 = arith.muli %sub3A_630, %mul3A_631 : i32
        %add3A_633 = arith.addi %mul3A_2, %mul3A_632 : i32
        %add3A_634 = arith.constant 2048 : i32
        %add3A_635 = arith.addi %add3A_634, %mul3A_2 : i32
        %mul3A_636 = arith.constant 1 : i32
        %mul3A_637 = arith.muli %sub3A_630, %mul3A_636 : i32
        %add3A_638 = arith.addi %add3A_635, %mul3A_637 : i32
        %dma_wait3A_639 = arith.constant 0 : i32
        %dma_wait3A_640 = tpu.memref_slice %arg5[%add3A_633, %dma_wait3A_639] : memref<4096x2048xf32, #tpu.memory_space<hbm>> -> memref<1x2048xf32, #tpu.memory_space<hbm>>
        %dma_wait3A_641 = arith.constant 0 : i32
        %dma_wait3A_642 = tpu.memref_slice %arg5[%add3A_633, %dma_wait3A_641] : memref<4096x2048xf32, #tpu.memory_space<hbm>> -> memref<1x2048xf32, #tpu.memory_space<hbm>>
        tpu.wait_dma2 semaphore(%arg32 : memref<!tpu.dma_semaphore, #tpu.memory_space<semaphore_mem>>) src(%arg7 : memref<1x2048xf32, #tpu.memory_space<vmem>>) dst(%dma_wait3A_642 : memref<1x2048xf32, #tpu.memory_space<hbm>>)
        %dma_wait3A_643 = arith.constant 0 : i32
        %dma_wait3A_644 = tpu.memref_slice %arg5[%add3A_638, %dma_wait3A_643] : memref<4096x2048xf32, #tpu.memory_space<hbm>> -> memref<1x2048xf32, #tpu.memory_space<hbm>>
        %dma_wait3A_645 = arith.constant 0 : i32
        %dma_wait3A_646 = tpu.memref_slice %arg5[%add3A_638, %dma_wait3A_645] : memref<4096x2048xf32, #tpu.memory_space<hbm>> -> memref<1x2048xf32, #tpu.memory_space<hbm>>
        tpu.wait_dma2 semaphore(%arg32 : memref<!tpu.dma_semaphore, #tpu.memory_space<semaphore_mem>>) src(%arg8 : memref<1x2048xf32, #tpu.memory_space<vmem>>) dst(%dma_wait3A_646 : memref<1x2048xf32, #tpu.memory_space<hbm>>)
      } else {
      }
      %add3A_395 = arith.constant 4 : i32
      %add3A_396 = arith.addi %add3A_389, %add3A_395 : i32
      %lt3A_397 = arith.constant 64 : i32
      %lt3A_398 = arith.cmpi slt, %add3A_396, %lt3A_397 : i32
      %convert_element_type3A_399 = arith.extui %lt3A_398 : i1 to i32
      %cond3A_400 = arith.constant 0 : i32
      %cond3A_401 = arith.cmpi ne, %convert_element_type3A_399, %cond3A_400 : i32
      scf.if %cond3A_401 {
        %add3A_630 = arith.constant 4 : i32
        %add3A_631 = arith.addi %add3A_389, %add3A_630 : i32
        %mul3A_632 = arith.constant 1 : i32
        %mul3A_633 = arith.muli %add3A_631, %mul3A_632 : i32
        %mul3A_634 = arith.constant 1 : i32
        %mul3A_635 = arith.muli %add3A_631, %mul3A_634 : i32
        %mul3A_636 = arith.constant 1 : i32
        %mul3A_637 = arith.muli %add3A_631, %mul3A_636 : i32
        %add3A_638 = arith.addi %mul3A_2, %mul3A_637 : i32
        %dma_start3A_639 = arith.constant 0 : i32
        %dma_start3A_640 = tpu.memref_slice %arg6[%dma_start3A_639, %mul3A_633] : memref<2x64xi32, #tpu.memory_space<vmem>> -> memref<1x1xi32, #tpu.memory_space<vmem>>
        %dma_start3A_641 = tpu.memref_squeeze %dma_start3A_640 : memref<1x1xi32, #tpu.memory_space<vmem>> -> memref<1xi32, #tpu.memory_space<vmem>>
        %dma_start3A_642 = arith.constant 0 : i32
        %dma_start3A_643 = arith.constant 0 : i32
        %dma_start3A_644 = tpu.memref_slice %arg3[%dma_start3A_642, %dma_start3A_643] : memref<100000x2048xf32, #tpu.memory_space<hbm>> -> memref<100000x2048xf32, #tpu.memory_space<hbm>>
        tpu.enqueue_indirect_dma source(%dma_start3A_644 : memref<100000x2048xf32, #tpu.memory_space<hbm>>) target(%arg7 : memref<1x2048xf32, #tpu.memory_space<vmem>>) offsets(%dma_start3A_641 : memref<1xi32, #tpu.memory_space<vmem>>) semaphore(%arg31 : memref<!tpu.dma_semaphore, #tpu.memory_space<semaphore_mem>>)
        %dma_start3A_645 = arith.constant 1 : i32
        %dma_start3A_646 = tpu.memref_slice %arg6[%dma_start3A_645, %mul3A_635] : memref<2x64xi32, #tpu.memory_space<vmem>> -> memref<1x1xi32, #tpu.memory_space<vmem>>
        %dma_start3A_647 = tpu.memref_squeeze %dma_start3A_646 : memref<1x1xi32, #tpu.memory_space<vmem>> -> memref<1xi32, #tpu.memory_space<vmem>>
        %dma_start3A_648 = arith.constant 0 : i32
        %dma_start3A_649 = arith.constant 0 : i32
        %dma_start3A_650 = tpu.memref_slice %arg3[%dma_start3A_648, %dma_start3A_649] : memref<100000x2048xf32, #tpu.memory_space<hbm>> -> memref<100000x2048xf32, #tpu.memory_space<hbm>>
        tpu.enqueue_indirect_dma source(%dma_start3A_650 : memref<100000x2048xf32, #tpu.memory_space<hbm>>) target(%arg8 : memref<1x2048xf32, #tpu.memory_space<vmem>>) offsets(%dma_start3A_647 : memref<1xi32, #tpu.memory_space<vmem>>) semaphore(%arg31 : memref<!tpu.dma_semaphore, #tpu.memory_space<semaphore_mem>>)
        %dma_start3A_651 = arith.constant 0 : i32
        %dma_start3A_652 = tpu.memref_slice %arg4[%add3A_638, %dma_start3A_651] : memref<2048x1024xi32, #tpu.memory_space<hbm>> -> memref<1x1024xi32, #tpu.memory_space<hbm>>
        %dma_start3A_653 = arith.constant 0 : i32
        %dma_start3A_654 = tpu.memref_slice %arg4[%add3A_638, %dma_start3A_653] : memref<2048x1024xi32, #tpu.memory_space<hbm>> -> memref<1x1024xi32, #tpu.memory_space<hbm>>
        tpu.enqueue_dma source(%dma_start3A_654 : memref<1x1024xi32, #tpu.memory_space<hbm>>) target(%arg9 : memref<1x1024xi32, #tpu.memory_space<vmem>>) target_semaphore(%arg31 : memref<!tpu.dma_semaphore, #tpu.memory_space<semaphore_mem>>)
      } else {
      }
      %mul3A_402 = arith.constant 1 : i32
      %mul3A_403 = arith.muli %add3A_389, %mul3A_402 : i32
      %mul3A_404 = arith.constant 1 : i32
      %mul3A_405 = arith.muli %add3A_389, %mul3A_404 : i32
      %mul3A_406 = arith.constant 1 : i32
      %mul3A_407 = arith.muli %add3A_389, %mul3A_406 : i32
      %add3A_408 = arith.addi %mul3A_2, %mul3A_407 : i32
      %dma_wait3A_409 = arith.constant 0 : i32
      %dma_wait3A_410 = tpu.memref_slice %arg6[%dma_wait3A_409, %mul3A_403] : memref<2x64xi32, #tpu.memory_space<vmem>> -> memref<1x1xi32, #tpu.memory_space<vmem>>
      %dma_wait3A_411 = tpu.memref_squeeze %dma_wait3A_410 : memref<1x1xi32, #tpu.memory_space<vmem>> -> memref<1xi32, #tpu.memory_space<vmem>>
      %dma_wait3A_412 = arith.constant 0 : i32
      %dma_wait3A_413 = arith.constant 0 : i32
      %dma_wait3A_414 = tpu.memref_slice %arg3[%dma_wait3A_412, %dma_wait3A_413] : memref<100000x2048xf32, #tpu.memory_space<hbm>> -> memref<100000x2048xf32, #tpu.memory_space<hbm>>
      tpu.wait_indirect_dma semaphore(%arg39 : memref<!tpu.dma_semaphore, #tpu.memory_space<semaphore_mem>>) src(%dma_wait3A_414 : memref<100000x2048xf32, #tpu.memory_space<hbm>>) dst(%arg19 : memref<1x2048xf32, #tpu.memory_space<vmem>>)
      %dma_wait3A_415 = arith.constant 1 : i32
      %dma_wait3A_416 = tpu.memref_slice %arg6[%dma_wait3A_415, %mul3A_405] : memref<2x64xi32, #tpu.memory_space<vmem>> -> memref<1x1xi32, #tpu.memory_space<vmem>>
      %dma_wait3A_417 = tpu.memref_squeeze %dma_wait3A_416 : memref<1x1xi32, #tpu.memory_space<vmem>> -> memref<1xi32, #tpu.memory_space<vmem>>
      %dma_wait3A_418 = arith.constant 0 : i32
      %dma_wait3A_419 = arith.constant 0 : i32
      %dma_wait3A_420 = tpu.memref_slice %arg3[%dma_wait3A_418, %dma_wait3A_419] : memref<100000x2048xf32, #tpu.memory_space<hbm>> -> memref<100000x2048xf32, #tpu.memory_space<hbm>>
      tpu.wait_indirect_dma semaphore(%arg39 : memref<!tpu.dma_semaphore, #tpu.memory_space<semaphore_mem>>) src(%dma_wait3A_420 : memref<100000x2048xf32, #tpu.memory_space<hbm>>) dst(%arg20 : memref<1x2048xf32, #tpu.memory_space<vmem>>)
      %dma_wait3A_421 = arith.constant 0 : i32
      %dma_wait3A_422 = tpu.memref_slice %arg4[%add3A_408, %dma_wait3A_421] : memref<2048x1024xi32, #tpu.memory_space<hbm>> -> memref<1x1024xi32, #tpu.memory_space<hbm>>
      %dma_wait3A_423 = arith.constant 0 : i32
      %dma_wait3A_424 = tpu.memref_slice %arg4[%add3A_408, %dma_wait3A_423] : memref<2048x1024xi32, #tpu.memory_space<hbm>> -> memref<1x1024xi32, #tpu.memory_space<hbm>>
      tpu.wait_dma2 semaphore(%arg39 : memref<!tpu.dma_semaphore, #tpu.memory_space<semaphore_mem>>) src(%dma_wait3A_424 : memref<1x1024xi32, #tpu.memory_space<hbm>>) dst(%arg21 : memref<1x1024xi32, #tpu.memory_space<vmem>>)
      %scan3A_425 = arith.constant 0 : i32
      %scan3A_426 = arith.constant 0 : i32
      %scan3A_427 = arith.constant 64 : i32
      %scan3A_428 = arith.addi %scan3A_426, %scan3A_427 : i32
      %scan3A_429 = arith.constant 1 : i32
      scf.for %scan3A_630 = %scan3A_426 to %scan3A_428 step %scan3A_429  : i32 {
        %mul3A_631 = arith.constant 2 : i32
        %mul3A_632 = arith.muli %scan3A_630, %mul3A_631 : i32
        %mul3A_633 = arith.constant 16 : i32
        %mul3A_634 = arith.muli %mul3A_632, %mul3A_633 : i32
        %mul3A_635 = arith.constant 16 : i32
        %mul3A_636 = arith.muli %scan3A_630, %mul3A_635 : i32
        %get3A = arith.constant 0 : i32
        %get3A_637 = arith.index_cast %get3A : i32 to index
        %get3A_638 = arith.index_cast %mul3A_636 : i32 to index
        %get3A_639 = tpu.vector_load %arg21[%get3A_637, %get3A_638] {strides = array<i32>} : memref<1x1024xi32, #tpu.memory_space<vmem>>, vector<1x16xi32>,
        %get3A_640 = vector.shape_cast %get3A_639 : vector<1x16xi32> to vector<16xi32>
        %shift_left3A = arith.constant 16 : i32
        %shift_left3A_641 = vector.broadcast %shift_left3A : i32 to vector<16xi32>
        %shift_left3A_642 = arith.shli %get3A_640, %shift_left3A_641 : vector<16xi32>
        %bitcast_convert_type3A = tpu.bitcast %shift_left3A_642 : vector<16xi32> -> vector<16xf32>
        %and3A = arith.constant -65536 : i32
        %and3A_643 = vector.broadcast %and3A : i32 to vector<16xi32>
        %and3A_644 = arith.andi %get3A_640, %and3A_643 : vector<16xi32>
        %bitcast_convert_type3A_645 = tpu.bitcast %and3A_644 : vector<16xi32> -> vector<16xf32>
        %swap3A = arith.constant 0 : i32
        %swap3A_646 = arith.index_cast %swap3A : i32 to index
        %swap3A_647 = arith.index_cast %mul3A_634 : i32 to index
        %swap3A_648 = tpu.vector_load %arg19[%swap3A_646, %swap3A_647] {strides = array<i32>} : memref<1x2048xf32, #tpu.memory_space<vmem>>, vector<1x16xf32>,
        %swap3A_649 = vector.shape_cast %swap3A_648 : vector<1x16xf32> to vector<16xf32>
        %swap3A_650 = vector.shape_cast %bitcast_convert_type3A : vector<16xf32> to vector<1x16xf32>
        tpu.vector_store %arg19[%swap3A_646, %swap3A_647], %swap3A_650 {add = true, strides = array<i32>} : memref<1x2048xf32, #tpu.memory_space<vmem>>, vector<1x16xf32>,
        %swap3A_651 = arith.constant 0 : i32
        %swap3A_652 = arith.index_cast %swap3A_651 : i32 to index
        %swap3A_653 = arith.index_cast %mul3A_634 : i32 to index
        %swap3A_654 = tpu.vector_load %arg20[%swap3A_652, %swap3A_653] {strides = array<i32>} : memref<1x2048xf32, #tpu.memory_space<vmem>>, vector<1x16xf32>,
        %swap3A_655 = vector.shape_cast %swap3A_654 : vector<1x16xf32> to vector<16xf32>
        %swap3A_656 = vector.shape_cast %bitcast_convert_type3A : vector<16xf32> to vector<1x16xf32>
        tpu.vector_store %arg20[%swap3A_652, %swap3A_653], %swap3A_656 {add = true, strides = array<i32>} : memref<1x2048xf32, #tpu.memory_space<vmem>>, vector<1x16xf32>,
        %add3A_657 = arith.constant 16 : i32
        %add3A_658 = arith.addi %mul3A_634, %add3A_657 : i32
        %swap3A_659 = arith.constant 0 : i32
        %swap3A_660 = arith.index_cast %swap3A_659 : i32 to index
        %swap3A_661 = arith.index_cast %add3A_658 : i32 to index
        %swap3A_662 = tpu.vector_load %arg19[%swap3A_660, %swap3A_661] {strides = array<i32>} : memref<1x2048xf32, #tpu.memory_space<vmem>>, vector<1x16xf32>,
        %swap3A_663 = vector.shape_cast %swap3A_662 : vector<1x16xf32> to vector<16xf32>
        %swap3A_664 = vector.shape_cast %bitcast_convert_type3A_645 : vector<16xf32> to vector<1x16xf32>
        tpu.vector_store %arg19[%swap3A_660, %swap3A_661], %swap3A_664 {add = true, strides = array<i32>} : memref<1x2048xf32, #tpu.memory_space<vmem>>, vector<1x16xf32>,
        %add3A_665 = arith.constant 16 : i32
        %add3A_666 = arith.addi %mul3A_634, %add3A_665 : i32
        %swap3A_667 = arith.constant 0 : i32
        %swap3A_668 = arith.index_cast %swap3A_667 : i32 to index
        %swap3A_669 = arith.index_cast %add3A_666 : i32 to index
        %swap3A_670 = tpu.vector_load %arg20[%swap3A_668, %swap3A_669] {strides = array<i32>} : memref<1x2048xf32, #tpu.memory_space<vmem>>, vector<1x16xf32>,
        %swap3A_671 = vector.shape_cast %swap3A_670 : vector<1x16xf32> to vector<16xf32>
        %swap3A_672 = vector.shape_cast %bitcast_convert_type3A_645 : vector<16xf32> to vector<1x16xf32>
        tpu.vector_store %arg20[%swap3A_668, %swap3A_669], %swap3A_672 {add = true, strides = array<i32>} : memref<1x2048xf32, #tpu.memory_space<vmem>>, vector<1x16xf32>,
      }
      %scan3A_430 = arith.constant 64 : i32
      %mul3A_431 = arith.constant 1 : i32
      %mul3A_432 = arith.muli %add3A_389, %mul3A_431 : i32
      %add3A_433 = arith.addi %mul3A_2, %mul3A_432 : i32
      %add3A_434 = arith.constant 2048 : i32
      %add3A_435 = arith.addi %add3A_434, %mul3A_2 : i32
      %mul3A_436 = arith.constant 1 : i32
      %mul3A_437 = arith.muli %add3A_389, %mul3A_436 : i32
      %add3A_438 = arith.addi %add3A_435, %mul3A_437 : i32
      %dma_start3A_439 = arith.constant 0 : i32
      %dma_start3A_440 = tpu.memref_slice %arg5[%add3A_433, %dma_start3A_439] : memref<4096x2048xf32, #tpu.memory_space<hbm>> -> memref<1x2048xf32, #tpu.memory_space<hbm>>
      %dma_start3A_441 = arith.constant 0 : i32
      %dma_start3A_442 = tpu.memref_slice %arg5[%add3A_433, %dma_start3A_441] : memref<4096x2048xf32, #tpu.memory_space<hbm>> -> memref<1x2048xf32, #tpu.memory_space<hbm>>
      tpu.enqueue_dma source(%arg19 : memref<1x2048xf32, #tpu.memory_space<vmem>>) target(%dma_start3A_442 : memref<1x2048xf32, #tpu.memory_space<hbm>>) target_semaphore(%arg40 : memref<!tpu.dma_semaphore, #tpu.memory_space<semaphore_mem>>)
      %dma_start3A_443 = arith.constant 0 : i32
      %dma_start3A_444 = tpu.memref_slice %arg5[%add3A_438, %dma_start3A_443] : memref<4096x2048xf32, #tpu.memory_space<hbm>> -> memref<1x2048xf32, #tpu.memory_space<hbm>>
      %dma_start3A_445 = arith.constant 0 : i32
      %dma_start3A_446 = tpu.memref_slice %arg5[%add3A_438, %dma_start3A_445] : memref<4096x2048xf32, #tpu.memory_space<hbm>> -> memref<1x2048xf32, #tpu.memory_space<hbm>>
      tpu.enqueue_dma source(%arg20 : memref<1x2048xf32, #tpu.memory_space<vmem>>) target(%dma_start3A_446 : memref<1x2048xf32, #tpu.memory_space<hbm>>) target_semaphore(%arg40 : memref<!tpu.dma_semaphore, #tpu.memory_space<semaphore_mem>>)
      %mul3A_447 = arith.constant 8 : i32
      %mul3A_448 = arith.muli %scan3A_145, %mul3A_447 : i32
      %add3A_449 = arith.constant 5 : i32
      %add3A_450 = arith.addi %mul3A_448, %add3A_449 : i32
      %ge3A_451 = arith.constant 4 : i32
      %ge3A_452 = arith.cmpi sge, %add3A_450, %ge3A_451 : i32
      %convert_element_type3A_453 = arith.extui %ge3A_452 : i1 to i32
      %cond3A_454 = arith.constant 0 : i32
      %cond3A_455 = arith.cmpi ne, %convert_element_type3A_453, %cond3A_454 : i32
      scf.if %cond3A_455 {
        %sub3A = arith.constant 4 : i32
        %sub3A_630 = arith.subi %add3A_450, %sub3A : i32
        %mul3A_631 = arith.constant 1 : i32
        %mul3A_632 = arith.muli %sub3A_630, %mul3A_631 : i32
        %add3A_633 = arith.addi %mul3A_2, %mul3A_632 : i32
        %add3A_634 = arith.constant 2048 : i32
        %add3A_635 = arith.addi %add3A_634, %mul3A_2 : i32
        %mul3A_636 = arith.constant 1 : i32
        %mul3A_637 = arith.muli %sub3A_630, %mul3A_636 : i32
        %add3A_638 = arith.addi %add3A_635, %mul3A_637 : i32
        %dma_wait3A_639 = arith.constant 0 : i32
        %dma_wait3A_640 = tpu.memref_slice %arg5[%add3A_633, %dma_wait3A_639] : memref<4096x2048xf32, #tpu.memory_space<hbm>> -> memref<1x2048xf32, #tpu.memory_space<hbm>>
        %dma_wait3A_641 = arith.constant 0 : i32
        %dma_wait3A_642 = tpu.memref_slice %arg5[%add3A_633, %dma_wait3A_641] : memref<4096x2048xf32, #tpu.memory_space<hbm>> -> memref<1x2048xf32, #tpu.memory_space<hbm>>
        tpu.wait_dma2 semaphore(%arg34 : memref<!tpu.dma_semaphore, #tpu.memory_space<semaphore_mem>>) src(%arg10 : memref<1x2048xf32, #tpu.memory_space<vmem>>) dst(%dma_wait3A_642 : memref<1x2048xf32, #tpu.memory_space<hbm>>)
        %dma_wait3A_643 = arith.constant 0 : i32
        %dma_wait3A_644 = tpu.memref_slice %arg5[%add3A_638, %dma_wait3A_643] : memref<4096x2048xf32, #tpu.memory_space<hbm>> -> memref<1x2048xf32, #tpu.memory_space<hbm>>
        %dma_wait3A_645 = arith.constant 0 : i32
        %dma_wait3A_646 = tpu.memref_slice %arg5[%add3A_638, %dma_wait3A_645] : memref<4096x2048xf32, #tpu.memory_space<hbm>> -> memref<1x2048xf32, #tpu.memory_space<hbm>>
        tpu.wait_dma2 semaphore(%arg34 : memref<!tpu.dma_semaphore, #tpu.memory_space<semaphore_mem>>) src(%arg11 : memref<1x2048xf32, #tpu.memory_space<vmem>>) dst(%dma_wait3A_646 : memref<1x2048xf32, #tpu.memory_space<hbm>>)
      } else {
      }
      %add3A_456 = arith.constant 4 : i32
      %add3A_457 = arith.addi %add3A_450, %add3A_456 : i32
      %lt3A_458 = arith.constant 64 : i32
      %lt3A_459 = arith.cmpi slt, %add3A_457, %lt3A_458 : i32
      %convert_element_type3A_460 = arith.extui %lt3A_459 : i1 to i32
      %cond3A_461 = arith.constant 0 : i32
      %cond3A_462 = arith.cmpi ne, %convert_element_type3A_460, %cond3A_461 : i32
      scf.if %cond3A_462 {
        %add3A_630 = arith.constant 4 : i32
        %add3A_631 = arith.addi %add3A_450, %add3A_630 : i32
        %mul3A_632 = arith.constant 1 : i32
        %mul3A_633 = arith.muli %add3A_631, %mul3A_632 : i32
        %mul3A_634 = arith.constant 1 : i32
        %mul3A_635 = arith.muli %add3A_631, %mul3A_634 : i32
        %mul3A_636 = arith.constant 1 : i32
        %mul3A_637 = arith.muli %add3A_631, %mul3A_636 : i32
        %add3A_638 = arith.addi %mul3A_2, %mul3A_637 : i32
        %dma_start3A_639 = arith.constant 0 : i32
        %dma_start3A_640 = tpu.memref_slice %arg6[%dma_start3A_639, %mul3A_633] : memref<2x64xi32, #tpu.memory_space<vmem>> -> memref<1x1xi32, #tpu.memory_space<vmem>>
        %dma_start3A_641 = tpu.memref_squeeze %dma_start3A_640 : memref<1x1xi32, #tpu.memory_space<vmem>> -> memref<1xi32, #tpu.memory_space<vmem>>
        %dma_start3A_642 = arith.constant 0 : i32
        %dma_start3A_643 = arith.constant 0 : i32
        %dma_start3A_644 = tpu.memref_slice %arg3[%dma_start3A_642, %dma_start3A_643] : memref<100000x2048xf32, #tpu.memory_space<hbm>> -> memref<100000x2048xf32, #tpu.memory_space<hbm>>
        tpu.enqueue_indirect_dma source(%dma_start3A_644 : memref<100000x2048xf32, #tpu.memory_space<hbm>>) target(%arg10 : memref<1x2048xf32, #tpu.memory_space<vmem>>) offsets(%dma_start3A_641 : memref<1xi32, #tpu.memory_space<vmem>>) semaphore(%arg33 : memref<!tpu.dma_semaphore, #tpu.memory_space<semaphore_mem>>)
        %dma_start3A_645 = arith.constant 1 : i32
        %dma_start3A_646 = tpu.memref_slice %arg6[%dma_start3A_645, %mul3A_635] : memref<2x64xi32, #tpu.memory_space<vmem>> -> memref<1x1xi32, #tpu.memory_space<vmem>>
        %dma_start3A_647 = tpu.memref_squeeze %dma_start3A_646 : memref<1x1xi32, #tpu.memory_space<vmem>> -> memref<1xi32, #tpu.memory_space<vmem>>
        %dma_start3A_648 = arith.constant 0 : i32
        %dma_start3A_649 = arith.constant 0 : i32
        %dma_start3A_650 = tpu.memref_slice %arg3[%dma_start3A_648, %dma_start3A_649] : memref<100000x2048xf32, #tpu.memory_space<hbm>> -> memref<100000x2048xf32, #tpu.memory_space<hbm>>
        tpu.enqueue_indirect_dma source(%dma_start3A_650 : memref<100000x2048xf32, #tpu.memory_space<hbm>>) target(%arg11 : memref<1x2048xf32, #tpu.memory_space<vmem>>) offsets(%dma_start3A_647 : memref<1xi32, #tpu.memory_space<vmem>>) semaphore(%arg33 : memref<!tpu.dma_semaphore, #tpu.memory_space<semaphore_mem>>)
        %dma_start3A_651 = arith.constant 0 : i32
        %dma_start3A_652 = tpu.memref_slice %arg4[%add3A_638, %dma_start3A_651] : memref<2048x1024xi32, #tpu.memory_space<hbm>> -> memref<1x1024xi32, #tpu.memory_space<hbm>>
        %dma_start3A_653 = arith.constant 0 : i32
        %dma_start3A_654 = tpu.memref_slice %arg4[%add3A_638, %dma_start3A_653] : memref<2048x1024xi32, #tpu.memory_space<hbm>> -> memref<1x1024xi32, #tpu.memory_space<hbm>>
        tpu.enqueue_dma source(%dma_start3A_654 : memref<1x1024xi32, #tpu.memory_space<hbm>>) target(%arg12 : memref<1x1024xi32, #tpu.memory_space<vmem>>) target_semaphore(%arg33 : memref<!tpu.dma_semaphore, #tpu.memory_space<semaphore_mem>>)
      } else {
      }
      %mul3A_463 = arith.constant 1 : i32
      %mul3A_464 = arith.muli %add3A_450, %mul3A_463 : i32
      %mul3A_465 = arith.constant 1 : i32
      %mul3A_466 = arith.muli %add3A_450, %mul3A_465 : i32
      %mul3A_467 = arith.constant 1 : i32
      %mul3A_468 = arith.muli %add3A_450, %mul3A_467 : i32
      %add3A_469 = arith.addi %mul3A_2, %mul3A_468 : i32
      %dma_wait3A_470 = arith.constant 0 : i32
      %dma_wait3A_471 = tpu.memref_slice %arg6[%dma_wait3A_470, %mul3A_464] : memref<2x64xi32, #tpu.memory_space<vmem>> -> memref<1x1xi32, #tpu.memory_space<vmem>>
      %dma_wait3A_472 = tpu.memref_squeeze %dma_wait3A_471 : memref<1x1xi32, #tpu.memory_space<vmem>> -> memref<1xi32, #tpu.memory_space<vmem>>
      %dma_wait3A_473 = arith.constant 0 : i32
      %dma_wait3A_474 = arith.constant 0 : i32
      %dma_wait3A_475 = tpu.memref_slice %arg3[%dma_wait3A_473, %dma_wait3A_474] : memref<100000x2048xf32, #tpu.memory_space<hbm>> -> memref<100000x2048xf32, #tpu.memory_space<hbm>>
      tpu.wait_indirect_dma semaphore(%arg41 : memref<!tpu.dma_semaphore, #tpu.memory_space<semaphore_mem>>) src(%dma_wait3A_475 : memref<100000x2048xf32, #tpu.memory_space<hbm>>) dst(%arg22 : memref<1x2048xf32, #tpu.memory_space<vmem>>)
      %dma_wait3A_476 = arith.constant 1 : i32
      %dma_wait3A_477 = tpu.memref_slice %arg6[%dma_wait3A_476, %mul3A_466] : memref<2x64xi32, #tpu.memory_space<vmem>> -> memref<1x1xi32, #tpu.memory_space<vmem>>
      %dma_wait3A_478 = tpu.memref_squeeze %dma_wait3A_477 : memref<1x1xi32, #tpu.memory_space<vmem>> -> memref<1xi32, #tpu.memory_space<vmem>>
      %dma_wait3A_479 = arith.constant 0 : i32
      %dma_wait3A_480 = arith.constant 0 : i32
      %dma_wait3A_481 = tpu.memref_slice %arg3[%dma_wait3A_479, %dma_wait3A_480] : memref<100000x2048xf32, #tpu.memory_space<hbm>> -> memref<100000x2048xf32, #tpu.memory_space<hbm>>
      tpu.wait_indirect_dma semaphore(%arg41 : memref<!tpu.dma_semaphore, #tpu.memory_space<semaphore_mem>>) src(%dma_wait3A_481 : memref<100000x2048xf32, #tpu.memory_space<hbm>>) dst(%arg23 : memref<1x2048xf32, #tpu.memory_space<vmem>>)
      %dma_wait3A_482 = arith.constant 0 : i32
      %dma_wait3A_483 = tpu.memref_slice %arg4[%add3A_469, %dma_wait3A_482] : memref<2048x1024xi32, #tpu.memory_space<hbm>> -> memref<1x1024xi32, #tpu.memory_space<hbm>>
      %dma_wait3A_484 = arith.constant 0 : i32
      %dma_wait3A_485 = tpu.memref_slice %arg4[%add3A_469, %dma_wait3A_484] : memref<2048x1024xi32, #tpu.memory_space<hbm>> -> memref<1x1024xi32, #tpu.memory_space<hbm>>
      tpu.wait_dma2 semaphore(%arg41 : memref<!tpu.dma_semaphore, #tpu.memory_space<semaphore_mem>>) src(%dma_wait3A_485 : memref<1x1024xi32, #tpu.memory_space<hbm>>) dst(%arg24 : memref<1x1024xi32, #tpu.memory_space<vmem>>)
      %scan3A_486 = arith.constant 0 : i32
      %scan3A_487 = arith.constant 0 : i32
      %scan3A_488 = arith.constant 64 : i32
      %scan3A_489 = arith.addi %scan3A_487, %scan3A_488 : i32
      %scan3A_490 = arith.constant 1 : i32
      scf.for %scan3A_630 = %scan3A_487 to %scan3A_489 step %scan3A_490  : i32 {
        %mul3A_631 = arith.constant 2 : i32
        %mul3A_632 = arith.muli %scan3A_630, %mul3A_631 : i32
        %mul3A_633 = arith.constant 16 : i32
        %mul3A_634 = arith.muli %mul3A_632, %mul3A_633 : i32
        %mul3A_635 = arith.constant 16 : i32
        %mul3A_636 = arith.muli %scan3A_630, %mul3A_635 : i32
        %get3A = arith.constant 0 : i32
        %get3A_637 = arith.index_cast %get3A : i32 to index
        %get3A_638 = arith.index_cast %mul3A_636 : i32 to index
        %get3A_639 = tpu.vector_load %arg24[%get3A_637, %get3A_638] {strides = array<i32>} : memref<1x1024xi32, #tpu.memory_space<vmem>>, vector<1x16xi32>,
        %get3A_640 = vector.shape_cast %get3A_639 : vector<1x16xi32> to vector<16xi32>
        %shift_left3A = arith.constant 16 : i32
        %shift_left3A_641 = vector.broadcast %shift_left3A : i32 to vector<16xi32>
        %shift_left3A_642 = arith.shli %get3A_640, %shift_left3A_641 : vector<16xi32>
        %bitcast_convert_type3A = tpu.bitcast %shift_left3A_642 : vector<16xi32> -> vector<16xf32>
        %and3A = arith.constant -65536 : i32
        %and3A_643 = vector.broadcast %and3A : i32 to vector<16xi32>
        %and3A_644 = arith.andi %get3A_640, %and3A_643 : vector<16xi32>
        %bitcast_convert_type3A_645 = tpu.bitcast %and3A_644 : vector<16xi32> -> vector<16xf32>
        %swap3A = arith.constant 0 : i32
        %swap3A_646 = arith.index_cast %swap3A : i32 to index
        %swap3A_647 = arith.index_cast %mul3A_634 : i32 to index
        %swap3A_648 = tpu.vector_load %arg22[%swap3A_646, %swap3A_647] {strides = array<i32>} : memref<1x2048xf32, #tpu.memory_space<vmem>>, vector<1x16xf32>,
        %swap3A_649 = vector.shape_cast %swap3A_648 : vector<1x16xf32> to vector<16xf32>
        %swap3A_650 = vector.shape_cast %bitcast_convert_type3A : vector<16xf32> to vector<1x16xf32>
        tpu.vector_store %arg22[%swap3A_646, %swap3A_647], %swap3A_650 {add = true, strides = array<i32>} : memref<1x2048xf32, #tpu.memory_space<vmem>>, vector<1x16xf32>,
        %swap3A_651 = arith.constant 0 : i32
        %swap3A_652 = arith.index_cast %swap3A_651 : i32 to index
        %swap3A_653 = arith.index_cast %mul3A_634 : i32 to index
        %swap3A_654 = tpu.vector_load %arg23[%swap3A_652, %swap3A_653] {strides = array<i32>} : memref<1x2048xf32, #tpu.memory_space<vmem>>, vector<1x16xf32>,
        %swap3A_655 = vector.shape_cast %swap3A_654 : vector<1x16xf32> to vector<16xf32>
        %swap3A_656 = vector.shape_cast %bitcast_convert_type3A : vector<16xf32> to vector<1x16xf32>
        tpu.vector_store %arg23[%swap3A_652, %swap3A_653], %swap3A_656 {add = true, strides = array<i32>} : memref<1x2048xf32, #tpu.memory_space<vmem>>, vector<1x16xf32>,
        %add3A_657 = arith.constant 16 : i32
        %add3A_658 = arith.addi %mul3A_634, %add3A_657 : i32
        %swap3A_659 = arith.constant 0 : i32
        %swap3A_660 = arith.index_cast %swap3A_659 : i32 to index
        %swap3A_661 = arith.index_cast %add3A_658 : i32 to index
        %swap3A_662 = tpu.vector_load %arg22[%swap3A_660, %swap3A_661] {strides = array<i32>} : memref<1x2048xf32, #tpu.memory_space<vmem>>, vector<1x16xf32>,
        %swap3A_663 = vector.shape_cast %swap3A_662 : vector<1x16xf32> to vector<16xf32>
        %swap3A_664 = vector.shape_cast %bitcast_convert_type3A_645 : vector<16xf32> to vector<1x16xf32>
        tpu.vector_store %arg22[%swap3A_660, %swap3A_661], %swap3A_664 {add = true, strides = array<i32>} : memref<1x2048xf32, #tpu.memory_space<vmem>>, vector<1x16xf32>,
        %add3A_665 = arith.constant 16 : i32
        %add3A_666 = arith.addi %mul3A_634, %add3A_665 : i32
        %swap3A_667 = arith.constant 0 : i32
        %swap3A_668 = arith.index_cast %swap3A_667 : i32 to index
        %swap3A_669 = arith.index_cast %add3A_666 : i32 to index
        %swap3A_670 = tpu.vector_load %arg23[%swap3A_668, %swap3A_669] {strides = array<i32>} : memref<1x2048xf32, #tpu.memory_space<vmem>>, vector<1x16xf32>,
        %swap3A_671 = vector.shape_cast %swap3A_670 : vector<1x16xf32> to vector<16xf32>
        %swap3A_672 = vector.shape_cast %bitcast_convert_type3A_645 : vector<16xf32> to vector<1x16xf32>
        tpu.vector_store %arg23[%swap3A_668, %swap3A_669], %swap3A_672 {add = true, strides = array<i32>} : memref<1x2048xf32, #tpu.memory_space<vmem>>, vector<1x16xf32>,
      }
      %scan3A_491 = arith.constant 64 : i32
      %mul3A_492 = arith.constant 1 : i32
      %mul3A_493 = arith.muli %add3A_450, %mul3A_492 : i32
      %add3A_494 = arith.addi %mul3A_2, %mul3A_493 : i32
      %add3A_495 = arith.constant 2048 : i32
      %add3A_496 = arith.addi %add3A_495, %mul3A_2 : i32
      %mul3A_497 = arith.constant 1 : i32
      %mul3A_498 = arith.muli %add3A_450, %mul3A_497 : i32
      %add3A_499 = arith.addi %add3A_496, %mul3A_498 : i32
      %dma_start3A_500 = arith.constant 0 : i32
      %dma_start3A_501 = tpu.memref_slice %arg5[%add3A_494, %dma_start3A_500] : memref<4096x2048xf32, #tpu.memory_space<hbm>> -> memref<1x2048xf32, #tpu.memory_space<hbm>>
      %dma_start3A_502 = arith.constant 0 : i32
      %dma_start3A_503 = tpu.memref_slice %arg5[%add3A_494, %dma_start3A_502] : memref<4096x2048xf32, #tpu.memory_space<hbm>> -> memref<1x2048xf32, #tpu.memory_space<hbm>>
      tpu.enqueue_dma source(%arg22 : memref<1x2048xf32, #tpu.memory_space<vmem>>) target(%dma_start3A_503 : memref<1x2048xf32, #tpu.memory_space<hbm>>) target_semaphore(%arg42 : memref<!tpu.dma_semaphore, #tpu.memory_space<semaphore_mem>>)
      %dma_start3A_504 = arith.constant 0 : i32
      %dma_start3A_505 = tpu.memref_slice %arg5[%add3A_499, %dma_start3A_504] : memref<4096x2048xf32, #tpu.memory_space<hbm>> -> memref<1x2048xf32, #tpu.memory_space<hbm>>
      %dma_start3A_506 = arith.constant 0 : i32
      %dma_start3A_507 = tpu.memref_slice %arg5[%add3A_499, %dma_start3A_506] : memref<4096x2048xf32, #tpu.memory_space<hbm>> -> memref<1x2048xf32, #tpu.memory_space<hbm>>
      tpu.enqueue_dma source(%arg23 : memref<1x2048xf32, #tpu.memory_space<vmem>>) target(%dma_start3A_507 : memref<1x2048xf32, #tpu.memory_space<hbm>>) target_semaphore(%arg42 : memref<!tpu.dma_semaphore, #tpu.memory_space<semaphore_mem>>)
      %mul3A_508 = arith.constant 8 : i32
      %mul3A_509 = arith.muli %scan3A_145, %mul3A_508 : i32
      %add3A_510 = arith.constant 6 : i32
      %add3A_511 = arith.addi %mul3A_509, %add3A_510 : i32
      %ge3A_512 = arith.constant 4 : i32
      %ge3A_513 = arith.cmpi sge, %add3A_511, %ge3A_512 : i32
      %convert_element_type3A_514 = arith.extui %ge3A_513 : i1 to i32
      %cond3A_515 = arith.constant 0 : i32
      %cond3A_516 = arith.cmpi ne, %convert_element_type3A_514, %cond3A_515 : i32
      scf.if %cond3A_516 {
        %sub3A = arith.constant 4 : i32
        %sub3A_630 = arith.subi %add3A_511, %sub3A : i32
        %mul3A_631 = arith.constant 1 : i32
        %mul3A_632 = arith.muli %sub3A_630, %mul3A_631 : i32
        %add3A_633 = arith.addi %mul3A_2, %mul3A_632 : i32
        %add3A_634 = arith.constant 2048 : i32
        %add3A_635 = arith.addi %add3A_634, %mul3A_2 : i32
        %mul3A_636 = arith.constant 1 : i32
        %mul3A_637 = arith.muli %sub3A_630, %mul3A_636 : i32
        %add3A_638 = arith.addi %add3A_635, %mul3A_637 : i32
        %dma_wait3A_639 = arith.constant 0 : i32
        %dma_wait3A_640 = tpu.memref_slice %arg5[%add3A_633, %dma_wait3A_639] : memref<4096x2048xf32, #tpu.memory_space<hbm>> -> memref<1x2048xf32, #tpu.memory_space<hbm>>
        %dma_wait3A_641 = arith.constant 0 : i32
        %dma_wait3A_642 = tpu.memref_slice %arg5[%add3A_633, %dma_wait3A_641] : memref<4096x2048xf32, #tpu.memory_space<hbm>> -> memref<1x2048xf32, #tpu.memory_space<hbm>>
        tpu.wait_dma2 semaphore(%arg36 : memref<!tpu.dma_semaphore, #tpu.memory_space<semaphore_mem>>) src(%arg13 : memref<1x2048xf32, #tpu.memory_space<vmem>>) dst(%dma_wait3A_642 : memref<1x2048xf32, #tpu.memory_space<hbm>>)
        %dma_wait3A_643 = arith.constant 0 : i32
        %dma_wait3A_644 = tpu.memref_slice %arg5[%add3A_638, %dma_wait3A_643] : memref<4096x2048xf32, #tpu.memory_space<hbm>> -> memref<1x2048xf32, #tpu.memory_space<hbm>>
        %dma_wait3A_645 = arith.constant 0 : i32
        %dma_wait3A_646 = tpu.memref_slice %arg5[%add3A_638, %dma_wait3A_645] : memref<4096x2048xf32, #tpu.memory_space<hbm>> -> memref<1x2048xf32, #tpu.memory_space<hbm>>
        tpu.wait_dma2 semaphore(%arg36 : memref<!tpu.dma_semaphore, #tpu.memory_space<semaphore_mem>>) src(%arg14 : memref<1x2048xf32, #tpu.memory_space<vmem>>) dst(%dma_wait3A_646 : memref<1x2048xf32, #tpu.memory_space<hbm>>)
      } else {
      }
      %add3A_517 = arith.constant 4 : i32
      %add3A_518 = arith.addi %add3A_511, %add3A_517 : i32
      %lt3A_519 = arith.constant 64 : i32
      %lt3A_520 = arith.cmpi slt, %add3A_518, %lt3A_519 : i32
      %convert_element_type3A_521 = arith.extui %lt3A_520 : i1 to i32
      %cond3A_522 = arith.constant 0 : i32
      %cond3A_523 = arith.cmpi ne, %convert_element_type3A_521, %cond3A_522 : i32
      scf.if %cond3A_523 {
        %add3A_630 = arith.constant 4 : i32
        %add3A_631 = arith.addi %add3A_511, %add3A_630 : i32
        %mul3A_632 = arith.constant 1 : i32
        %mul3A_633 = arith.muli %add3A_631, %mul3A_632 : i32
        %mul3A_634 = arith.constant 1 : i32
        %mul3A_635 = arith.muli %add3A_631, %mul3A_634 : i32
        %mul3A_636 = arith.constant 1 : i32
        %mul3A_637 = arith.muli %add3A_631, %mul3A_636 : i32
        %add3A_638 = arith.addi %mul3A_2, %mul3A_637 : i32
        %dma_start3A_639 = arith.constant 0 : i32
        %dma_start3A_640 = tpu.memref_slice %arg6[%dma_start3A_639, %mul3A_633] : memref<2x64xi32, #tpu.memory_space<vmem>> -> memref<1x1xi32, #tpu.memory_space<vmem>>
        %dma_start3A_641 = tpu.memref_squeeze %dma_start3A_640 : memref<1x1xi32, #tpu.memory_space<vmem>> -> memref<1xi32, #tpu.memory_space<vmem>>
        %dma_start3A_642 = arith.constant 0 : i32
        %dma_start3A_643 = arith.constant 0 : i32
        %dma_start3A_644 = tpu.memref_slice %arg3[%dma_start3A_642, %dma_start3A_643] : memref<100000x2048xf32, #tpu.memory_space<hbm>> -> memref<100000x2048xf32, #tpu.memory_space<hbm>>
        tpu.enqueue_indirect_dma source(%dma_start3A_644 : memref<100000x2048xf32, #tpu.memory_space<hbm>>) target(%arg13 : memref<1x2048xf32, #tpu.memory_space<vmem>>) offsets(%dma_start3A_641 : memref<1xi32, #tpu.memory_space<vmem>>) semaphore(%arg35 : memref<!tpu.dma_semaphore, #tpu.memory_space<semaphore_mem>>)
        %dma_start3A_645 = arith.constant 1 : i32
        %dma_start3A_646 = tpu.memref_slice %arg6[%dma_start3A_645, %mul3A_635] : memref<2x64xi32, #tpu.memory_space<vmem>> -> memref<1x1xi32, #tpu.memory_space<vmem>>
        %dma_start3A_647 = tpu.memref_squeeze %dma_start3A_646 : memref<1x1xi32, #tpu.memory_space<vmem>> -> memref<1xi32, #tpu.memory_space<vmem>>
        %dma_start3A_648 = arith.constant 0 : i32
        %dma_start3A_649 = arith.constant 0 : i32
        %dma_start3A_650 = tpu.memref_slice %arg3[%dma_start3A_648, %dma_start3A_649] : memref<100000x2048xf32, #tpu.memory_space<hbm>> -> memref<100000x2048xf32, #tpu.memory_space<hbm>>
        tpu.enqueue_indirect_dma source(%dma_start3A_650 : memref<100000x2048xf32, #tpu.memory_space<hbm>>) target(%arg14 : memref<1x2048xf32, #tpu.memory_space<vmem>>) offsets(%dma_start3A_647 : memref<1xi32, #tpu.memory_space<vmem>>) semaphore(%arg35 : memref<!tpu.dma_semaphore, #tpu.memory_space<semaphore_mem>>)
        %dma_start3A_651 = arith.constant 0 : i32
        %dma_start3A_652 = tpu.memref_slice %arg4[%add3A_638, %dma_start3A_651] : memref<2048x1024xi32, #tpu.memory_space<hbm>> -> memref<1x1024xi32, #tpu.memory_space<hbm>>
        %dma_start3A_653 = arith.constant 0 : i32
        %dma_start3A_654 = tpu.memref_slice %arg4[%add3A_638, %dma_start3A_653] : memref<2048x1024xi32, #tpu.memory_space<hbm>> -> memref<1x1024xi32, #tpu.memory_space<hbm>>
        tpu.enqueue_dma source(%dma_start3A_654 : memref<1x1024xi32, #tpu.memory_space<hbm>>) target(%arg15 : memref<1x1024xi32, #tpu.memory_space<vmem>>) target_semaphore(%arg35 : memref<!tpu.dma_semaphore, #tpu.memory_space<semaphore_mem>>)
      } else {
      }
      %mul3A_524 = arith.constant 1 : i32
      %mul3A_525 = arith.muli %add3A_511, %mul3A_524 : i32
      %mul3A_526 = arith.constant 1 : i32
      %mul3A_527 = arith.muli %add3A_511, %mul3A_526 : i32
      %mul3A_528 = arith.constant 1 : i32
      %mul3A_529 = arith.muli %add3A_511, %mul3A_528 : i32
      %add3A_530 = arith.addi %mul3A_2, %mul3A_529 : i32
      %dma_wait3A_531 = arith.constant 0 : i32
      %dma_wait3A_532 = tpu.memref_slice %arg6[%dma_wait3A_531, %mul3A_525] : memref<2x64xi32, #tpu.memory_space<vmem>> -> memref<1x1xi32, #tpu.memory_space<vmem>>
      %dma_wait3A_533 = tpu.memref_squeeze %dma_wait3A_532 : memref<1x1xi32, #tpu.memory_space<vmem>> -> memref<1xi32, #tpu.memory_space<vmem>>
      %dma_wait3A_534 = arith.constant 0 : i32
      %dma_wait3A_535 = arith.constant 0 : i32
      %dma_wait3A_536 = tpu.memref_slice %arg3[%dma_wait3A_534, %dma_wait3A_535] : memref<100000x2048xf32, #tpu.memory_space<hbm>> -> memref<100000x2048xf32, #tpu.memory_space<hbm>>
      tpu.wait_indirect_dma semaphore(%arg43 : memref<!tpu.dma_semaphore, #tpu.memory_space<semaphore_mem>>) src(%dma_wait3A_536 : memref<100000x2048xf32, #tpu.memory_space<hbm>>) dst(%arg25 : memref<1x2048xf32, #tpu.memory_space<vmem>>)
      %dma_wait3A_537 = arith.constant 1 : i32
      %dma_wait3A_538 = tpu.memref_slice %arg6[%dma_wait3A_537, %mul3A_527] : memref<2x64xi32, #tpu.memory_space<vmem>> -> memref<1x1xi32, #tpu.memory_space<vmem>>
      %dma_wait3A_539 = tpu.memref_squeeze %dma_wait3A_538 : memref<1x1xi32, #tpu.memory_space<vmem>> -> memref<1xi32, #tpu.memory_space<vmem>>
      %dma_wait3A_540 = arith.constant 0 : i32
      %dma_wait3A_541 = arith.constant 0 : i32
      %dma_wait3A_542 = tpu.memref_slice %arg3[%dma_wait3A_540, %dma_wait3A_541] : memref<100000x2048xf32, #tpu.memory_space<hbm>> -> memref<100000x2048xf32, #tpu.memory_space<hbm>>
      tpu.wait_indirect_dma semaphore(%arg43 : memref<!tpu.dma_semaphore, #tpu.memory_space<semaphore_mem>>) src(%dma_wait3A_542 : memref<100000x2048xf32, #tpu.memory_space<hbm>>) dst(%arg26 : memref<1x2048xf32, #tpu.memory_space<vmem>>)
      %dma_wait3A_543 = arith.constant 0 : i32
      %dma_wait3A_544 = tpu.memref_slice %arg4[%add3A_530, %dma_wait3A_543] : memref<2048x1024xi32, #tpu.memory_space<hbm>> -> memref<1x1024xi32, #tpu.memory_space<hbm>>
      %dma_wait3A_545 = arith.constant 0 : i32
      %dma_wait3A_546 = tpu.memref_slice %arg4[%add3A_530, %dma_wait3A_545] : memref<2048x1024xi32, #tpu.memory_space<hbm>> -> memref<1x1024xi32, #tpu.memory_space<hbm>>
      tpu.wait_dma2 semaphore(%arg43 : memref<!tpu.dma_semaphore, #tpu.memory_space<semaphore_mem>>) src(%dma_wait3A_546 : memref<1x1024xi32, #tpu.memory_space<hbm>>) dst(%arg27 : memref<1x1024xi32, #tpu.memory_space<vmem>>)
      %scan3A_547 = arith.constant 0 : i32
      %scan3A_548 = arith.constant 0 : i32
      %scan3A_549 = arith.constant 64 : i32
      %scan3A_550 = arith.addi %scan3A_548, %scan3A_549 : i32
      %scan3A_551 = arith.constant 1 : i32
      scf.for %scan3A_630 = %scan3A_548 to %scan3A_550 step %scan3A_551  : i32 {
        %mul3A_631 = arith.constant 2 : i32
        %mul3A_632 = arith.muli %scan3A_630, %mul3A_631 : i32
        %mul3A_633 = arith.constant 16 : i32
        %mul3A_634 = arith.muli %mul3A_632, %mul3A_633 : i32
        %mul3A_635 = arith.constant 16 : i32
        %mul3A_636 = arith.muli %scan3A_630, %mul3A_635 : i32
        %get3A = arith.constant 0 : i32
        %get3A_637 = arith.index_cast %get3A : i32 to index
        %get3A_638 = arith.index_cast %mul3A_636 : i32 to index
        %get3A_639 = tpu.vector_load %arg27[%get3A_637, %get3A_638] {strides = array<i32>} : memref<1x1024xi32, #tpu.memory_space<vmem>>, vector<1x16xi32>,
        %get3A_640 = vector.shape_cast %get3A_639 : vector<1x16xi32> to vector<16xi32>
        %shift_left3A = arith.constant 16 : i32
        %shift_left3A_641 = vector.broadcast %shift_left3A : i32 to vector<16xi32>
        %shift_left3A_642 = arith.shli %get3A_640, %shift_left3A_641 : vector<16xi32>
        %bitcast_convert_type3A = tpu.bitcast %shift_left3A_642 : vector<16xi32> -> vector<16xf32>
        %and3A = arith.constant -65536 : i32
        %and3A_643 = vector.broadcast %and3A : i32 to vector<16xi32>
        %and3A_644 = arith.andi %get3A_640, %and3A_643 : vector<16xi32>
        %bitcast_convert_type3A_645 = tpu.bitcast %and3A_644 : vector<16xi32> -> vector<16xf32>
        %swap3A = arith.constant 0 : i32
        %swap3A_646 = arith.index_cast %swap3A : i32 to index
        %swap3A_647 = arith.index_cast %mul3A_634 : i32 to index
        %swap3A_648 = tpu.vector_load %arg25[%swap3A_646, %swap3A_647] {strides = array<i32>} : memref<1x2048xf32, #tpu.memory_space<vmem>>, vector<1x16xf32>,
        %swap3A_649 = vector.shape_cast %swap3A_648 : vector<1x16xf32> to vector<16xf32>
        %swap3A_650 = vector.shape_cast %bitcast_convert_type3A : vector<16xf32> to vector<1x16xf32>
        tpu.vector_store %arg25[%swap3A_646, %swap3A_647], %swap3A_650 {add = true, strides = array<i32>} : memref<1x2048xf32, #tpu.memory_space<vmem>>, vector<1x16xf32>,
        %swap3A_651 = arith.constant 0 : i32
        %swap3A_652 = arith.index_cast %swap3A_651 : i32 to index
        %swap3A_653 = arith.index_cast %mul3A_634 : i32 to index
        %swap3A_654 = tpu.vector_load %arg26[%swap3A_652, %swap3A_653] {strides = array<i32>} : memref<1x2048xf32, #tpu.memory_space<vmem>>, vector<1x16xf32>,
        %swap3A_655 = vector.shape_cast %swap3A_654 : vector<1x16xf32> to vector<16xf32>
        %swap3A_656 = vector.shape_cast %bitcast_convert_type3A : vector<16xf32> to vector<1x16xf32>
        tpu.vector_store %arg26[%swap3A_652, %swap3A_653], %swap3A_656 {add = true, strides = array<i32>} : memref<1x2048xf32, #tpu.memory_space<vmem>>, vector<1x16xf32>,
        %add3A_657 = arith.constant 16 : i32
        %add3A_658 = arith.addi %mul3A_634, %add3A_657 : i32
        %swap3A_659 = arith.constant 0 : i32
        %swap3A_660 = arith.index_cast %swap3A_659 : i32 to index
        %swap3A_661 = arith.index_cast %add3A_658 : i32 to index
        %swap3A_662 = tpu.vector_load %arg25[%swap3A_660, %swap3A_661] {strides = array<i32>} : memref<1x2048xf32, #tpu.memory_space<vmem>>, vector<1x16xf32>,
        %swap3A_663 = vector.shape_cast %swap3A_662 : vector<1x16xf32> to vector<16xf32>
        %swap3A_664 = vector.shape_cast %bitcast_convert_type3A_645 : vector<16xf32> to vector<1x16xf32>
        tpu.vector_store %arg25[%swap3A_660, %swap3A_661], %swap3A_664 {add = true, strides = array<i32>} : memref<1x2048xf32, #tpu.memory_space<vmem>>, vector<1x16xf32>,
        %add3A_665 = arith.constant 16 : i32
        %add3A_666 = arith.addi %mul3A_634, %add3A_665 : i32
        %swap3A_667 = arith.constant 0 : i32
        %swap3A_668 = arith.index_cast %swap3A_667 : i32 to index
        %swap3A_669 = arith.index_cast %add3A_666 : i32 to index
        %swap3A_670 = tpu.vector_load %arg26[%swap3A_668, %swap3A_669] {strides = array<i32>} : memref<1x2048xf32, #tpu.memory_space<vmem>>, vector<1x16xf32>,
        %swap3A_671 = vector.shape_cast %swap3A_670 : vector<1x16xf32> to vector<16xf32>
        %swap3A_672 = vector.shape_cast %bitcast_convert_type3A_645 : vector<16xf32> to vector<1x16xf32>
        tpu.vector_store %arg26[%swap3A_668, %swap3A_669], %swap3A_672 {add = true, strides = array<i32>} : memref<1x2048xf32, #tpu.memory_space<vmem>>, vector<1x16xf32>,
      }
      %scan3A_552 = arith.constant 64 : i32
      %mul3A_553 = arith.constant 1 : i32
      %mul3A_554 = arith.muli %add3A_511, %mul3A_553 : i32
      %add3A_555 = arith.addi %mul3A_2, %mul3A_554 : i32
      %add3A_556 = arith.constant 2048 : i32
      %add3A_557 = arith.addi %add3A_556, %mul3A_2 : i32
      %mul3A_558 = arith.constant 1 : i32
      %mul3A_559 = arith.muli %add3A_511, %mul3A_558 : i32
      %add3A_560 = arith.addi %add3A_557, %mul3A_559 : i32
      %dma_start3A_561 = arith.constant 0 : i32
      %dma_start3A_562 = tpu.memref_slice %arg5[%add3A_555, %dma_start3A_561] : memref<4096x2048xf32, #tpu.memory_space<hbm>> -> memref<1x2048xf32, #tpu.memory_space<hbm>>
      %dma_start3A_563 = arith.constant 0 : i32
      %dma_start3A_564 = tpu.memref_slice %arg5[%add3A_555, %dma_start3A_563] : memref<4096x2048xf32, #tpu.memory_space<hbm>> -> memref<1x2048xf32, #tpu.memory_space<hbm>>
      tpu.enqueue_dma source(%arg25 : memref<1x2048xf32, #tpu.memory_space<vmem>>) target(%dma_start3A_564 : memref<1x2048xf32, #tpu.memory_space<hbm>>) target_semaphore(%arg44 : memref<!tpu.dma_semaphore, #tpu.memory_space<semaphore_mem>>)
      %dma_start3A_565 = arith.constant 0 : i32
      %dma_start3A_566 = tpu.memref_slice %arg5[%add3A_560, %dma_start3A_565] : memref<4096x2048xf32, #tpu.memory_space<hbm>> -> memref<1x2048xf32, #tpu.memory_space<hbm>>
      %dma_start3A_567 = arith.constant 0 : i32
      %dma_start3A_568 = tpu.memref_slice %arg5[%add3A_560, %dma_start3A_567] : memref<4096x2048xf32, #tpu.memory_space<hbm>> -> memref<1x2048xf32, #tpu.memory_space<hbm>>
      tpu.enqueue_dma source(%arg26 : memref<1x2048xf32, #tpu.memory_space<vmem>>) target(%dma_start3A_568 : memref<1x2048xf32, #tpu.memory_space<hbm>>) target_semaphore(%arg44 : memref<!tpu.dma_semaphore, #tpu.memory_space<semaphore_mem>>)
      %mul3A_569 = arith.constant 8 : i32
      %mul3A_570 = arith.muli %scan3A_145, %mul3A_569 : i32
      %add3A_571 = arith.constant 7 : i32
      %add3A_572 = arith.addi %mul3A_570, %add3A_571 : i32
      %ge3A_573 = arith.constant 4 : i32
      %ge3A_574 = arith.cmpi sge, %add3A_572, %ge3A_573 : i32
      %convert_element_type3A_575 = arith.extui %ge3A_574 : i1 to i32
      %cond3A_576 = arith.constant 0 : i32
      %cond3A_577 = arith.cmpi ne, %convert_element_type3A_575, %cond3A_576 : i32
      scf.if %cond3A_577 {
        %sub3A = arith.constant 4 : i32
        %sub3A_630 = arith.subi %add3A_572, %sub3A : i32
        %mul3A_631 = arith.constant 1 : i32
        %mul3A_632 = arith.muli %sub3A_630, %mul3A_631 : i32
        %add3A_633 = arith.addi %mul3A_2, %mul3A_632 : i32
        %add3A_634 = arith.constant 2048 : i32
        %add3A_635 = arith.addi %add3A_634, %mul3A_2 : i32
        %mul3A_636 = arith.constant 1 : i32
        %mul3A_637 = arith.muli %sub3A_630, %mul3A_636 : i32
        %add3A_638 = arith.addi %add3A_635, %mul3A_637 : i32
        %dma_wait3A_639 = arith.constant 0 : i32
        %dma_wait3A_640 = tpu.memref_slice %arg5[%add3A_633, %dma_wait3A_639] : memref<4096x2048xf32, #tpu.memory_space<hbm>> -> memref<1x2048xf32, #tpu.memory_space<hbm>>
        %dma_wait3A_641 = arith.constant 0 : i32
        %dma_wait3A_642 = tpu.memref_slice %arg5[%add3A_633, %dma_wait3A_641] : memref<4096x2048xf32, #tpu.memory_space<hbm>> -> memref<1x2048xf32, #tpu.memory_space<hbm>>
        tpu.wait_dma2 semaphore(%arg38 : memref<!tpu.dma_semaphore, #tpu.memory_space<semaphore_mem>>) src(%arg16 : memref<1x2048xf32, #tpu.memory_space<vmem>>) dst(%dma_wait3A_642 : memref<1x2048xf32, #tpu.memory_space<hbm>>)
        %dma_wait3A_643 = arith.constant 0 : i32
        %dma_wait3A_644 = tpu.memref_slice %arg5[%add3A_638, %dma_wait3A_643] : memref<4096x2048xf32, #tpu.memory_space<hbm>> -> memref<1x2048xf32, #tpu.memory_space<hbm>>
        %dma_wait3A_645 = arith.constant 0 : i32
        %dma_wait3A_646 = tpu.memref_slice %arg5[%add3A_638, %dma_wait3A_645] : memref<4096x2048xf32, #tpu.memory_space<hbm>> -> memref<1x2048xf32, #tpu.memory_space<hbm>>
        tpu.wait_dma2 semaphore(%arg38 : memref<!tpu.dma_semaphore, #tpu.memory_space<semaphore_mem>>) src(%arg17 : memref<1x2048xf32, #tpu.memory_space<vmem>>) dst(%dma_wait3A_646 : memref<1x2048xf32, #tpu.memory_space<hbm>>)
      } else {
      }
      %add3A_578 = arith.constant 4 : i32
      %add3A_579 = arith.addi %add3A_572, %add3A_578 : i32
      %lt3A_580 = arith.constant 64 : i32
      %lt3A_581 = arith.cmpi slt, %add3A_579, %lt3A_580 : i32
      %convert_element_type3A_582 = arith.extui %lt3A_581 : i1 to i32
      %cond3A_583 = arith.constant 0 : i32
      %cond3A_584 = arith.cmpi ne, %convert_element_type3A_582, %cond3A_583 : i32
      scf.if %cond3A_584 {
        %add3A_630 = arith.constant 4 : i32
        %add3A_631 = arith.addi %add3A_572, %add3A_630 : i32
        %mul3A_632 = arith.constant 1 : i32
        %mul3A_633 = arith.muli %add3A_631, %mul3A_632 : i32
        %mul3A_634 = arith.constant 1 : i32
        %mul3A_635 = arith.muli %add3A_631, %mul3A_634 : i32
        %mul3A_636 = arith.constant 1 : i32
        %mul3A_637 = arith.muli %add3A_631, %mul3A_636 : i32
        %add3A_638 = arith.addi %mul3A_2, %mul3A_637 : i32
        %dma_start3A_639 = arith.constant 0 : i32
        %dma_start3A_640 = tpu.memref_slice %arg6[%dma_start3A_639, %mul3A_633] : memref<2x64xi32, #tpu.memory_space<vmem>> -> memref<1x1xi32, #tpu.memory_space<vmem>>
        %dma_start3A_641 = tpu.memref_squeeze %dma_start3A_640 : memref<1x1xi32, #tpu.memory_space<vmem>> -> memref<1xi32, #tpu.memory_space<vmem>>
        %dma_start3A_642 = arith.constant 0 : i32
        %dma_start3A_643 = arith.constant 0 : i32
        %dma_start3A_644 = tpu.memref_slice %arg3[%dma_start3A_642, %dma_start3A_643] : memref<100000x2048xf32, #tpu.memory_space<hbm>> -> memref<100000x2048xf32, #tpu.memory_space<hbm>>
        tpu.enqueue_indirect_dma source(%dma_start3A_644 : memref<100000x2048xf32, #tpu.memory_space<hbm>>) target(%arg16 : memref<1x2048xf32, #tpu.memory_space<vmem>>) offsets(%dma_start3A_641 : memref<1xi32, #tpu.memory_space<vmem>>) semaphore(%arg37 : memref<!tpu.dma_semaphore, #tpu.memory_space<semaphore_mem>>)
        %dma_start3A_645 = arith.constant 1 : i32
        %dma_start3A_646 = tpu.memref_slice %arg6[%dma_start3A_645, %mul3A_635] : memref<2x64xi32, #tpu.memory_space<vmem>> -> memref<1x1xi32, #tpu.memory_space<vmem>>
        %dma_start3A_647 = tpu.memref_squeeze %dma_start3A_646 : memref<1x1xi32, #tpu.memory_space<vmem>> -> memref<1xi32, #tpu.memory_space<vmem>>
        %dma_start3A_648 = arith.constant 0 : i32
        %dma_start3A_649 = arith.constant 0 : i32
        %dma_start3A_650 = tpu.memref_slice %arg3[%dma_start3A_648, %dma_start3A_649] : memref<100000x2048xf32, #tpu.memory_space<hbm>> -> memref<100000x2048xf32, #tpu.memory_space<hbm>>
        tpu.enqueue_indirect_dma source(%dma_start3A_650 : memref<100000x2048xf32, #tpu.memory_space<hbm>>) target(%arg17 : memref<1x2048xf32, #tpu.memory_space<vmem>>) offsets(%dma_start3A_647 : memref<1xi32, #tpu.memory_space<vmem>>) semaphore(%arg37 : memref<!tpu.dma_semaphore, #tpu.memory_space<semaphore_mem>>)
        %dma_start3A_651 = arith.constant 0 : i32
        %dma_start3A_652 = tpu.memref_slice %arg4[%add3A_638, %dma_start3A_651] : memref<2048x1024xi32, #tpu.memory_space<hbm>> -> memref<1x1024xi32, #tpu.memory_space<hbm>>
        %dma_start3A_653 = arith.constant 0 : i32
        %dma_start3A_654 = tpu.memref_slice %arg4[%add3A_638, %dma_start3A_653] : memref<2048x1024xi32, #tpu.memory_space<hbm>> -> memref<1x1024xi32, #tpu.memory_space<hbm>>
        tpu.enqueue_dma source(%dma_start3A_654 : memref<1x1024xi32, #tpu.memory_space<hbm>>) target(%arg18 : memref<1x1024xi32, #tpu.memory_space<vmem>>) target_semaphore(%arg37 : memref<!tpu.dma_semaphore, #tpu.memory_space<semaphore_mem>>)
      } else {
      }
      %mul3A_585 = arith.constant 1 : i32
      %mul3A_586 = arith.muli %add3A_572, %mul3A_585 : i32
      %mul3A_587 = arith.constant 1 : i32
      %mul3A_588 = arith.muli %add3A_572, %mul3A_587 : i32
      %mul3A_589 = arith.constant 1 : i32
      %mul3A_590 = arith.muli %add3A_572, %mul3A_589 : i32
      %add3A_591 = arith.addi %mul3A_2, %mul3A_590 : i32
      %dma_wait3A_592 = arith.constant 0 : i32
      %dma_wait3A_593 = tpu.memref_slice %arg6[%dma_wait3A_592, %mul3A_586] : memref<2x64xi32, #tpu.memory_space<vmem>> -> memref<1x1xi32, #tpu.memory_space<vmem>>
      %dma_wait3A_594 = tpu.memref_squeeze %dma_wait3A_593 : memref<1x1xi32, #tpu.memory_space<vmem>> -> memref<1xi32, #tpu.memory_space<vmem>>
      %dma_wait3A_595 = arith.constant 0 : i32
      %dma_wait3A_596 = arith.constant 0 : i32
      %dma_wait3A_597 = tpu.memref_slice %arg3[%dma_wait3A_595, %dma_wait3A_596] : memref<100000x2048xf32, #tpu.memory_space<hbm>> -> memref<100000x2048xf32, #tpu.memory_space<hbm>>
      tpu.wait_indirect_dma semaphore(%arg45 : memref<!tpu.dma_semaphore, #tpu.memory_space<semaphore_mem>>) src(%dma_wait3A_597 : memref<100000x2048xf32, #tpu.memory_space<hbm>>) dst(%arg28 : memref<1x2048xf32, #tpu.memory_space<vmem>>)
      %dma_wait3A_598 = arith.constant 1 : i32
      %dma_wait3A_599 = tpu.memref_slice %arg6[%dma_wait3A_598, %mul3A_588] : memref<2x64xi32, #tpu.memory_space<vmem>> -> memref<1x1xi32, #tpu.memory_space<vmem>>
      %dma_wait3A_600 = tpu.memref_squeeze %dma_wait3A_599 : memref<1x1xi32, #tpu.memory_space<vmem>> -> memref<1xi32, #tpu.memory_space<vmem>>
      %dma_wait3A_601 = arith.constant 0 : i32
      %dma_wait3A_602 = arith.constant 0 : i32
      %dma_wait3A_603 = tpu.memref_slice %arg3[%dma_wait3A_601, %dma_wait3A_602] : memref<100000x2048xf32, #tpu.memory_space<hbm>> -> memref<100000x2048xf32, #tpu.memory_space<hbm>>
      tpu.wait_indirect_dma semaphore(%arg45 : memref<!tpu.dma_semaphore, #tpu.memory_space<semaphore_mem>>) src(%dma_wait3A_603 : memref<100000x2048xf32, #tpu.memory_space<hbm>>) dst(%arg29 : memref<1x2048xf32, #tpu.memory_space<vmem>>)
      %dma_wait3A_604 = arith.constant 0 : i32
      %dma_wait3A_605 = tpu.memref_slice %arg4[%add3A_591, %dma_wait3A_604] : memref<2048x1024xi32, #tpu.memory_space<hbm>> -> memref<1x1024xi32, #tpu.memory_space<hbm>>
      %dma_wait3A_606 = arith.constant 0 : i32
      %dma_wait3A_607 = tpu.memref_slice %arg4[%add3A_591, %dma_wait3A_606] : memref<2048x1024xi32, #tpu.memory_space<hbm>> -> memref<1x1024xi32, #tpu.memory_space<hbm>>
      tpu.wait_dma2 semaphore(%arg45 : memref<!tpu.dma_semaphore, #tpu.memory_space<semaphore_mem>>) src(%dma_wait3A_607 : memref<1x1024xi32, #tpu.memory_space<hbm>>) dst(%arg30 : memref<1x1024xi32, #tpu.memory_space<vmem>>)
      %scan3A_608 = arith.constant 0 : i32
      %scan3A_609 = arith.constant 0 : i32
      %scan3A_610 = arith.constant 64 : i32
      %scan3A_611 = arith.addi %scan3A_609, %scan3A_610 : i32
      %scan3A_612 = arith.constant 1 : i32
      scf.for %scan3A_630 = %scan3A_609 to %scan3A_611 step %scan3A_612  : i32 {
        %mul3A_631 = arith.constant 2 : i32
        %mul3A_632 = arith.muli %scan3A_630, %mul3A_631 : i32
        %mul3A_633 = arith.constant 16 : i32
        %mul3A_634 = arith.muli %mul3A_632, %mul3A_633 : i32
        %mul3A_635 = arith.constant 16 : i32
        %mul3A_636 = arith.muli %scan3A_630, %mul3A_635 : i32
        %get3A = arith.constant 0 : i32
        %get3A_637 = arith.index_cast %get3A : i32 to index
        %get3A_638 = arith.index_cast %mul3A_636 : i32 to index
        %get3A_639 = tpu.vector_load %arg30[%get3A_637, %get3A_638] {strides = array<i32>} : memref<1x1024xi32, #tpu.memory_space<vmem>>, vector<1x16xi32>,
        %get3A_640 = vector.shape_cast %get3A_639 : vector<1x16xi32> to vector<16xi32>
        %shift_left3A = arith.constant 16 : i32
        %shift_left3A_641 = vector.broadcast %shift_left3A : i32 to vector<16xi32>
        %shift_left3A_642 = arith.shli %get3A_640, %shift_left3A_641 : vector<16xi32>
        %bitcast_convert_type3A = tpu.bitcast %shift_left3A_642 : vector<16xi32> -> vector<16xf32>
        %and3A = arith.constant -65536 : i32
        %and3A_643 = vector.broadcast %and3A : i32 to vector<16xi32>
        %and3A_644 = arith.andi %get3A_640, %and3A_643 : vector<16xi32>
        %bitcast_convert_type3A_645 = tpu.bitcast %and3A_644 : vector<16xi32> -> vector<16xf32>
        %swap3A = arith.constant 0 : i32
        %swap3A_646 = arith.index_cast %swap3A : i32 to index
        %swap3A_647 = arith.index_cast %mul3A_634 : i32 to index
        %swap3A_648 = tpu.vector_load %arg28[%swap3A_646, %swap3A_647] {strides = array<i32>} : memref<1x2048xf32, #tpu.memory_space<vmem>>, vector<1x16xf32>,
        %swap3A_649 = vector.shape_cast %swap3A_648 : vector<1x16xf32> to vector<16xf32>
        %swap3A_650 = vector.shape_cast %bitcast_convert_type3A : vector<16xf32> to vector<1x16xf32>
        tpu.vector_store %arg28[%swap3A_646, %swap3A_647], %swap3A_650 {add = true, strides = array<i32>} : memref<1x2048xf32, #tpu.memory_space<vmem>>, vector<1x16xf32>,
        %swap3A_651 = arith.constant 0 : i32
        %swap3A_652 = arith.index_cast %swap3A_651 : i32 to index
        %swap3A_653 = arith.index_cast %mul3A_634 : i32 to index
        %swap3A_654 = tpu.vector_load %arg29[%swap3A_652, %swap3A_653] {strides = array<i32>} : memref<1x2048xf32, #tpu.memory_space<vmem>>, vector<1x16xf32>,
        %swap3A_655 = vector.shape_cast %swap3A_654 : vector<1x16xf32> to vector<16xf32>
        %swap3A_656 = vector.shape_cast %bitcast_convert_type3A : vector<16xf32> to vector<1x16xf32>
        tpu.vector_store %arg29[%swap3A_652, %swap3A_653], %swap3A_656 {add = true, strides = array<i32>} : memref<1x2048xf32, #tpu.memory_space<vmem>>, vector<1x16xf32>,
        %add3A_657 = arith.constant 16 : i32
        %add3A_658 = arith.addi %mul3A_634, %add3A_657 : i32
        %swap3A_659 = arith.constant 0 : i32
        %swap3A_660 = arith.index_cast %swap3A_659 : i32 to index
        %swap3A_661 = arith.index_cast %add3A_658 : i32 to index
        %swap3A_662 = tpu.vector_load %arg28[%swap3A_660, %swap3A_661] {strides = array<i32>} : memref<1x2048xf32, #tpu.memory_space<vmem>>, vector<1x16xf32>,
        %swap3A_663 = vector.shape_cast %swap3A_662 : vector<1x16xf32> to vector<16xf32>
        %swap3A_664 = vector.shape_cast %bitcast_convert_type3A_645 : vector<16xf32> to vector<1x16xf32>
        tpu.vector_store %arg28[%swap3A_660, %swap3A_661], %swap3A_664 {add = true, strides = array<i32>} : memref<1x2048xf32, #tpu.memory_space<vmem>>, vector<1x16xf32>,
        %add3A_665 = arith.constant 16 : i32
        %add3A_666 = arith.addi %mul3A_634, %add3A_665 : i32
        %swap3A_667 = arith.constant 0 : i32
        %swap3A_668 = arith.index_cast %swap3A_667 : i32 to index
        %swap3A_669 = arith.index_cast %add3A_666 : i32 to index
        %swap3A_670 = tpu.vector_load %arg29[%swap3A_668, %swap3A_669] {strides = array<i32>} : memref<1x2048xf32, #tpu.memory_space<vmem>>, vector<1x16xf32>,
        %swap3A_671 = vector.shape_cast %swap3A_670 : vector<1x16xf32> to vector<16xf32>
        %swap3A_672 = vector.shape_cast %bitcast_convert_type3A_645 : vector<16xf32> to vector<1x16xf32>
        tpu.vector_store %arg29[%swap3A_668, %swap3A_669], %swap3A_672 {add = true, strides = array<i32>} : memref<1x2048xf32, #tpu.memory_space<vmem>>, vector<1x16xf32>,
      }
      %scan3A_613 = arith.constant 64 : i32
      %mul3A_614 = arith.constant 1 : i32
      %mul3A_615 = arith.muli %add3A_572, %mul3A_614 : i32
      %add3A_616 = arith.addi %mul3A_2, %mul3A_615 : i32
      %add3A_617 = arith.constant 2048 : i32
      %add3A_618 = arith.addi %add3A_617, %mul3A_2 : i32
      %mul3A_619 = arith.constant 1 : i32
      %mul3A_620 = arith.muli %add3A_572, %mul3A_619 : i32
      %add3A_621 = arith.addi %add3A_618, %mul3A_620 : i32
      %dma_start3A_622 = arith.constant 0 : i32
      %dma_start3A_623 = tpu.memref_slice %arg5[%add3A_616, %dma_start3A_622] : memref<4096x2048xf32, #tpu.memory_space<hbm>> -> memref<1x2048xf32, #tpu.memory_space<hbm>>
      %dma_start3A_624 = arith.constant 0 : i32
      %dma_start3A_625 = tpu.memref_slice %arg5[%add3A_616, %dma_start3A_624] : memref<4096x2048xf32, #tpu.memory_space<hbm>> -> memref<1x2048xf32, #tpu.memory_space<hbm>>
      tpu.enqueue_dma source(%arg28 : memref<1x2048xf32, #tpu.memory_space<vmem>>) target(%dma_start3A_625 : memref<1x2048xf32, #tpu.memory_space<hbm>>) target_semaphore(%arg46 : memref<!tpu.dma_semaphore, #tpu.memory_space<semaphore_mem>>)
      %dma_start3A_626 = arith.constant 0 : i32
      %dma_start3A_627 = tpu.memref_slice %arg5[%add3A_621, %dma_start3A_626] : memref<4096x2048xf32, #tpu.memory_space<hbm>> -> memref<1x2048xf32, #tpu.memory_space<hbm>>
      %dma_start3A_628 = arith.constant 0 : i32
      %dma_start3A_629 = tpu.memref_slice %arg5[%add3A_621, %dma_start3A_628] : memref<4096x2048xf32, #tpu.memory_space<hbm>> -> memref<1x2048xf32, #tpu.memory_space<hbm>>
      tpu.enqueue_dma source(%arg29 : memref<1x2048xf32, #tpu.memory_space<vmem>>) target(%dma_start3A_629 : memref<1x2048xf32, #tpu.memory_space<hbm>>) target_semaphore(%arg46 : memref<!tpu.dma_semaphore, #tpu.memory_space<semaphore_mem>>)
    }
    %scan3A_89 = arith.constant 8 : i32
    %add3A_90 = arith.constant 60 : i32
    %add3A_91 = arith.addi %mul3A_2, %add3A_90 : i32
    %add3A_92 = arith.constant 2048 : i32
    %add3A_93 = arith.addi %add3A_92, %mul3A_2 : i32
    %add3A_94 = arith.constant 60 : i32
    %add3A_95 = arith.addi %add3A_93, %add3A_94 : i32
    %dma_wait3A = arith.constant 0 : i32
    %dma_wait3A_96 = tpu.memref_slice %arg5[%add3A_91, %dma_wait3A] : memref<4096x2048xf32, #tpu.memory_space<hbm>> -> memref<1x2048xf32, #tpu.memory_space<hbm>>
    %dma_wait3A_97 = arith.constant 0 : i32
    %dma_wait3A_98 = tpu.memref_slice %arg5[%add3A_91, %dma_wait3A_97] : memref<4096x2048xf32, #tpu.memory_space<hbm>> -> memref<1x2048xf32, #tpu.memory_space<hbm>>
    tpu.wait_dma2 semaphore(%arg40 : memref<!tpu.dma_semaphore, #tpu.memory_space<semaphore_mem>>) src(%arg19 : memref<1x2048xf32, #tpu.memory_space<vmem>>) dst(%dma_wait3A_98 : memref<1x2048xf32, #tpu.memory_space<hbm>>)
    %dma_wait3A_99 = arith.constant 0 : i32
    %dma_wait3A_100 = tpu.memref_slice %arg5[%add3A_95, %dma_wait3A_99] : memref<4096x2048xf32, #tpu.memory_space<hbm>> -> memref<1x2048xf32, #tpu.memory_space<hbm>>
    %dma_wait3A_101 = arith.constant 0 : i32
    %dma_wait3A_102 = tpu.memref_slice %arg5[%add3A_95, %dma_wait3A_101] : memref<4096x2048xf32, #tpu.memory_space<hbm>> -> memref<1x2048xf32, #tpu.memory_space<hbm>>
    tpu.wait_dma2 semaphore(%arg40 : memref<!tpu.dma_semaphore, #tpu.memory_space<semaphore_mem>>) src(%arg20 : memref<1x2048xf32, #tpu.memory_space<vmem>>) dst(%dma_wait3A_102 : memref<1x2048xf32, #tpu.memory_space<hbm>>)
    %add3A_103 = arith.constant 61 : i32
    %add3A_104 = arith.addi %mul3A_2, %add3A_103 : i32
    %add3A_105 = arith.constant 2048 : i32
    %add3A_106 = arith.addi %add3A_105, %mul3A_2 : i32
    %add3A_107 = arith.constant 61 : i32
    %add3A_108 = arith.addi %add3A_106, %add3A_107 : i32
    %dma_wait3A_109 = arith.constant 0 : i32
    %dma_wait3A_110 = tpu.memref_slice %arg5[%add3A_104, %dma_wait3A_109] : memref<4096x2048xf32, #tpu.memory_space<hbm>> -> memref<1x2048xf32, #tpu.memory_space<hbm>>
    %dma_wait3A_111 = arith.constant 0 : i32
    %dma_wait3A_112 = tpu.memref_slice %arg5[%add3A_104, %dma_wait3A_111] : memref<4096x2048xf32, #tpu.memory_space<hbm>> -> memref<1x2048xf32, #tpu.memory_space<hbm>>
    tpu.wait_dma2 semaphore(%arg42 : memref<!tpu.dma_semaphore, #tpu.memory_space<semaphore_mem>>) src(%arg22 : memref<1x2048xf32, #tpu.memory_space<vmem>>) dst(%dma_wait3A_112 : memref<1x2048xf32, #tpu.memory_space<hbm>>)
    %dma_wait3A_113 = arith.constant 0 : i32
    %dma_wait3A_114 = tpu.memref_slice %arg5[%add3A_108, %dma_wait3A_113] : memref<4096x2048xf32, #tpu.memory_space<hbm>> -> memref<1x2048xf32, #tpu.memory_space<hbm>>
    %dma_wait3A_115 = arith.constant 0 : i32
    %dma_wait3A_116 = tpu.memref_slice %arg5[%add3A_108, %dma_wait3A_115] : memref<4096x2048xf32, #tpu.memory_space<hbm>> -> memref<1x2048xf32, #tpu.memory_space<hbm>>
    tpu.wait_dma2 semaphore(%arg42 : memref<!tpu.dma_semaphore, #tpu.memory_space<semaphore_mem>>) src(%arg23 : memref<1x2048xf32, #tpu.memory_space<vmem>>) dst(%dma_wait3A_116 : memref<1x2048xf32, #tpu.memory_space<hbm>>)
    %add3A_117 = arith.constant 62 : i32
    %add3A_118 = arith.addi %mul3A_2, %add3A_117 : i32
    %add3A_119 = arith.constant 2048 : i32
    %add3A_120 = arith.addi %add3A_119, %mul3A_2 : i32
    %add3A_121 = arith.constant 62 : i32
    %add3A_122 = arith.addi %add3A_120, %add3A_121 : i32
    %dma_wait3A_123 = arith.constant 0 : i32
    %dma_wait3A_124 = tpu.memref_slice %arg5[%add3A_118, %dma_wait3A_123] : memref<4096x2048xf32, #tpu.memory_space<hbm>> -> memref<1x2048xf32, #tpu.memory_space<hbm>>
    %dma_wait3A_125 = arith.constant 0 : i32
    %dma_wait3A_126 = tpu.memref_slice %arg5[%add3A_118, %dma_wait3A_125] : memref<4096x2048xf32, #tpu.memory_space<hbm>> -> memref<1x2048xf32, #tpu.memory_space<hbm>>
    tpu.wait_dma2 semaphore(%arg44 : memref<!tpu.dma_semaphore, #tpu.memory_space<semaphore_mem>>) src(%arg25 : memref<1x2048xf32, #tpu.memory_space<vmem>>) dst(%dma_wait3A_126 : memref<1x2048xf32, #tpu.memory_space<hbm>>)
    %dma_wait3A_127 = arith.constant 0 : i32
    %dma_wait3A_128 = tpu.memref_slice %arg5[%add3A_122, %dma_wait3A_127] : memref<4096x2048xf32, #tpu.memory_space<hbm>> -> memref<1x2048xf32, #tpu.memory_space<hbm>>
    %dma_wait3A_129 = arith.constant 0 : i32
    %dma_wait3A_130 = tpu.memref_slice %arg5[%add3A_122, %dma_wait3A_129] : memref<4096x2048xf32, #tpu.memory_space<hbm>> -> memref<1x2048xf32, #tpu.memory_space<hbm>>
    tpu.wait_dma2 semaphore(%arg44 : memref<!tpu.dma_semaphore, #tpu.memory_space<semaphore_mem>>) src(%arg26 : memref<1x2048xf32, #tpu.memory_space<vmem>>) dst(%dma_wait3A_130 : memref<1x2048xf32, #tpu.memory_space<hbm>>)
    %add3A_131 = arith.constant 63 : i32
    %add3A_132 = arith.addi %mul3A_2, %add3A_131 : i32
    %add3A_133 = arith.constant 2048 : i32
    %add3A_134 = arith.addi %add3A_133, %mul3A_2 : i32
    %add3A_135 = arith.constant 63 : i32
    %add3A_136 = arith.addi %add3A_134, %add3A_135 : i32
    %dma_wait3A_137 = arith.constant 0 : i32
    %dma_wait3A_138 = tpu.memref_slice %arg5[%add3A_132, %dma_wait3A_137] : memref<4096x2048xf32, #tpu.memory_space<hbm>> -> memref<1x2048xf32, #tpu.memory_space<hbm>>
    %dma_wait3A_139 = arith.constant 0 : i32
    %dma_wait3A_140 = tpu.memref_slice %arg5[%add3A_132, %dma_wait3A_139] : memref<4096x2048xf32, #tpu.memory_space<hbm>> -> memref<1x2048xf32, #tpu.memory_space<hbm>>
    tpu.wait_dma2 semaphore(%arg46 : memref<!tpu.dma_semaphore, #tpu.memory_space<semaphore_mem>>) src(%arg28 : memref<1x2048xf32, #tpu.memory_space<vmem>>) dst(%dma_wait3A_140 : memref<1x2048xf32, #tpu.memory_space<hbm>>)
    %dma_wait3A_141 = arith.constant 0 : i32
    %dma_wait3A_142 = tpu.memref_slice %arg5[%add3A_136, %dma_wait3A_141] : memref<4096x2048xf32, #tpu.memory_space<hbm>> -> memref<1x2048xf32, #tpu.memory_space<hbm>>
    %dma_wait3A_143 = arith.constant 0 : i32
    %dma_wait3A_144 = tpu.memref_slice %arg5[%add3A_136, %dma_wait3A_143] : memref<4096x2048xf32, #tpu.memory_space<hbm>> -> memref<1x2048xf32, #tpu.memory_space<hbm>>
    tpu.wait_dma2 semaphore(%arg46 : memref<!tpu.dma_semaphore, #tpu.memory_space<semaphore_mem>>) src(%arg29 : memref<1x2048xf32, #tpu.memory_space<vmem>>) dst(%dma_wait3A_144 : memref<1x2048xf32, #tpu.memory_space<hbm>>)
    return
  }
}

</mosaic_0001>

<sc_bundles>
// kernel: kernel.3.cloned.1.call-start
scs
__scs_entry_jumppad:
0x0: {  	(pc) =	sbr.rel $0x88, $3  }
0x1: {  	(tag) =	ssettag $0x0;
	lr =	simm.s32 $0x1  }
0x2: {  	[smem:$0x3F9F] =	sst lr;
	_ =	strace $0xD0000000  }
0x3: {  	_ = 	snop  }
0x4: {  	_ = 	snop  }
0x5: {  	_ = 	snop  }
0x6: {  	_ = 	snop  }
0x7: {  	_ = 	snop  }
__scs_overlays_trampoline_lowered:
0x8: {  	[smem:$0x3FAE] =	sst s0  }
0x9: {  	[smem:$0x3FAF] =	sst s1  }
0xa: {  	[smem:$0x3FB0] =	sst s2  }
0xb: {  	[smem:$0x3FB1] =	sst s3  }
0xc: {  	[smem:$0x3FB2] =	sst s4  }
0xd: {  	[smem:$0x3FB3] =	sst s5  }
0xe: {  	[smem:$0x3FB4] =	sst s6  }
0xf: {  	[smem:$0x3FB5] =	sst s7  }
0x10: {  	[smem:$0x3FB6] =	sst s8  }
0x11: {  	[smem:$0x3FB7] =	sst s9;
	s0 =	simm.s32 @!p0 $0x0  }
0x12: {  	s1 =	sld [smem:$0x3F9D];
	s0 =	simm.s32 @p0 $0x1  }
0x13: {  	[smem:$0x3FB8] =	sst s0;
	s0 =	simm.s32 @!p1 $0x0  }
0x14: {  	s2 =	sld [smem:$0x3F9C];
	s0 =	simm.s32 @p1 $0x1  }
0x15: {  	[smem:$0x3FB9] =	sst s0;
	s0 =	simm.s32 @!p2 $0x0  }
0x16: {  	s3 =	sld [smem:$0x3FDB];
	s0 =	simm.s32 @p2 $0x1  }
0x17: {  	s4 =	simm.s32 $0x1BF5;
	[smem:$0x3FBB] =	sst s0  }
0x18: {  	s0 =	sld [smem:$0x3F9E];
	_ =	swait.ge [sflag:s4], $0x0  }
0x19: {  	s7 =	sld [smem:$0x3F9F]  }
0x1a: {  	s8 =	sadd.s32 $0xFFFFE003, lr  }
0x1b: {  	s9 =	sadd.s32 $0xFFFFFEF7, lr;
	s5 =	simm.s32 $0xFFFFFFFF;
	p2 =	slt.u32 s8, $0xFFFFF086  }
0x1c: {  	p1 =	slt.u32 s9, $0xF7A;
	s5 =	simm.s32 @!p2 $0x0  }
0x1d: {  	s5 =	simm.s32 @p1 $0x1;
	p0 =	seq.s32 s7, s2  }
0x1e: {  	s7 =	smul.u32 @!p0 $0xF7A, s2;
	p2 =	seq.s32 @!p0 s5, $0x0  }
0x1f: {  	s9 =	smul.u32 $0xF7A, s1;
	s8 =	simm.s32 @!p0 $0x1BF5;
	p2 =	por !p2, p0  }
0x20: {  	[sflag:s8] =	ssyncset.s32 @!p0 $0xFFFFF086;
	s6 =	sadd.s32 @!p0 s3, s7;
	s7 =	simm.s32 @!p0 $0x108  }
0x21: {  	s3 =	sadd.s32 s3, s9;
	s6 =	sadd.s32 @!p0 $0x88, s6;
	s7 =	simm.s32 @p2 $0x1082  }
0x22: {  	[simem:s7], [sflag:s8] =	dma.local @!p0 [hbm:s6], $0xF7A  }
0x23: {  	s9 =	sor.u32 $0xD0000000, s2;
	s6 =	simm.s32 $0x108;
	_ =	swait.ge @!p0 [sflag:s8], $0x0  }
0x24: {  	s3 =	sadd.s32 $0x88, s3;
	s6 =	simm.s32 @!p1 $0x1082;
	[sflag:s4] =	ssyncset.s32 $0xFFFFF086  }
0x25: {  	[simem:s6], [sflag:s4] =	dma.local [hbm:s3], $0xF7A  }
0x26: {  	[smem:$0x3F9F] =	sst s1;
	(tag) =	ssettag s2;
	_ =	strace s9  }
0x27: {  	s1 =	sld [smem:$0x3FAF]  }
0x28: {  	s2 =	sld [smem:$0x3FB0]  }
0x29: {  	s4 =	sld [smem:$0x3FB2]  }
0x2a: {  	p0 =	seq.s32 s5, $0x0;
	s5 =	sld [smem:$0x3FB3]  }
0x2b: {  	s6 =	sld [smem:$0x3FB4]  }
0x2c: {  	s7 =	sld [smem:$0x3FB5]  }
0x2d: {  	s3 =	simm.s32 $0x108;
	s8 =	sld [smem:$0x3FB6]  }
0x2e: {  	s3 =	simm.s32 @!p0 $0x1082;
	s9 =	sld [smem:$0x3FB7]  }
0x2f: {  	lr =	sadd.s32 s0, s3;
	s0 =	sld [smem:$0x3FAE]  }
0x30: {  	s3 =	sld [smem:$0x3FB1]  }
0x31: {  	[smem:$0x3FBA] =	sst s10  }
0x32: {  	s10 =	sld [smem:$0x3FB8];
	_ =	sdelay $0x3  }
0x33: {  	p0 =	seq.s32 s10, $0x1;
	s10 =	sld [smem:$0x3FBA];
	_ =	sdelay $0x3  }
0x34: {  	[smem:$0x3FBA] =	sst s10  }
0x35: {  	s10 =	sld [smem:$0x3FB9];
	_ =	sdelay $0x3  }
0x36: {  	p1 =	seq.s32 s10, $0x1;
	s10 =	sld [smem:$0x3FBA];
	_ =	sdelay $0x3  }
0x37: {  	[smem:$0x3FBA] =	sst s10  }
0x38: {  	s10 =	sld [smem:$0x3FBB]  }
0x39: {  	_ = 	snop;
	(pc) =	sbr.ind lr, $3  }
0x3a: {  	_ = 	snop  }
0x3b: {  	_ = 	snop  }
0x3c: {  	p2 =	seq.s32 s10, $0x1;
	s10 =	sld [smem:$0x3FBA]  }
0x3d: {  	_ =	shalt  }
0x3e: {  	_ =	shalt  }
0x3f: {  	_ =	shalt  }
0x40: {  	_ =	shalt  }
0x41: {  	_ =	shalt  }
0x42: {  	_ =	shalt  }
0x43: {  	_ =	shalt  }
0x44: {  	_ =	shalt  }
0x45: {  	_ =	shalt  }
0x46: {  	_ =	shalt  }
0x47: {  	_ =	shalt  }
0x48: {  	_ =	shalt  }
0x49: {  	_ =	shalt  }
0x4a: {  	_ =	shalt  }
0x4b: {  	_ =	shalt  }
0x4c: {  	_ =	shalt  }
0x4d: {  	_ =	shalt  }
0x4e: {  	_ =	shalt  }
0x4f: {  	_ =	shalt  }
0x50: {  	_ =	shalt  }
0x51: {  	_ =	shalt  }
0x52: {  	_ =	shalt  }
0x53: {  	_ =	shalt  }
0x54: {  	_ =	shalt  }
0x55: {  	_ =	shalt  }
0x56: {  	_ =	shalt  }
0x57: {  	_ =	shalt  }
0x58: {  	_ =	shalt  }
0x59: {  	_ =	shalt  }
0x5a: {  	_ =	shalt  }
0x5b: {  	_ =	shalt  }
0x5c: {  	_ =	shalt  }
0x5d: {  	_ =	shalt  }
0x5e: {  	_ =	shalt  }
0x5f: {  	_ =	shalt  }
0x60: {  	_ =	shalt  }
0x61: {  	_ =	shalt  }
0x62: {  	_ =	shalt  }
0x63: {  	_ =	shalt  }
0x64: {  	_ =	shalt  }
0x65: {  	_ =	shalt  }
0x66: {  	_ =	shalt  }
0x67: {  	_ =	shalt  }
0x68: {  	_ =	shalt  }
0x69: {  	_ =	shalt  }
0x6a: {  	_ =	shalt  }
0x6b: {  	_ =	shalt  }
0x6c: {  	_ =	shalt  }
0x6d: {  	_ =	shalt  }
0x6e: {  	_ =	shalt  }
0x6f: {  	_ =	shalt  }
0x70: {  	_ =	shalt  }
0x71: {  	_ =	shalt  }
0x72: {  	_ =	shalt  }
0x73: {  	_ =	shalt  }
0x74: {  	_ =	shalt  }
0x75: {  	_ =	shalt  }
0x76: {  	_ =	shalt  }
0x77: {  	_ =	shalt  }
0x78: {  	_ =	shalt  }
0x79: {  	_ =	shalt  }
0x7a: {  	_ =	shalt  }
0x7b: {  	_ =	shalt  }
0x7c: {  	_ =	shalt  }
0x7d: {  	_ =	shalt  }
0x7e: {  	_ =	shalt  }
0x7f: {  	_ =	shalt  }
0x80: {  	_ =	shalt  }
0x81: {  	_ =	shalt  }
0x82: {  	_ =	shalt  }
0x83: {  	_ =	shalt  }
0x84: {  	_ =	shalt  }
0x85: {  	_ =	shalt  }
0x86: {  	_ =	shalt  }
0x87: {  	_ =	shalt  }
.Lfunc_end0:
.L_simem_size_0:
called_computation_lowered:
.L_overlay_start_0:
0x88: {  	s2 =	sld [smem:$0x3FD9]  }
0x89: {  	s3 =	sld [smem:$0x3FFE];
	_ =	sdelay $0x1  }
0x8a: {  	s1 =	srdreg.scid  }
0x8b: {  	s0 =	sand.u32 $0x1, s1  }
0x8c: {  	s17 =	sshll.u32 s0, $0xA;
	s2 =	sadd.s32 s3, s2  }
0x8d: {  	s2 =	sadd.s32 s2, s17  }
0x8e: {  	[smem:$0x3FC6] =	sst s2  }
0x8f: {  	_ = 	snop  }
0x90: {  	s2 =	sld [smem:$0x3FC8]  }
0x91: {  	s18 =	sld [smem:$0x3FD0];
	(tm) =	ssettm $0x1  }
0x92: {  	s4 =	sld [smem:$0x3FFB];
	_ =	sdelay $0x3  }
0x93: {  	_ =	strace s4  }
0x94: {  	s4 =	sld [smem:$0x3FFC];
	_ =	sdelay $0x3  }
0x95: {  	_ =	strace s4  }
0x96: {  	s4 =	sld [smem:$0x3FFD];
	_ =	sdelay $0x3  }
0x97: {  	_ =	strace s4  }
0x98: {  	_ =	strace $0x8FFFFFFF  }
0x99: {  	s19 =	sld [smem:$0x3FDB];
	_ =	sdelay $0x1  }
0x9a: {  	s5 =	simm.s32 $_scs_section_size  }
0x9b: {  	s6 =	simm.s32 $_size__tile_overlayer_lowered;
	s7 =	simm.s32 $_tile_overlayer_lowered  }
0x9c: {  	s22 =	simm.s32 $0x1BFF;
	s21 =	sshll.u32 s7, $0x1;
	s4 =	sadd.s32 s5, s19  }
0x9d: {  	s8 =	simm.s32 $0x0;
	s20 =	sshll.u32 s6, $0x1;
	s6 =	sadd.s32 s21, s4  }
0x9e: {  	[timem:s8], [sflag:s22] =	dma.local [hbm:s6], s20  }
0x9f: {  	_ =	swait.ge [sflag:s22], s20  }
0xa0: {  	s5 =	ssub.s32 $0x0, s20;
	[sflag:s22] =	ssyncset.done $0x0  }
0xa1: {  	[sflag:s22] =	ssyncadd.s32 s5;
	_ =	sdelay $0x1  }
0xa2: {  	s23 =	simm.s32 $0x1B8B  }
0xa3: {  	_ =	swait.ge [sflag:s23], $0x1  }
0xa4: {  	[sflag:s23] =	ssyncset.done $0x0  }
0xa5: {  	s25 =	simm.s32 $0x1B8E;
	s24 =	sld [smem:$0x3FFE];
	[sflag:s23] =	ssyncadd.s32 $0xFFFFFFFF  }
0xa6: {  	s26 =	simm.s32 $execute0_lowered;
	[smem:$0x3FD2] =	sst s25  }
0xa7: {  	s6 =	sshll.u32 s26, $0x1;
	_ =	strace $0x80000046;
	[dreg:$0x1] =	wrdreg $0xFFFFFFFF  }
0xa8: {  	s28 =	simm.s32 $_size_execute0_lowered;
	s4 =	sadd.s32 s4, s6;
	[dreg:$0x0] =	wrdreg $0x0  }
0xa9: {  	s6 =	sshll.u32 s28, $0x1;
	[dreg:$0x2] =	wrdreg s4  }
0xaa: {  	[dreg:$0x3] =	wrdreg s6  }
0xab: {  	[dreg:$0x4] =	wrdreg $0xC0  }
0xac: {  	_ =	task [dreg:s8], $0x5FFFF  }
0xad: {  	[dreg:$0x1] =	wrdreg $0xFFFFFFFF  }
0xae: {  	[dreg:$0x0] =	wrdreg $0x60  }
0xaf: {  	[dreg:$0x2] =	wrdreg s24  }
0xb0: {  	[dreg:$0x3] =	wrdreg s2  }
0xb1: {  	[dreg:$0x4] =	wrdreg s18  }
0xb2: {  	[dreg:$0x5] =	wrdreg $0x9  }
0xb3: {  	_ =	task.clear_ibuf [dreg:s8], $0x6FFFF;
	_ =	strace $0x90000046  }
0xb4: {  	s29 =	simm.s32 $0x9;
	_ =	strace $0x80000048  }
0xb5: {  	_ =	swait.ge [sflag:s29], $0x1  }
0xb6: {  	[sflag:s29] =	ssyncadd.s32 $0xFFFFFFFF  }
0xb7: {  	_ =	strace $0x90000048  }
0xb8: {  	_ =	sfence  }
0xb9: {  	s30 =	sld [smem:$0x0];
	_ =	sdelay $0x2  }
0xba: {  	s31 =	sshll.u32 s1, $0xD;
	s1 =	sshrl.u32 s1, $0x2  }
0xbb: {  	s3 =	sand.u32 $0x4000, s31;
	s1 =	sadd.s32 s1, s30  }
0xbc: {  	s0 =	sor.u32 s3, s0;
	s1 =	sshll.u32 s1, $0x11  }
0xbd: {  	s0 =	sor.u32 s1, s0  }
0xbe: {  	s0 =	sadd.s32 $0x8F2B, s0  }
0xbf: {  	[sflag:s0] =	ssyncadd.remote.s32 $0x1  }
0xc0: {  	_ =	sfence.sel $0xFFFF  }
0xc1: {  	[dreg:$0x0] =	wrdreg $0xFFFFFFFF;
	(pc) =	sbr.abs _section_cstart, $3  }
0xc2: {  	[dreg:$0x1] =	wrdreg $0xFFFFFFFF  }
0xc3: {  	_ =	task.clear_ibuf [dreg:s8], $0x2FFFF;
	_ =	strace $0x9FFFFFFF  }
0xc4: {  	(tm) =	ssettm $0x7FFFFFFF  }
0xc5: {  	_ =	shalt  }
tec
execute0_lowered:
.L_overlay_start_1:
0x0: {  	(tag) =	ssettag $0x1  }
0x1: {  	s0 =	rddreg [dreg:$0x0]  }
0x2: {  	s1 =	rddreg [dreg:$0x1]  }
0x3: {  	s7 =	rddreg [dreg:$0x2]  }
0x4: {  	s3 =	simm.s32 $0x0;
	s2 =	srdreg.scid;
	s13 =	stileid.u32  }
0x5: {  	s31 =	simm.s32 $0x80;
	s10 =	simm.s32 $0x3;
	s11 =	simm.s32 $0x9  }
0x6: {  	s12 =	simm.s32 $0x4;
	[smem:$0x7FF] =	sst s3;
	s8 =	sadd.s32 $0x600, s0  }
0x7: {  	s19 =	sadd.s32 $0x610, s0;
	_ =	strace $0x80000047;
	[dreg:$0x4] =	wrdreg s8  }
0x8: {  	s2 =	sand.u32 $0x1, s2;
	s20 =	sadd.s32 $0x620, s0;
	[dreg:$0x9] =	wrdreg s19  }
0x9: {  	s3 =	sshll.u32 s13, $0x7;
	s22 =	sadd.s32 $0x630, s0;
	[dreg:$0xa] =	wrdreg s20  }
0xa: {  	s6 =	sadd.s32 $0x400, s0;
	s23 =	sadd.s32 $0x640, s0;
	[dreg:$0xd] =	wrdreg s22  }
0xb: {  	s24 =	sadd.s32 $0x650, s0;
	s25 =	sadd.s32 $0x10, s7;
	[dreg:$0xf] =	wrdreg s23  }
0xc: {  	s26 =	sadd.s32 $0x660, s0;
	s0 =	sadd.s32 $0x670, s0;
	[dreg:$0x10] =	wrdreg s24  }
0xd: {  	s28 =	sadd.s32 $0x60, s7;
	s29 =	sadd.s32 $0x70, s7;
	[dreg:$0x11] =	wrdreg s25  }
0xe: {  	s4 =	sshll.u32 s2, $0x6;
	s2 =	ssub.s32 $0x2, s2;
	[dreg:$0x12] =	wrdreg s26  }
0xf: {  	[dreg:$0x13] =	wrdreg s0;
	s23 =	sadd.s32 $0x30, s7;
	s24 =	sadd.s32 $0x40, s7  }
0x10: {  	s26 =	sadd.s32 $0x50, s7;
	s25 =	simm.s32 $0x5100;
	s5 =	sor.u32 s4, s3  }
0x11: {  	s0 =	simm.s32 $0x1;
	s14 =	sshrl.u32 s2, $0x1;
	s4 =	sor.u32 $0x800, s5  }
0x12: {  	s2 =	ssub.s32 s2, s14;
	s15 =	sshrl.u32 s5, $0x3;
	s17 =	sshll.u32 s5, $0x7  }
0x13: {  	[dreg:$0x5] =	wrdreg s4;
	s4 =	sshrl.u32 s4, $0x3;
	s3 =	sadd.s32 s6, s15  }
0x14: {  	s18 =	sadd.s32 s8, s17;
	s21 =	sadd.s32 s17, s20;
	s30 =	smax.u32 s2, $0x1  }
0x15: {  	s8 =	simm.s32 $0x400;
	s15 =	simm.s32 $0xB;
	[dreg:$0x6] =	wrdreg s3  }
0x16: {  	s20 =	simm.s32 $0x8;
	s16 =	sadd.s32 s6, s4;
	[dreg:$0x8] =	wrdreg s18  }
0x17: {  	s4 =	sadd.s32 s17, s19;
	[dreg:$0xc] =	wrdreg s21;
	s3 =	sadd.s32 s17, s22  }
0x18: {  	s21 =	sadd.s32 $0x20, s7;
	[dreg:$0x14] =	wrdreg s30;
	s6 =	simm.s32 $0x7  }
0x19: {  	s7 =	simm.s32 $0x2;
	s17 =	simm.s32 $0x6;
	[dreg:$0x7] =	wrdreg s16  }
0x1a: {  	v1 =	vlaneseq.u32;
	s18 =	simm.s32 $0xD;
	s22 =	simm.s32 $0xF;
	[dreg:$0xb] =	wrdreg s4  }
0x1b: {  	v0 =	vimm.s32 $0x0;
	vm0 =	vmmov $0xffff;
	v1 =	vmul.u32 $0x8, v1;
	[dreg:$0xe] =	wrdreg s3;
	s16 =	simm.s32 $0x5;
	s4 =	simm.s32 $0x0  }
.LBB2_1:
0x1c: {  	[dreg:$0x15] =	wrdreg s4  }
0x1d: {  	s2 =	simm.s32 $0x0;
	s3 =	rddreg [dreg:$0x6];
	s14 =	simm.s32 $0x11  }
0x1e: {  	[tilespmem:s2], [sflag:$0x11] =	stream.linear.gather [hbm4b:s3+s2], $0x40, $0x38;
	[tilespmem:$0xA100] =	vst v63  }
0x1f: {  	_ =	swait.ge [sflag:s14], $0x40  }
0x20: {  	[sflag:s14] =	ssyncset.done $0x0  }
0x21: {  	s19 =	rddreg [dreg:$0x7];
	[sflag:s14] =	ssyncadd.s32 $0xFFFFFFC0  }
0x22: {  	[tilespmem:s31], [sflag:$0x11] =	stream.linear.gather [hbm4b:s19+s2], $0x40, $0x38;
	[tilespmem:$0xA100] =	vst v63  }
0x23: {  	_ =	swait.ge [sflag:s14], $0x40  }
0x24: {  	[sflag:s14] =	ssyncset.done $0x0  }
0x25: {  	[sflag:s14] =	ssyncadd.s32 $0xFFFFFFC0  }
0x26: {  	v2 =	vld.msk [tilespmem:$0x0], $0x1;
	_ =	sdelay $0x4  }
0x27: {  	v3 =	vshll.u32 v2, $0x4  }
0x28: {  	v2 =	vand.u32 $0x7, v2;
	v3 =	vand.u32 $0xFFFFFF80, v3  }
0x29: {  	v2 =	vor.u32 v2, v3  }
0x2a: {  	v2 =	vperm.xlane v2, v0;
	_ =	sdelay $0x1  }
0x2b: {  	v2 =	vadd.s32 v1, v2;
	_ =	sdelay $0x3  }
0x2c: {  	s9 =	simm.s32 $0x100  }
0x2d: {  	[tilespmem:s9], [sflag:$0x1] =	stream.indirect_vreg.gather [hbm4b:s1+s2], $0x80, v2, vm0, $0xb8;
	[tilespmem:$0xA100] =	vst v63  }
0x2e: {  	v2 =	vld.msk [tilespmem:$0x80], $0x1;
	_ =	sdelay $0x4  }
0x2f: {  	v3 =	vshll.u32 v2, $0x4  }
0x30: {  	v2 =	vand.u32 $0x7, v2;
	v3 =	vand.u32 $0xFFFFFF80, v3  }
0x31: {  	v2 =	vor.u32 v2, v3  }
0x32: {  	v2 =	vperm.xlane v2, v0;
	_ =	sdelay $0x1  }
0x33: {  	v2 =	vadd.s32 v1, v2;
	_ =	sdelay $0x3  }
0x34: {  	s13 =	simm.s32 $0x900  }
0x35: {  	[tilespmem:s13], [sflag:$0x1] =	stream.indirect_vreg.gather [hbm4b:s1+s2], $0x80, v2, vm0, $0xb8;
	[tilespmem:$0xA100] =	vst v63  }
0x36: {  	s19 =	simm.s32 $0x1100;
	s14 =	rddreg [dreg:$0x8]  }
0x37: {  	[tilespmem:s19], [sflag:$0x1] =	stream.strided.gather [hbm4b:s14+s31], $0x400, s8, s31, $0x38;
	[tilespmem:$0xA100] =	vst v63  }
0x38: {  	v2 =	vld.msk [tilespmem:$0x1], $0x1;
	_ =	sdelay $0x4  }
0x39: {  	v3 =	vshll.u32 v2, $0x4  }
0x3a: {  	v2 =	vand.u32 $0x7, v2;
	v3 =	vand.u32 $0xFFFFFF80, v3  }
0x3b: {  	v2 =	vor.u32 v2, v3  }
0x3c: {  	v2 =	vperm.xlane v2, v0;
	_ =	sdelay $0x1  }
0x3d: {  	v2 =	vadd.s32 v1, v2;
	_ =	sdelay $0x3  }
0x3e: {  	s9 =	simm.s32 $0x1500  }
0x3f: {  	[tilespmem:s9], [sflag:$0x3] =	stream.indirect_vreg.gather [hbm4b:s1+s2], $0x80, v2, vm0, $0xb8;
	[tilespmem:$0xA100] =	vst v63  }
0x40: {  	v2 =	vld.msk [tilespmem:$0x81], $0x1;
	_ =	sdelay $0x4  }
0x41: {  	v3 =	vshll.u32 v2, $0x4  }
0x42: {  	v2 =	vand.u32 $0x7, v2;
	v3 =	vand.u32 $0xFFFFFF80, v3  }
0x43: {  	v2 =	vor.u32 v2, v3  }
0x44: {  	v2 =	vperm.xlane v2, v0;
	_ =	sdelay $0x1  }
0x45: {  	v2 =	vadd.s32 v1, v2;
	_ =	sdelay $0x3  }
0x46: {  	s13 =	simm.s32 $0x1D00  }
0x47: {  	[tilespmem:s13], [sflag:$0x3] =	stream.indirect_vreg.gather [hbm4b:s1+s2], $0x80, v2, vm0, $0xb8;
	[tilespmem:$0xA100] =	vst v63  }
0x48: {  	s14 =	rddreg [dreg:$0xb];
	s19 =	simm.s32 $0x2500  }
0x49: {  	[tilespmem:s19], [sflag:$0x3] =	stream.strided.gather [hbm4b:s14+s31], $0x400, s8, s31, $0x38;
	[tilespmem:$0xA100] =	vst v63  }
0x4a: {  	v2 =	vld.msk [tilespmem:$0x2], $0x1;
	_ =	sdelay $0x4  }
0x4b: {  	v3 =	vshll.u32 v2, $0x4  }
0x4c: {  	v2 =	vand.u32 $0x7, v2;
	v3 =	vand.u32 $0xFFFFFF80, v3  }
0x4d: {  	v2 =	vor.u32 v2, v3  }
0x4e: {  	v2 =	vperm.xlane v2, v0;
	_ =	sdelay $0x1  }
0x4f: {  	v2 =	vadd.s32 v1, v2;
	_ =	sdelay $0x3  }
0x50: {  	s9 =	simm.s32 $0x2900  }
0x51: {  	[tilespmem:s9], [sflag:$0x5] =	stream.indirect_vreg.gather [hbm4b:s1+s2], $0x80, v2, vm0, $0xb8;
	[tilespmem:$0xA100] =	vst v63  }
0x52: {  	v2 =	vld.msk [tilespmem:$0x82], $0x1;
	_ =	sdelay $0x4  }
0x53: {  	v3 =	vshll.u32 v2, $0x4  }
0x54: {  	v2 =	vand.u32 $0x7, v2;
	v3 =	vand.u32 $0xFFFFFF80, v3  }
0x55: {  	v2 =	vor.u32 v2, v3  }
0x56: {  	v2 =	vperm.xlane v2, v0;
	_ =	sdelay $0x1  }
0x57: {  	v2 =	vadd.s32 v1, v2;
	_ =	sdelay $0x3  }
0x58: {  	s13 =	simm.s32 $0x3100  }
0x59: {  	[tilespmem:s13], [sflag:$0x5] =	stream.indirect_vreg.gather [hbm4b:s1+s2], $0x80, v2, vm0, $0xb8;
	[tilespmem:$0xA100] =	vst v63  }
0x5a: {  	s14 =	rddreg [dreg:$0xc];
	s19 =	simm.s32 $0x3900  }
0x5b: {  	[tilespmem:s19], [sflag:$0x5] =	stream.strided.gather [hbm4b:s14+s31], $0x400, s8, s31, $0x38;
	[tilespmem:$0xA100] =	vst v63  }
0x5c: {  	v2 =	vld.msk [tilespmem:$0x3], $0x1;
	_ =	sdelay $0x4  }
0x5d: {  	v3 =	vshll.u32 v2, $0x4  }
0x5e: {  	v2 =	vand.u32 $0x7, v2;
	v3 =	vand.u32 $0xFFFFFF80, v3  }
0x5f: {  	v2 =	vor.u32 v2, v3  }
0x60: {  	v2 =	vperm.xlane v2, v0;
	_ =	sdelay $0x1  }
0x61: {  	v2 =	vadd.s32 v1, v2;
	_ =	sdelay $0x3  }
0x62: {  	s9 =	simm.s32 $0x3D00  }
0x63: {  	[tilespmem:s9], [sflag:$0x7] =	stream.indirect_vreg.gather [hbm4b:s1+s2], $0x80, v2, vm0, $0xb8;
	[tilespmem:$0xA100] =	vst v63  }
0x64: {  	v2 =	vld.msk [tilespmem:$0x83], $0x1;
	_ =	sdelay $0x4  }
0x65: {  	v3 =	vshll.u32 v2, $0x4  }
0x66: {  	v2 =	vand.u32 $0x7, v2;
	v3 =	vand.u32 $0xFFFFFF80, v3  }
0x67: {  	v2 =	vor.u32 v2, v3  }
0x68: {  	v2 =	vperm.xlane v2, v0;
	_ =	sdelay $0x1  }
0x69: {  	v2 =	vadd.s32 v1, v2;
	_ =	sdelay $0x3  }
0x6a: {  	s13 =	simm.s32 $0x4500  }
0x6b: {  	[tilespmem:s13], [sflag:$0x7] =	stream.indirect_vreg.gather [hbm4b:s1+s2], $0x80, v2, vm0, $0xb8;
	[tilespmem:$0xA100] =	vst v63  }
0x6c: {  	s30 =	simm.s32 $0x0;
	s14 =	rddreg [dreg:$0xe];
	s19 =	simm.s32 $0x4D00  }
0x6d: {  	[tilespmem:s19], [sflag:$0x7] =	stream.strided.gather [hbm4b:s14+s31], $0x400, s8, s31, $0x38;
	[tilespmem:$0xA100] =	vst v63  }
.LBB2_2:
0x6e: {  	p0 =	seq.s32 s30, $0x0  }
0x6f: {  	s2 =	simm.s32 @!p0 $0xA  }
0x70: {  	_ =	swait.ge @!p0 [sflag:s2], $0x800  }
0x71: {  	[sflag:s2] =	ssyncset.done @!p0 $0x0  }
0x72: {  	[sflag:s2] =	ssyncadd.s32 @!p0 $0xFFFFF800  }
0x73: {  	_ =	swait.ge @!p0 [sflag:s2], $0x800  }
0x74: {  	s4 =	sshll.u32 s30, $0x3;
	[sflag:s2] =	ssyncset.done @!p0 $0x0  }
0x75: {  	s14 =	sor.u32 $0x4, s4;
	[sflag:s2] =	ssyncadd.s32 @!p0 $0xFFFFF800  }
0x76: {  	v2 =	vld.msk [tilespmem:s14+$0x0], $0x1;
	_ =	sdelay $0x4  }
0x77: {  	v3 =	vshll.u32 v2, $0x4  }
0x78: {  	v2 =	vand.u32 $0x7, v2;
	v3 =	vand.u32 $0xFFFFFF80, v3  }
0x79: {  	v2 =	vor.u32 v2, v3  }
0x7a: {  	v2 =	vperm.xlane v2, v0;
	_ =	sdelay $0x1  }
0x7b: {  	v2 =	vadd.s32 v1, v2;
	_ =	sdelay $0x3  }
0x7c: {  	s3 =	simm.s32 $0x0  }
0x7d: {  	[tilespmem:s25], [sflag:$0x9] =	stream.indirect_vreg.gather [hbm4b:s1+s3], $0x80, v2, vm0, $0xb8;
	[tilespmem:$0xA100] =	vst v63  }
0x7e: {  	v2 =	vld.msk [tilespmem:s4+$0x84], $0x1;
	_ =	sdelay $0x4  }
0x7f: {  	v3 =	vshll.u32 v2, $0x4  }
0x80: {  	v2 =	vand.u32 $0x7, v2;
	v3 =	vand.u32 $0xFFFFFF80, v3  }
0x81: {  	v2 =	vor.u32 v2, v3  }
0x82: {  	v2 =	vperm.xlane v2, v0;
	_ =	sdelay $0x1  }
0x83: {  	v2 =	vadd.s32 v1, v2;
	_ =	sdelay $0x2  }
0x84: {  	s9 =	sor.u32 s5, s4  }
0x85: {  	s19 =	simm.s32 $0x5900;
	s13 =	sshll.u32 s9, $0x7;
	s25 =	rddreg [dreg:$0xf]  }
0x86: {  	[tilespmem:s19], [sflag:$0x9] =	stream.indirect_vreg.gather [hbm4b:s1+s3], $0x80, v2, vm0, $0xb8;
	[tilespmem:$0xA100] =	vst v63  }
0x87: {  	s14 =	simm.s32 $0x6100;
	s2 =	sadd.s32 s13, s25  }
0x88: {  	[tilespmem:s14], [sflag:$0x9] =	stream.strided.gather [hbm4b:s2+s31], $0x400, s8, s31, $0x38;
	[tilespmem:$0xA100] =	vst v63  }
0x89: {  	_ =	swait.ge [sflag:s0], $0x800  }
0x8a: {  	[sflag:s0] =	ssyncset.done $0x0  }
0x8b: {  	[sflag:s0] =	ssyncadd.s32 $0xFFFFF800  }
0x8c: {  	_ =	swait.ge [sflag:s0], $0x800  }
0x8d: {  	[sflag:s0] =	ssyncset.done $0x0  }
0x8e: {  	[sflag:s0] =	ssyncadd.s32 $0xFFFFF800  }
0x8f: {  	_ =	swait.ge [sflag:s0], $0x400  }
0x90: {  	[sflag:s0] =	ssyncset.done $0x0  }
0x91: {  	s14 =	simm.s32 $0x1100;
	[sflag:s0] =	ssyncadd.s32 $0xFFFFFC00  }
0x92: {  	s25 =	simm.s32 $0x80;
	v2 =	vld [tilespmem:s14+$0x0]  }
.LBB2_3:
0x93: {  	p1 =	sne.s32 s25, $0x1F80;
	_ =	sdelay $0x3  }
0x94: {  	s2 =	sshra.s32 s3, $0x2;
	s3 =	smov.u32 s25;
	v3 =	vshll.u32 v2, $0x10;
	v2 =	vand.u32 $0xFFFF0000, v2  }
.Ltmp0:
0x95: {  	[tilespmem:s2+$0x100] =	vst.add.f32.msk $0xffff, v3;
	(pc) =	sbr.rel @p1 .LBB2_3-.Ltmp0, $4  }
0x96: {  	[tilespmem:s2+$0x900] =	vst.add.f32.msk $0xffff, v3  }
0x97: {  	[tilespmem:s2+$0x110] =	vst.add.f32.msk $0xffff, v2  }
0x98: {  	s14 =	sadd.s32 $0x10, s14;
	[tilespmem:s2+$0x910] =	vst.add.f32.msk $0xffff, v2  }
0x99: {  	s25 =	sadd.s32 $0x80, s25;
	v2 =	vld [tilespmem:s14+$0x0]  }
0x9a: {  	_ =	sdelay $0x3  }
0x9b: {  	s2 =	sshra.s32 s3, $0x2;
	v3 =	vshll.u32 v2, $0x10  }
0x9c: {  	[tilespmem:s2+$0x100] =	vst.add.f32.msk $0xffff, v3  }
0x9d: {  	s19 =	rddreg [dreg:$0x5];
	v2 =	vand.u32 $0xFFFF0000, v2;
	[tilespmem:s2+$0x900] =	vst.add.f32.msk $0xffff, v3  }
0x9e: {  	s3 =	sshll.u32 s9, $0x8;
	s14 =	rddreg [dreg:$0x2];
	[tilespmem:s2+$0x110] =	vst.add.f32.msk $0xffff, v2  }
0x9f: {  	s9 =	sadd.s32 s14, s3;
	[tilespmem:s2+$0x910] =	vst.add.f32.msk $0xffff, v2;
	s2 =	sadd.s32 s19, s4;
	s19 =	simm.s32 $0x100  }
0xa0: {  	[hbm4b:s9+s31] =	stream.strided.scatter [tilespmem:s19], [sflag:$0x2], $0x800, s8, s31, $0x38;
	[tilespmem:$0xA100] =	vst v63  }
0xa1: {  	s2 =	sshll.u32 s2, $0x8  }
0xa2: {  	s9 =	sand.u32 $0x1FFFF800, s2  }
0xa3: {  	s25 =	simm.s32 $0x900;
	s2 =	sadd.s32 s14, s9  }
0xa4: {  	[hbm4b:s2+s31] =	stream.strided.scatter [tilespmem:s25], [sflag:$0x2], $0x800, s8, s31, $0x38;
	[tilespmem:$0xA100] =	vst v63  }
0xa5: {  	s2 =	simm.s32 @!p0 $0xC  }
0xa6: {  	_ =	swait.ge @!p0 [sflag:s2], $0x800  }
0xa7: {  	[sflag:s2] =	ssyncset.done @!p0 $0x0  }
0xa8: {  	[sflag:s2] =	ssyncadd.s32 @!p0 $0xFFFFF800  }
0xa9: {  	_ =	swait.ge @!p0 [sflag:s2], $0x800  }
0xaa: {  	[sflag:s2] =	ssyncset.done @!p0 $0x0  }
0xab: {  	s14 =	sor.u32 $0x5, s4;
	[sflag:s2] =	ssyncadd.s32 @!p0 $0xFFFFF800  }
0xac: {  	v2 =	vld.msk [tilespmem:s14+$0x0], $0x1;
	_ =	sdelay $0x4  }
0xad: {  	v3 =	vshll.u32 v2, $0x4  }
0xae: {  	v2 =	vand.u32 $0x7, v2;
	v3 =	vand.u32 $0xFFFFFF80, v3  }
0xaf: {  	v2 =	vor.u32 v2, v3  }
0xb0: {  	v2 =	vperm.xlane v2, v0;
	_ =	sdelay $0x1  }
0xb1: {  	v2 =	vadd.s32 v1, v2;
	_ =	sdelay $0x3  }
0xb2: {  	s19 =	simm.s32 $0x6500;
	s14 =	simm.s32 $0x0  }
0xb3: {  	[tilespmem:s19], [sflag:$0xB] =	stream.indirect_vreg.gather [hbm4b:s1+s14], $0x80, v2, vm0, $0xb8;
	[tilespmem:$0xA100] =	vst v63  }
0xb4: {  	v2 =	vld.msk [tilespmem:s4+$0x85], $0x1;
	_ =	sdelay $0x4  }
0xb5: {  	v3 =	vshll.u32 v2, $0x4  }
0xb6: {  	v2 =	vand.u32 $0x7, v2;
	v3 =	vand.u32 $0xFFFFFF80, v3  }
0xb7: {  	v2 =	vor.u32 v2, v3  }
0xb8: {  	v2 =	vperm.xlane v2, v0;
	_ =	sdelay $0x1  }
0xb9: {  	v2 =	vadd.s32 v1, v2;
	_ =	sdelay $0x3  }
0xba: {  	s25 =	simm.s32 $0x6D00;
	s19 =	rddreg [dreg:$0x10]  }
0xbb: {  	[tilespmem:s25], [sflag:$0xB] =	stream.indirect_vreg.gather [hbm4b:s1+s14], $0x80, v2, vm0, $0xb8;
	[tilespmem:$0xA100] =	vst v63  }
0xbc: {  	s2 =	sadd.s32 s13, s19;
	s25 =	simm.s32 $0x7500  }
0xbd: {  	[tilespmem:s25], [sflag:$0xB] =	stream.strided.gather [hbm4b:s2+s31], $0x400, s8, s31, $0x38;
	[tilespmem:$0xA100] =	vst v63  }
0xbe: {  	_ =	swait.ge [sflag:s10], $0x800  }
0xbf: {  	[sflag:s10] =	ssyncset.done $0x0  }
0xc0: {  	[sflag:s10] =	ssyncadd.s32 $0xFFFFF800  }
0xc1: {  	_ =	swait.ge [sflag:s10], $0x800  }
0xc2: {  	[sflag:s10] =	ssyncset.done $0x0  }
0xc3: {  	[sflag:s10] =	ssyncadd.s32 $0xFFFFF800  }
0xc4: {  	_ =	swait.ge [sflag:s10], $0x400  }
0xc5: {  	[sflag:s10] =	ssyncset.done $0x0  }
0xc6: {  	s25 =	simm.s32 $0x2500;
	[sflag:s10] =	ssyncadd.s32 $0xFFFFFC00  }
0xc7: {  	s2 =	simm.s32 $0x80;
	v2 =	vld [tilespmem:s25+$0x0]  }
.LBB2_5:
0xc8: {  	p1 =	sne.s32 s2, $0x1F80;
	_ =	sdelay $0x3  }
0xc9: {  	s19 =	sshra.s32 s14, $0x2;
	s14 =	smov.u32 s2;
	v3 =	vshll.u32 v2, $0x10;
	v2 =	vand.u32 $0xFFFF0000, v2  }
.Ltmp1:
0xca: {  	[tilespmem:s19+$0x1500] =	vst.add.f32.msk $0xffff, v3;
	(pc) =	sbr.rel @p1 .LBB2_5-.Ltmp1, $4  }
0xcb: {  	[tilespmem:s19+$0x1D00] =	vst.add.f32.msk $0xffff, v3  }
0xcc: {  	[tilespmem:s19+$0x1510] =	vst.add.f32.msk $0xffff, v2  }
0xcd: {  	s25 =	sadd.s32 $0x10, s25;
	[tilespmem:s19+$0x1D10] =	vst.add.f32.msk $0xffff, v2  }
0xce: {  	s2 =	sadd.s32 $0x80, s2;
	v2 =	vld [tilespmem:s25+$0x0]  }
0xcf: {  	_ =	sdelay $0x3  }
0xd0: {  	s2 =	sshra.s32 s14, $0x2;
	v3 =	vshll.u32 v2, $0x10  }
0xd1: {  	[tilespmem:s2+$0x1500] =	vst.add.f32.msk $0xffff, v3  }
0xd2: {  	v2 =	vand.u32 $0xFFFF0000, v2;
	[tilespmem:s2+$0x1D00] =	vst.add.f32.msk $0xffff, v3  }
0xd3: {  	s14 =	rddreg [dreg:$0x11];
	[tilespmem:s2+$0x1510] =	vst.add.f32.msk $0xffff, v2  }
0xd4: {  	s19 =	simm.s32 $0x1500;
	s25 =	sadd.s32 s3, s14;
	[tilespmem:s2+$0x1D10] =	vst.add.f32.msk $0xffff, v2  }
0xd5: {  	[hbm4b:s25+s31] =	stream.strided.scatter [tilespmem:s19], [sflag:$0x4], $0x800, s8, s31, $0x38;
	[tilespmem:$0xA100] =	vst v63  }
0xd6: {  	s2 =	simm.s32 @!p0 $0xE;
	s19 =	sadd.s32 s9, s14;
	s25 =	simm.s32 $0x1D00  }
0xd7: {  	[hbm4b:s19+s31] =	stream.strided.scatter [tilespmem:s25], [sflag:$0x4], $0x800, s8, s31, $0x38;
	[tilespmem:$0xA100] =	vst v63  }
0xd8: {  	_ =	swait.ge @!p0 [sflag:s2], $0x800  }
0xd9: {  	[sflag:s2] =	ssyncset.done @!p0 $0x0  }
0xda: {  	[sflag:s2] =	ssyncadd.s32 @!p0 $0xFFFFF800  }
0xdb: {  	_ =	swait.ge @!p0 [sflag:s2], $0x800  }
0xdc: {  	[sflag:s2] =	ssyncset.done @!p0 $0x0  }
0xdd: {  	s14 =	sor.u32 $0x6, s4;
	[sflag:s2] =	ssyncadd.s32 @!p0 $0xFFFFF800  }
0xde: {  	v2 =	vld.msk [tilespmem:s14+$0x0], $0x1;
	_ =	sdelay $0x4  }
0xdf: {  	v3 =	vshll.u32 v2, $0x4  }
0xe0: {  	v2 =	vand.u32 $0x7, v2;
	v3 =	vand.u32 $0xFFFFFF80, v3  }
0xe1: {  	v2 =	vor.u32 v2, v3  }
0xe2: {  	v2 =	vperm.xlane v2, v0;
	_ =	sdelay $0x1  }
0xe3: {  	v2 =	vadd.s32 v1, v2;
	_ =	sdelay $0x3  }
0xe4: {  	s19 =	simm.s32 $0x7900;
	s14 =	simm.s32 $0x0  }
0xe5: {  	[tilespmem:s19], [sflag:$0xD] =	stream.indirect_vreg.gather [hbm4b:s1+s14], $0x80, v2, vm0, $0xb8;
	[tilespmem:$0xA100] =	vst v63  }
0xe6: {  	v2 =	vld.msk [tilespmem:s4+$0x86], $0x1;
	_ =	sdelay $0x4  }
0xe7: {  	v3 =	vshll.u32 v2, $0x4  }
0xe8: {  	v2 =	vand.u32 $0x7, v2;
	v3 =	vand.u32 $0xFFFFFF80, v3  }
0xe9: {  	v2 =	vor.u32 v2, v3  }
0xea: {  	v2 =	vperm.xlane v2, v0;
	_ =	sdelay $0x1  }
0xeb: {  	v2 =	vadd.s32 v1, v2;
	_ =	sdelay $0x3  }
0xec: {  	s25 =	simm.s32 $0x8100;
	s19 =	rddreg [dreg:$0x12]  }
0xed: {  	[tilespmem:s25], [sflag:$0xD] =	stream.indirect_vreg.gather [hbm4b:s1+s14], $0x80, v2, vm0, $0xb8;
	[tilespmem:$0xA100] =	vst v63  }
0xee: {  	s2 =	sadd.s32 s13, s19;
	s25 =	simm.s32 $0x8900  }
0xef: {  	[tilespmem:s25], [sflag:$0xD] =	stream.strided.gather [hbm4b:s2+s31], $0x400, s8, s31, $0x38;
	[tilespmem:$0xA100] =	vst v63  }
0xf0: {  	_ =	swait.ge [sflag:s16], $0x800  }
0xf1: {  	[sflag:s16] =	ssyncset.done $0x0  }
0xf2: {  	[sflag:s16] =	ssyncadd.s32 $0xFFFFF800  }
0xf3: {  	_ =	swait.ge [sflag:s16], $0x800  }
0xf4: {  	[sflag:s16] =	ssyncset.done $0x0  }
0xf5: {  	[sflag:s16] =	ssyncadd.s32 $0xFFFFF800  }
0xf6: {  	_ =	swait.ge [sflag:s16], $0x400  }
0xf7: {  	[sflag:s16] =	ssyncset.done $0x0  }
0xf8: {  	s25 =	simm.s32 $0x3900;
	[sflag:s16] =	ssyncadd.s32 $0xFFFFFC00  }
0xf9: {  	s2 =	simm.s32 $0x80;
	v2 =	vld [tilespmem:s25+$0x0]  }
.LBB2_7:
0xfa: {  	p1 =	sne.s32 s2, $0x1F80;
	_ =	sdelay $0x3  }
0xfb: {  	s19 =	sshra.s32 s14, $0x2;
	s14 =	smov.u32 s2;
	v3 =	vshll.u32 v2, $0x10;
	v2 =	vand.u32 $0xFFFF0000, v2  }
.Ltmp2:
0xfc: {  	[tilespmem:s19+$0x2900] =	vst.add.f32.msk $0xffff, v3;
	(pc) =	sbr.rel @p1 .LBB2_7-.Ltmp2, $4  }
0xfd: {  	[tilespmem:s19+$0x3100] =	vst.add.f32.msk $0xffff, v3  }
0xfe: {  	[tilespmem:s19+$0x2910] =	vst.add.f32.msk $0xffff, v2  }
0xff: {  	s25 =	sadd.s32 $0x10, s25;
	[tilespmem:s19+$0x3110] =	vst.add.f32.msk $0xffff, v2  }
0x100: {  	s2 =	sadd.s32 $0x80, s2;
	v2 =	vld [tilespmem:s25+$0x0]  }
0x101: {  	_ =	sdelay $0x3  }
0x102: {  	s2 =	sshra.s32 s14, $0x2;
	v3 =	vshll.u32 v2, $0x10  }
0x103: {  	[tilespmem:s2+$0x2900] =	vst.add.f32.msk $0xffff, v3  }
0x104: {  	v2 =	vand.u32 $0xFFFF0000, v2;
	[tilespmem:s2+$0x3100] =	vst.add.f32.msk $0xffff, v3  }
0x105: {  	[tilespmem:s2+$0x2910] =	vst.add.f32.msk $0xffff, v2  }
0x106: {  	s19 =	sadd.s32 s3, s21;
	s25 =	simm.s32 $0x2900;
	[tilespmem:s2+$0x3110] =	vst.add.f32.msk $0xffff, v2  }
0x107: {  	[hbm4b:s19+s31] =	stream.strided.scatter [tilespmem:s25], [sflag:$0x6], $0x800, s8, s31, $0x38;
	[tilespmem:$0xA100] =	vst v63  }
0x108: {  	s2 =	simm.s32 @!p0 $0x10;
	s19 =	sadd.s32 s9, s21;
	s25 =	simm.s32 $0x3100  }
0x109: {  	[hbm4b:s19+s31] =	stream.strided.scatter [tilespmem:s25], [sflag:$0x6], $0x800, s8, s31, $0x38;
	[tilespmem:$0xA100] =	vst v63  }
0x10a: {  	_ =	swait.ge @!p0 [sflag:s2], $0x800  }
0x10b: {  	[sflag:s2] =	ssyncset.done @!p0 $0x0  }
0x10c: {  	[sflag:s2] =	ssyncadd.s32 @!p0 $0xFFFFF800  }
0x10d: {  	_ =	swait.ge @!p0 [sflag:s2], $0x800  }
0x10e: {  	[sflag:s2] =	ssyncset.done @!p0 $0x0  }
0x10f: {  	[sflag:s2] =	ssyncadd.s32 @!p0 $0xFFFFF800  }
0x110: {  	v2 =	vld.msk [tilespmem:s4+$0x7], $0x1;
	_ =	sdelay $0x4  }
0x111: {  	v3 =	vshll.u32 v2, $0x4  }
0x112: {  	v2 =	vand.u32 $0x7, v2;
	v3 =	vand.u32 $0xFFFFFF80, v3  }
0x113: {  	v2 =	vor.u32 v2, v3  }
0x114: {  	v2 =	vperm.xlane v2, v0;
	_ =	sdelay $0x1  }
0x115: {  	v2 =	vadd.s32 v1, v2;
	_ =	sdelay $0x3  }
0x116: {  	s14 =	simm.s32 $0x0;
	s19 =	simm.s32 $0x8D00  }
0x117: {  	[tilespmem:s19], [sflag:$0xF] =	stream.indirect_vreg.gather [hbm4b:s1+s14], $0x80, v2, vm0, $0xb8;
	[tilespmem:$0xA100] =	vst v63  }
0x118: {  	v2 =	vld.msk [tilespmem:s4+$0x87], $0x1;
	_ =	sdelay $0x4  }
0x119: {  	v3 =	vshll.u32 v2, $0x4  }
0x11a: {  	v2 =	vand.u32 $0x7, v2;
	v3 =	vand.u32 $0xFFFFFF80, v3  }
0x11b: {  	v2 =	vor.u32 v2, v3  }
0x11c: {  	v2 =	vperm.xlane v2, v0;
	_ =	sdelay $0x1  }
0x11d: {  	v2 =	vadd.s32 v1, v2;
	_ =	sdelay $0x3  }
0x11e: {  	s25 =	simm.s32 $0x9500;
	s19 =	rddreg [dreg:$0x13]  }
0x11f: {  	[tilespmem:s25], [sflag:$0xF] =	stream.indirect_vreg.gather [hbm4b:s1+s14], $0x80, v2, vm0, $0xb8;
	[tilespmem:$0xA100] =	vst v63  }
0x120: {  	s2 =	sadd.s32 s13, s19;
	s25 =	simm.s32 $0x9D00  }
0x121: {  	[tilespmem:s25], [sflag:$0xF] =	stream.strided.gather [hbm4b:s2+s31], $0x400, s8, s31, $0x38;
	[tilespmem:$0xA100] =	vst v63  }
0x122: {  	_ =	swait.ge [sflag:s6], $0x800  }
0x123: {  	[sflag:s6] =	ssyncset.done $0x0  }
0x124: {  	[sflag:s6] =	ssyncadd.s32 $0xFFFFF800  }
0x125: {  	_ =	swait.ge [sflag:s6], $0x800  }
0x126: {  	[sflag:s6] =	ssyncset.done $0x0  }
0x127: {  	[sflag:s6] =	ssyncadd.s32 $0xFFFFF800  }
0x128: {  	_ =	swait.ge [sflag:s6], $0x400  }
0x129: {  	[sflag:s6] =	ssyncset.done $0x0  }
0x12a: {  	s13 =	simm.s32 $0x4D00;
	[sflag:s6] =	ssyncadd.s32 $0xFFFFFC00  }
0x12b: {  	s2 =	simm.s32 $0x80;
	v2 =	vld [tilespmem:s13+$0x0]  }
.LBB2_9:
0x12c: {  	p0 =	sne.s32 s2, $0x1F80;
	_ =	sdelay $0x3  }
0x12d: {  	s19 =	sshra.s32 s14, $0x2;
	s14 =	smov.u32 s2;
	v3 =	vshll.u32 v2, $0x10;
	v2 =	vand.u32 $0xFFFF0000, v2  }
.Ltmp3:
0x12e: {  	[tilespmem:s19+$0x3D00] =	vst.add.f32.msk $0xffff, v3;
	(pc) =	sbr.rel @p0 .LBB2_9-.Ltmp3, $4  }
0x12f: {  	[tilespmem:s19+$0x4500] =	vst.add.f32.msk $0xffff, v3  }
0x130: {  	[tilespmem:s19+$0x3D10] =	vst.add.f32.msk $0xffff, v2  }
0x131: {  	s13 =	sadd.s32 $0x10, s13;
	[tilespmem:s19+$0x4510] =	vst.add.f32.msk $0xffff, v2  }
0x132: {  	s2 =	sadd.s32 $0x80, s2;
	v2 =	vld [tilespmem:s13+$0x0]  }
0x133: {  	_ =	sdelay $0x3  }
0x134: {  	s2 =	sshra.s32 s14, $0x2;
	v3 =	vshll.u32 v2, $0x10  }
0x135: {  	[tilespmem:s2+$0x3D00] =	vst.add.f32.msk $0xffff, v3  }
0x136: {  	v2 =	vand.u32 $0xFFFF0000, v2;
	[tilespmem:s2+$0x4500] =	vst.add.f32.msk $0xffff, v3  }
0x137: {  	[tilespmem:s2+$0x3D10] =	vst.add.f32.msk $0xffff, v2  }
0x138: {  	s14 =	sadd.s32 s3, s23;
	s13 =	simm.s32 $0x3D00;
	[tilespmem:s2+$0x4510] =	vst.add.f32.msk $0xffff, v2  }
0x139: {  	[hbm4b:s14+s31] =	stream.strided.scatter [tilespmem:s13], [sflag:$0x8], $0x800, s8, s31, $0x38;
	[tilespmem:$0xA100] =	vst v63  }
0x13a: {  	s19 =	sadd.s32 s9, s23;
	s25 =	simm.s32 $0x4500  }
0x13b: {  	[hbm4b:s19+s31] =	stream.strided.scatter [tilespmem:s25], [sflag:$0x8], $0x800, s8, s31, $0x38;
	[tilespmem:$0xA100] =	vst v63  }
0x13c: {  	_ =	swait.ge [sflag:s7], $0x800  }
0x13d: {  	[sflag:s7] =	ssyncset.done $0x0  }
0x13e: {  	[sflag:s7] =	ssyncadd.s32 $0xFFFFF800  }
0x13f: {  	_ =	swait.ge [sflag:s7], $0x800  }
0x140: {  	[sflag:s7] =	ssyncset.done $0x0  }
0x141: {  	p0 =	seq.s32 s30, $0x7;
	[sflag:s7] =	ssyncadd.s32 $0xFFFFF800  }
0x142: {  	v2 =	vld.msk @!p0 [tilespmem:s4+$0x8], $0x1;
	_ =	sdelay $0x4  }
0x143: {  	v3 =	vshll.u32 @!p0 v2, $0x4  }
0x144: {  	v2 =	vand.u32 @!p0 $0x7, v2;
	v3 =	vand.u32 @!p0 $0xFFFFFF80, v3  }
0x145: {  	v4 =	vlaneseq.u32 @!p0;
	v2 =	vor.u32 @!p0 v2, v3;
	v3 =	vimm.s32 @!p0 $0x0  }
0x146: {  	v4 =	vmul.u32 @!p0 $0x8, v4;
	v2 =	vperm.xlane @!p0 v2, v3;
	_ =	sdelay $0x1  }
0x147: {  	v2 =	vadd.s32 @!p0 v4, v2;
	_ =	sdelay $0x3  }
0x148: {  	vm1 =	vmmov @!p0 $0xffff;
	s2 =	simm.s32 @!p0 $0x0;
	s13 =	simm.s32 @!p0 $0x100  }
0x149: {  	[tilespmem:s13], [sflag:$0x1] =	stream.indirect_vreg.gather @!p0 [hbm4b:s1+s2], $0x80, v2, vm1, $0xb8;
	[tilespmem:$0xA100] =	vst v63  }
0x14a: {  	v2 =	vld.msk @!p0 [tilespmem:s4+$0x88], $0x1;
	_ =	sdelay $0x4  }
0x14b: {  	v5 =	vshll.u32 @!p0 v2, $0x4  }
0x14c: {  	v2 =	vand.u32 @!p0 $0x7, v2;
	v5 =	vand.u32 @!p0 $0xFFFFFF80, v5  }
0x14d: {  	v2 =	vor.u32 @!p0 v2, v5  }
0x14e: {  	v2 =	vperm.xlane @!p0 v2, v3;
	_ =	sdelay $0x1  }
0x14f: {  	v2 =	vadd.s32 @!p0 v4, v2;
	_ =	sdelay $0x3  }
0x150: {  	s14 =	simm.s32 @!p0 $0x900;
	s13 =	sadd.s32 @!p0 $0x8, s4  }
0x151: {  	[tilespmem:s14], [sflag:$0x1] =	stream.indirect_vreg.gather @!p0 [hbm4b:s1+s2], $0x80, v2, vm1, $0xb8;
	[tilespmem:$0xA100] =	vst v63  }
0x152: {  	s2 =	sadd.s32 @!p0 s5, s13  }
0x153: {  	s19 =	simm.s32 @!p0 $0x1100;
	s13 =	rddreg [dreg:$0x4];
	s2 =	sshll.u32 @!p0 s2, $0x7  }
0x154: {  	s14 =	simm.s32 @!p0 $0x400;
	s2 =	sadd.s32 @!p0 s13, s2;
	s13 =	simm.s32 @!p0 $0x80  }
0x155: {  	[tilespmem:s19], [sflag:$0x1] =	stream.strided.gather @!p0 [hbm4b:s2+s13], $0x400, s14, s13, $0x38;
	[tilespmem:$0xA100] =	vst v63  }
0x156: {  	_ =	swait.ge [sflag:s11], $0x800  }
0x157: {  	[sflag:s11] =	ssyncset.done $0x0  }
0x158: {  	[sflag:s11] =	ssyncadd.s32 $0xFFFFF800  }
0x159: {  	_ =	swait.ge [sflag:s11], $0x800  }
0x15a: {  	[sflag:s11] =	ssyncset.done $0x0  }
0x15b: {  	[sflag:s11] =	ssyncadd.s32 $0xFFFFF800  }
0x15c: {  	_ =	swait.ge [sflag:s11], $0x400  }
0x15d: {  	[sflag:s11] =	ssyncset.done $0x0  }
0x15e: {  	s14 =	simm.s32 $0x6100;
	[sflag:s11] =	ssyncadd.s32 $0xFFFFFC00  }
0x15f: {  	s25 =	simm.s32 $0x5100;
	s13 =	simm.s32 $0x0;
	s2 =	simm.s32 $0x80;
	v2 =	vld [tilespmem:s14+$0x0]  }
.LBB2_11:
0x160: {  	p1 =	sne.s32 s2, $0x1F80;
	_ =	sdelay $0x3  }
0x161: {  	s19 =	sshra.s32 s13, $0x2;
	s13 =	smov.u32 s2;
	v3 =	vshll.u32 v2, $0x10;
	v2 =	vand.u32 $0xFFFF0000, v2  }
.Ltmp4:
0x162: {  	[tilespmem:s19+$0x5100] =	vst.add.f32.msk $0xffff, v3;
	(pc) =	sbr.rel @p1 .LBB2_11-.Ltmp4, $4  }
0x163: {  	[tilespmem:s19+$0x5900] =	vst.add.f32.msk $0xffff, v3  }
0x164: {  	[tilespmem:s19+$0x5110] =	vst.add.f32.msk $0xffff, v2  }
0x165: {  	s14 =	sadd.s32 $0x10, s14;
	[tilespmem:s19+$0x5910] =	vst.add.f32.msk $0xffff, v2  }
0x166: {  	s2 =	sadd.s32 $0x80, s2;
	v2 =	vld [tilespmem:s14+$0x0]  }
0x167: {  	_ =	sdelay $0x3  }
0x168: {  	s2 =	sshra.s32 s13, $0x2;
	v3 =	vshll.u32 v2, $0x10  }
0x169: {  	[tilespmem:s2+$0x5100] =	vst.add.f32.msk $0xffff, v3  }
0x16a: {  	v2 =	vand.u32 $0xFFFF0000, v2;
	[tilespmem:s2+$0x5900] =	vst.add.f32.msk $0xffff, v3  }
0x16b: {  	[tilespmem:s2+$0x5110] =	vst.add.f32.msk $0xffff, v2  }
0x16c: {  	s13 =	sadd.s32 s3, s24;
	[tilespmem:s2+$0x5910] =	vst.add.f32.msk $0xffff, v2  }
0x16d: {  	[hbm4b:s13+s31] =	stream.strided.scatter [tilespmem:s25], [sflag:$0xA], $0x800, s8, s31, $0x38;
	[tilespmem:$0xA100] =	vst v63  }
0x16e: {  	s14 =	sadd.s32 s9, s24;
	s19 =	simm.s32 $0x5900  }
0x16f: {  	[hbm4b:s14+s31] =	stream.strided.scatter [tilespmem:s19], [sflag:$0xA], $0x800, s8, s31, $0x38;
	[tilespmem:$0xA100] =	vst v63  }
0x170: {  	_ =	swait.ge [sflag:s12], $0x800  }
0x171: {  	[sflag:s12] =	ssyncset.done $0x0  }
0x172: {  	[sflag:s12] =	ssyncadd.s32 $0xFFFFF800  }
0x173: {  	_ =	swait.ge [sflag:s12], $0x800  }
0x174: {  	[sflag:s12] =	ssyncset.done $0x0  }
0x175: {  	[sflag:s12] =	ssyncadd.s32 $0xFFFFF800  }
0x176: {  	v2 =	vld.msk @!p0 [tilespmem:s4+$0x9], $0x1;
	_ =	sdelay $0x4  }
0x177: {  	v3 =	vshll.u32 @!p0 v2, $0x4  }
0x178: {  	v2 =	vand.u32 @!p0 $0x7, v2;
	v3 =	vand.u32 @!p0 $0xFFFFFF80, v3  }
0x179: {  	v4 =	vlaneseq.u32 @!p0;
	v2 =	vor.u32 @!p0 v2, v3;
	v3 =	vimm.s32 @!p0 $0x0  }
0x17a: {  	v4 =	vmul.u32 @!p0 $0x8, v4;
	v2 =	vperm.xlane @!p0 v2, v3;
	_ =	sdelay $0x1  }
0x17b: {  	v2 =	vadd.s32 @!p0 v4, v2;
	_ =	sdelay $0x3  }
0x17c: {  	s2 =	simm.s32 @!p0 $0x0;
	s13 =	simm.s32 @!p0 $0x1500  }
0x17d: {  	[tilespmem:s13], [sflag:$0x3] =	stream.indirect_vreg.gather @!p0 [hbm4b:s1+s2], $0x80, v2, vm1, $0xb8;
	[tilespmem:$0xA100] =	vst v63  }
0x17e: {  	v2 =	vld.msk @!p0 [tilespmem:s4+$0x89], $0x1;
	_ =	sdelay $0x4  }
0x17f: {  	v5 =	vshll.u32 @!p0 v2, $0x4  }
0x180: {  	v2 =	vand.u32 @!p0 $0x7, v2;
	v5 =	vand.u32 @!p0 $0xFFFFFF80, v5  }
0x181: {  	v2 =	vor.u32 @!p0 v2, v5  }
0x182: {  	v2 =	vperm.xlane @!p0 v2, v3;
	_ =	sdelay $0x1  }
0x183: {  	v2 =	vadd.s32 @!p0 v4, v2;
	_ =	sdelay $0x3  }
0x184: {  	s14 =	simm.s32 @!p0 $0x1D00;
	s13 =	sadd.s32 @!p0 $0x9, s4  }
0x185: {  	[tilespmem:s14], [sflag:$0x3] =	stream.indirect_vreg.gather @!p0 [hbm4b:s1+s2], $0x80, v2, vm1, $0xb8;
	[tilespmem:$0xA100] =	vst v63  }
0x186: {  	s2 =	sadd.s32 @!p0 s5, s13  }
0x187: {  	s2 =	sshll.u32 @!p0 s2, $0x7  }
0x188: {  	s19 =	simm.s32 @!p0 $0x2500;
	s13 =	rddreg [dreg:$0x9];
	s2 =	sand.u32 @!p0 $0x7FC00, s2  }
0x189: {  	s14 =	simm.s32 @!p0 $0x400;
	s2 =	sadd.s32 @!p0 s2, s13;
	s13 =	simm.s32 @!p0 $0x80  }
0x18a: {  	[tilespmem:s19], [sflag:$0x3] =	stream.strided.gather @!p0 [hbm4b:s2+s13], $0x400, s14, s13, $0x38;
	[tilespmem:$0xA100] =	vst v63  }
0x18b: {  	_ =	swait.ge [sflag:s15], $0x800  }
0x18c: {  	[sflag:s15] =	ssyncset.done $0x0  }
0x18d: {  	[sflag:s15] =	ssyncadd.s32 $0xFFFFF800  }
0x18e: {  	_ =	swait.ge [sflag:s15], $0x800  }
0x18f: {  	[sflag:s15] =	ssyncset.done $0x0  }
0x190: {  	[sflag:s15] =	ssyncadd.s32 $0xFFFFF800  }
0x191: {  	_ =	swait.ge [sflag:s15], $0x400  }
0x192: {  	[sflag:s15] =	ssyncset.done $0x0  }
0x193: {  	s14 =	simm.s32 $0x7500;
	[sflag:s15] =	ssyncadd.s32 $0xFFFFFC00  }
0x194: {  	s13 =	simm.s32 $0x0;
	s2 =	simm.s32 $0x80;
	v2 =	vld [tilespmem:s14+$0x0]  }
.LBB2_13:
0x195: {  	p1 =	sne.s32 s2, $0x1F80;
	_ =	sdelay $0x3  }
0x196: {  	s19 =	sshra.s32 s13, $0x2;
	s13 =	smov.u32 s2;
	v3 =	vshll.u32 v2, $0x10;
	v2 =	vand.u32 $0xFFFF0000, v2  }
.Ltmp5:
0x197: {  	[tilespmem:s19+$0x6500] =	vst.add.f32.msk $0xffff, v3;
	(pc) =	sbr.rel @p1 .LBB2_13-.Ltmp5, $4  }
0x198: {  	[tilespmem:s19+$0x6D00] =	vst.add.f32.msk $0xffff, v3  }
0x199: {  	[tilespmem:s19+$0x6510] =	vst.add.f32.msk $0xffff, v2  }
0x19a: {  	s14 =	sadd.s32 $0x10, s14;
	[tilespmem:s19+$0x6D10] =	vst.add.f32.msk $0xffff, v2  }
0x19b: {  	s2 =	sadd.s32 $0x80, s2;
	v2 =	vld [tilespmem:s14+$0x0]  }
0x19c: {  	_ =	sdelay $0x3  }
0x19d: {  	s2 =	sshra.s32 s13, $0x2;
	v3 =	vshll.u32 v2, $0x10  }
0x19e: {  	[tilespmem:s2+$0x6500] =	vst.add.f32.msk $0xffff, v3  }
0x19f: {  	v2 =	vand.u32 $0xFFFF0000, v2;
	[tilespmem:s2+$0x6D00] =	vst.add.f32.msk $0xffff, v3  }
0x1a0: {  	[tilespmem:s2+$0x6510] =	vst.add.f32.msk $0xffff, v2  }
0x1a1: {  	s14 =	sadd.s32 s3, s26;
	s19 =	simm.s32 $0x6500;
	[tilespmem:s2+$0x6D10] =	vst.add.f32.msk $0xffff, v2  }
0x1a2: {  	[hbm4b:s14+s31] =	stream.strided.scatter [tilespmem:s19], [sflag:$0xC], $0x800, s8, s31, $0x38;
	[tilespmem:$0xA100] =	vst v63  }
0x1a3: {  	s14 =	sadd.s32 s9, s26;
	s19 =	simm.s32 $0x6D00  }
0x1a4: {  	[hbm4b:s14+s31] =	stream.strided.scatter [tilespmem:s19], [sflag:$0xC], $0x800, s8, s31, $0x38;
	[tilespmem:$0xA100] =	vst v63  }
0x1a5: {  	_ =	swait.ge [sflag:s17], $0x800  }
0x1a6: {  	[sflag:s17] =	ssyncset.done $0x0  }
0x1a7: {  	[sflag:s17] =	ssyncadd.s32 $0xFFFFF800  }
0x1a8: {  	_ =	swait.ge [sflag:s17], $0x800  }
0x1a9: {  	[sflag:s17] =	ssyncset.done $0x0  }
0x1aa: {  	[sflag:s17] =	ssyncadd.s32 $0xFFFFF800  }
0x1ab: {  	v2 =	vld.msk @!p0 [tilespmem:s4+$0xA], $0x1;
	_ =	sdelay $0x4  }
0x1ac: {  	v3 =	vshll.u32 @!p0 v2, $0x4  }
0x1ad: {  	v2 =	vand.u32 @!p0 $0x7, v2;
	v3 =	vand.u32 @!p0 $0xFFFFFF80, v3  }
0x1ae: {  	v4 =	vlaneseq.u32 @!p0;
	v2 =	vor.u32 @!p0 v2, v3;
	v3 =	vimm.s32 @!p0 $0x0  }
0x1af: {  	v4 =	vmul.u32 @!p0 $0x8, v4;
	v2 =	vperm.xlane @!p0 v2, v3;
	_ =	sdelay $0x1  }
0x1b0: {  	v2 =	vadd.s32 @!p0 v4, v2;
	_ =	sdelay $0x3  }
0x1b1: {  	s13 =	simm.s32 @!p0 $0x2900;
	s2 =	simm.s32 @!p0 $0x0  }
0x1b2: {  	[tilespmem:s13], [sflag:$0x5] =	stream.indirect_vreg.gather @!p0 [hbm4b:s1+s2], $0x80, v2, vm1, $0xb8;
	[tilespmem:$0xA100] =	vst v63  }
0x1b3: {  	v2 =	vld.msk @!p0 [tilespmem:s4+$0x8A], $0x1;
	_ =	sdelay $0x4  }
0x1b4: {  	v5 =	vshll.u32 @!p0 v2, $0x4  }
0x1b5: {  	v2 =	vand.u32 @!p0 $0x7, v2;
	v5 =	vand.u32 @!p0 $0xFFFFFF80, v5  }
0x1b6: {  	v2 =	vor.u32 @!p0 v2, v5  }
0x1b7: {  	v2 =	vperm.xlane @!p0 v2, v3;
	_ =	sdelay $0x1  }
0x1b8: {  	v2 =	vadd.s32 @!p0 v4, v2;
	_ =	sdelay $0x3  }
0x1b9: {  	s14 =	simm.s32 @!p0 $0x3100;
	s13 =	sadd.s32 @!p0 $0xA, s4  }
0x1ba: {  	[tilespmem:s14], [sflag:$0x5] =	stream.indirect_vreg.gather @!p0 [hbm4b:s1+s2], $0x80, v2, vm1, $0xb8;
	[tilespmem:$0xA100] =	vst v63  }
0x1bb: {  	s2 =	sadd.s32 @!p0 s5, s13  }
0x1bc: {  	s2 =	sshll.u32 @!p0 s2, $0x7  }
0x1bd: {  	s19 =	simm.s32 @!p0 $0x3900;
	s13 =	rddreg [dreg:$0xa];
	s2 =	sand.u32 @!p0 $0x7FC00, s2  }
0x1be: {  	s14 =	simm.s32 @!p0 $0x400;
	s2 =	sadd.s32 @!p0 s2, s13;
	s13 =	simm.s32 @!p0 $0x80  }
0x1bf: {  	[tilespmem:s19], [sflag:$0x5] =	stream.strided.gather @!p0 [hbm4b:s2+s13], $0x400, s14, s13, $0x38;
	[tilespmem:$0xA100] =	vst v63  }
0x1c0: {  	_ =	swait.ge [sflag:s18], $0x800  }
0x1c1: {  	[sflag:s18] =	ssyncset.done $0x0  }
0x1c2: {  	[sflag:s18] =	ssyncadd.s32 $0xFFFFF800  }
0x1c3: {  	_ =	swait.ge [sflag:s18], $0x800  }
0x1c4: {  	[sflag:s18] =	ssyncset.done $0x0  }
0x1c5: {  	[sflag:s18] =	ssyncadd.s32 $0xFFFFF800  }
0x1c6: {  	_ =	swait.ge [sflag:s18], $0x400  }
0x1c7: {  	[sflag:s18] =	ssyncset.done $0x0  }
0x1c8: {  	s14 =	simm.s32 $0x8900;
	[sflag:s18] =	ssyncadd.s32 $0xFFFFFC00  }
0x1c9: {  	s13 =	simm.s32 $0x0;
	s2 =	simm.s32 $0x80;
	v2 =	vld [tilespmem:s14+$0x0]  }
.LBB2_15:
0x1ca: {  	p1 =	sne.s32 s2, $0x1F80;
	_ =	sdelay $0x3  }
0x1cb: {  	s19 =	sshra.s32 s13, $0x2;
	s13 =	smov.u32 s2;
	v3 =	vshll.u32 v2, $0x10;
	v2 =	vand.u32 $0xFFFF0000, v2  }
.Ltmp6:
0x1cc: {  	[tilespmem:s19+$0x7900] =	vst.add.f32.msk $0xffff, v3;
	(pc) =	sbr.rel @p1 .LBB2_15-.Ltmp6, $4  }
0x1cd: {  	[tilespmem:s19+$0x8100] =	vst.add.f32.msk $0xffff, v3  }
0x1ce: {  	[tilespmem:s19+$0x7910] =	vst.add.f32.msk $0xffff, v2  }
0x1cf: {  	s14 =	sadd.s32 $0x10, s14;
	[tilespmem:s19+$0x8110] =	vst.add.f32.msk $0xffff, v2  }
0x1d0: {  	s2 =	sadd.s32 $0x80, s2;
	v2 =	vld [tilespmem:s14+$0x0]  }
0x1d1: {  	_ =	sdelay $0x3  }
0x1d2: {  	s2 =	sshra.s32 s13, $0x2;
	v3 =	vshll.u32 v2, $0x10  }
0x1d3: {  	[tilespmem:s2+$0x7900] =	vst.add.f32.msk $0xffff, v3  }
0x1d4: {  	v2 =	vand.u32 $0xFFFF0000, v2;
	[tilespmem:s2+$0x8100] =	vst.add.f32.msk $0xffff, v3  }
0x1d5: {  	[tilespmem:s2+$0x7910] =	vst.add.f32.msk $0xffff, v2  }
0x1d6: {  	s14 =	sadd.s32 s3, s28;
	s19 =	simm.s32 $0x7900;
	[tilespmem:s2+$0x8110] =	vst.add.f32.msk $0xffff, v2  }
0x1d7: {  	[hbm4b:s14+s31] =	stream.strided.scatter [tilespmem:s19], [sflag:$0xE], $0x800, s8, s31, $0x38;
	[tilespmem:$0xA100] =	vst v63  }
0x1d8: {  	s14 =	sadd.s32 s9, s28;
	s19 =	simm.s32 $0x8100  }
0x1d9: {  	[hbm4b:s14+s31] =	stream.strided.scatter [tilespmem:s19], [sflag:$0xE], $0x800, s8, s31, $0x38;
	[tilespmem:$0xA100] =	vst v63  }
0x1da: {  	_ =	swait.ge [sflag:s20], $0x800  }
0x1db: {  	[sflag:s20] =	ssyncset.done $0x0  }
0x1dc: {  	[sflag:s20] =	ssyncadd.s32 $0xFFFFF800  }
0x1dd: {  	_ =	swait.ge [sflag:s20], $0x800  }
0x1de: {  	[sflag:s20] =	ssyncset.done $0x0  }
0x1df: {  	[sflag:s20] =	ssyncadd.s32 $0xFFFFF800  }
0x1e0: {  	v2 =	vld.msk @!p0 [tilespmem:s4+$0xB], $0x1;
	_ =	sdelay $0x4  }
0x1e1: {  	v3 =	vshll.u32 @!p0 v2, $0x4  }
0x1e2: {  	v2 =	vand.u32 @!p0 $0x7, v2;
	v3 =	vand.u32 @!p0 $0xFFFFFF80, v3  }
0x1e3: {  	v4 =	vlaneseq.u32 @!p0;
	v2 =	vor.u32 @!p0 v2, v3;
	v3 =	vimm.s32 @!p0 $0x0  }
0x1e4: {  	v4 =	vmul.u32 @!p0 $0x8, v4;
	v2 =	vperm.xlane @!p0 v2, v3;
	_ =	sdelay $0x1  }
0x1e5: {  	v2 =	vadd.s32 @!p0 v4, v2;
	_ =	sdelay $0x3  }
0x1e6: {  	s13 =	simm.s32 @!p0 $0x3D00;
	s2 =	simm.s32 @!p0 $0x0  }
0x1e7: {  	[tilespmem:s13], [sflag:$0x7] =	stream.indirect_vreg.gather @!p0 [hbm4b:s1+s2], $0x80, v2, vm1, $0xb8;
	[tilespmem:$0xA100] =	vst v63  }
0x1e8: {  	v2 =	vld.msk @!p0 [tilespmem:s4+$0x8B], $0x1;
	_ =	sdelay $0x4  }
0x1e9: {  	v5 =	vshll.u32 @!p0 v2, $0x4  }
0x1ea: {  	v2 =	vand.u32 @!p0 $0x7, v2;
	v5 =	vand.u32 @!p0 $0xFFFFFF80, v5  }
0x1eb: {  	v2 =	vor.u32 @!p0 v2, v5  }
0x1ec: {  	v2 =	vperm.xlane @!p0 v2, v3;
	_ =	sdelay $0x1  }
0x1ed: {  	v2 =	vadd.s32 @!p0 v4, v2;
	_ =	sdelay $0x3  }
0x1ee: {  	s13 =	simm.s32 @!p0 $0x4500;
	s4 =	sadd.s32 @!p0 $0xB, s4  }
0x1ef: {  	[tilespmem:s13], [sflag:$0x7] =	stream.indirect_vreg.gather @!p0 [hbm4b:s1+s2], $0x80, v2, vm1, $0xb8;
	[tilespmem:$0xA100] =	vst v63  }
0x1f0: {  	s2 =	sadd.s32 @!p0 s5, s4  }
0x1f1: {  	s2 =	sshll.u32 @!p0 s2, $0x7  }
0x1f2: {  	s14 =	simm.s32 @!p0 $0x4D00;
	s4 =	rddreg [dreg:$0xd];
	s2 =	sand.u32 @!p0 $0x7FC00, s2  }
0x1f3: {  	s13 =	simm.s32 @!p0 $0x400;
	s2 =	sadd.s32 @!p0 s2, s4;
	s4 =	simm.s32 @!p0 $0x80  }
0x1f4: {  	[tilespmem:s14], [sflag:$0x7] =	stream.strided.gather @!p0 [hbm4b:s2+s4], $0x400, s13, s4, $0x38;
	[tilespmem:$0xA100] =	vst v63  }
0x1f5: {  	_ =	swait.ge [sflag:s22], $0x800  }
0x1f6: {  	[sflag:s22] =	ssyncset.done $0x0  }
0x1f7: {  	[sflag:s22] =	ssyncadd.s32 $0xFFFFF800  }
0x1f8: {  	_ =	swait.ge [sflag:s22], $0x800  }
0x1f9: {  	[sflag:s22] =	ssyncset.done $0x0  }
0x1fa: {  	[sflag:s22] =	ssyncadd.s32 $0xFFFFF800  }
0x1fb: {  	_ =	swait.ge [sflag:s22], $0x400  }
0x1fc: {  	[sflag:s22] =	ssyncset.done $0x0  }
0x1fd: {  	s13 =	simm.s32 $0x9D00;
	[sflag:s22] =	ssyncadd.s32 $0xFFFFFC00  }
0x1fe: {  	s4 =	simm.s32 $0x0;
	s2 =	simm.s32 $0x80;
	v2 =	vld [tilespmem:s13+$0x0]  }
.LBB2_17:
0x1ff: {  	p0 =	sne.s32 s2, $0x1F80;
	_ =	sdelay $0x3  }
0x200: {  	s14 =	sshra.s32 s4, $0x2;
	s4 =	smov.u32 s2;
	v3 =	vshll.u32 v2, $0x10;
	v2 =	vand.u32 $0xFFFF0000, v2  }
.Ltmp7:
0x201: {  	[tilespmem:s14+$0x8D00] =	vst.add.f32.msk $0xffff, v3;
	(pc) =	sbr.rel @p0 .LBB2_17-.Ltmp7, $4  }
0x202: {  	[tilespmem:s14+$0x9500] =	vst.add.f32.msk $0xffff, v3  }
0x203: {  	[tilespmem:s14+$0x8D10] =	vst.add.f32.msk $0xffff, v2  }
0x204: {  	s13 =	sadd.s32 $0x10, s13;
	[tilespmem:s14+$0x9510] =	vst.add.f32.msk $0xffff, v2  }
0x205: {  	s2 =	sadd.s32 $0x80, s2;
	v2 =	vld [tilespmem:s13+$0x0]  }
0x206: {  	_ =	sdelay $0x3  }
0x207: {  	s2 =	sshra.s32 s4, $0x2;
	v3 =	vshll.u32 v2, $0x10  }
0x208: {  	s30 =	sadd.s32 $0x1, s30;
	[tilespmem:s2+$0x8D00] =	vst.add.f32.msk $0xffff, v3  }
0x209: {  	p0 =	sne.s32 s30, $0x8;
	v2 =	vand.u32 $0xFFFF0000, v2;
	[tilespmem:s2+$0x9500] =	vst.add.f32.msk $0xffff, v3  }
.Ltmp8:
0x20a: {  	[tilespmem:s2+$0x8D10] =	vst.add.f32.msk $0xffff, v2;
	(pc) =	sbr.rel @p0 .LBB2_2-.Ltmp8, $4  }
0x20b: {  	s4 =	sadd.s32 s3, s29;
	s13 =	simm.s32 $0x8D00;
	[tilespmem:s2+$0x9510] =	vst.add.f32.msk $0xffff, v2  }
0x20c: {  	[hbm4b:s4+s31] =	stream.strided.scatter [tilespmem:s13], [sflag:$0x10], $0x800, s8, s31, $0x38;
	[tilespmem:$0xA100] =	vst v63  }
0x20d: {  	s14 =	sadd.s32 s9, s29;
	s19 =	simm.s32 $0x9500  }
0x20e: {  	[hbm4b:s14+s31] =	stream.strided.scatter [tilespmem:s19], [sflag:$0x10], $0x800, s8, s31, $0x38;
	[tilespmem:$0xA100] =	vst v63  }
0x20f: {  	s2 =	simm.s32 $0xA  }
0x210: {  	_ =	swait.ge [sflag:s2], $0x800  }
0x211: {  	[sflag:s2] =	ssyncset.done $0x0  }
0x212: {  	[sflag:s2] =	ssyncadd.s32 $0xFFFFF800  }
0x213: {  	_ =	swait.ge [sflag:s2], $0x800  }
0x214: {  	[sflag:s2] =	ssyncset.done $0x0  }
0x215: {  	s14 =	simm.s32 $0xC;
	[sflag:s2] =	ssyncadd.s32 $0xFFFFF800  }
0x216: {  	_ =	swait.ge [sflag:s14], $0x800  }
0x217: {  	[sflag:s14] =	ssyncset.done $0x0  }
0x218: {  	[sflag:s14] =	ssyncadd.s32 $0xFFFFF800  }
0x219: {  	_ =	swait.ge [sflag:s14], $0x800  }
0x21a: {  	[sflag:s14] =	ssyncset.done $0x0  }
0x21b: {  	s19 =	simm.s32 $0xE;
	[sflag:s14] =	ssyncadd.s32 $0xFFFFF800  }
0x21c: {  	_ =	swait.ge [sflag:s19], $0x800  }
0x21d: {  	[sflag:s19] =	ssyncset.done $0x0  }
0x21e: {  	[sflag:s19] =	ssyncadd.s32 $0xFFFFF800  }
0x21f: {  	_ =	swait.ge [sflag:s19], $0x800  }
0x220: {  	[sflag:s19] =	ssyncset.done $0x0  }
0x221: {  	s3 =	simm.s32 $0x10;
	[sflag:s19] =	ssyncadd.s32 $0xFFFFF800  }
0x222: {  	_ =	swait.ge [sflag:s3], $0x800  }
0x223: {  	[sflag:s3] =	ssyncset.done $0x0  }
0x224: {  	[sflag:s3] =	ssyncadd.s32 $0xFFFFF800  }
0x225: {  	_ =	swait.ge [sflag:s3], $0x800  }
0x226: {  	s4 =	rddreg [dreg:$0x15]  }
0x227: {  	s30 =	rddreg [dreg:$0x14];
	s4 =	sadd.s32 $0x1, s4  }
0x228: {  	p0 =	sne.s32 s4, s30  }
.Ltmp9:
0x229: {  	_ = 	snop;
	(pc) =	sbr.rel @p0 .LBB2_1-.Ltmp9, $3  }
0x22a: {  	_ =	sdelay $0x1  }
0x22b: {  	[sflag:s3] =	ssyncset.done $0x0  }
0x22c: {  	[sflag:s3] =	ssyncadd.s32 $0xFFFFF800  }
0x22d: {  	_ =	sfence.sel $0x180000  }
0x22e: {  	[bflag:$0x0] =	sbarrier.arrive $0xFFFF  }
0x22f: {  	_ =	strace $0x90000047  }
0x230: {  	s0 =	stileid.u32;
	[bflag:$0x2] =	sbarrier.arrive $0xFFFF  }
0x231: {  	p0 =	sne.s32 s0, $0x0;
	s0 =	rddreg [dreg:$0x3]  }
0x232: {  	s0 =	sadd.s32 @!p0 $0x100000, s0  }
0x233: {  	[sflag:s0] =	ssyncadd.tile.s32 @!p0 $0x1;
	_ =	shalt  }
.Lfunc_end2:
_tile_overlayer_lowered:
.L_overlay_start_2:
0x234: {  	(tag) =	ssettag $0x2  }
0x235: {  	s0 =	rddreg [dreg:$0x0];
	s2 =	stileid.u32  }
0x236: {  	s1 =	rddreg [dreg:$0x1];
	p0 =	sne.s32 s2, $0x0  }
0x237: {  	s3 =	rddreg [dreg:$0x2];
	[bflag:$0x3] =	sbarrier.arrive $0xFFFF;
	s2 =	simm.s32 @!p0 $0x1C11  }
0x238: {  	[timem:s3], [sflag:s2] =	dma.local @!p0 [hbm:s0], s1  }
0x239: {  	s0 =	simm.s32 @!p0 $0x11  }
0x23a: {  	_ =	swait.ge @!p0 [sflag:s0], s1  }
0x23b: {  	s1 =	ssub.s32 @!p0 $0x0, s1;
	[sflag:s0] =	ssyncset.done @!p0 $0x0  }
0x23c: {  	[sflag:s0] =	ssyncadd.s32 @!p0 s1  }
0x23d: {  	[bflag:$0x3] =	sbarrier.arrive $0xFFFF  }
0x23e: {  	_ =	shalt  }

</sc_bundles>
